<compile_context>
chip_gen: v7x
topology: tpu7x:2x2x1
jax: 0.10.2.dev20260603
libtpu: 0.0.44.dev20260713+nightly
codegen_flags: <defaults>
</compile_context>

<pallas_src>
import functools

import jax
import jax.numpy as jnp
from jax import lax
from jax.experimental import pallas as pl
from jax.experimental.pallas import tpu as pltpu
from jax.experimental.pallas import tpu_sc as plsc

N_NODES = 10000
N_EDGES = 640000
EDGE_DIM = 16
HIDDEN = 128
NUM_CLASSES = 10
NUM_GRAPHS = 64

NC = 2
NS = 16
NW = NC * NS

CH = 128
BLK = CH
EPC = N_EDGES // NW
NB = EPC // BLK
TAIL = EPC - NB * BLK
N_ACC = 10112
STRIPE = N_ACC // NS

MLP_TILE = 8000
LOOP_TILE = 1264
POOL_TILE = 1264


def _sc_mesh():
    return plsc.VectorSubcoreMesh(core_axis_name="c", subcore_axis_name="s")


@functools.partial(
    pl.kernel,
    mesh=_sc_mesh(),
    out_type=jax.ShapeDtypeStruct((NC, N_ACC, HIDDEN), jnp.float32),
    scratch_types=[
        pltpu.VMEM((CH,), jnp.int32),
        pltpu.VMEM((CH,), jnp.int32),
        pltpu.VMEM((TAIL,), jnp.int32),
        pltpu.VMEM((BLK, EDGE_DIM), jnp.float32),
        pltpu.VMEM((BLK, EDGE_DIM), jnp.float32),
        pltpu.VMEM((BLK, HIDDEN), jnp.float32),
        pltpu.VMEM_SHARED((N_ACC, HIDDEN), jnp.float32),
        pltpu.SemaphoreType.DMA,
        pltpu.SemaphoreType.DMA,
        pltpu.SemaphoreType.DMA,
        pltpu.SemaphoreType.DMA,
    ],
)
def _sc_edge_stats(dst_hbm, ea_hbm, init_hbm, zs_hbm, s_out,
                   idx0, idx1, idxt, attr0, attr1, rows_v, s_acc,
                   si0, si1, sa0, sa1):
    c = lax.axis_index("c")
    s = lax.axis_index("s")
    row0 = s * STRIPE
    pltpu.sync_copy(zs_hbm, s_acc.at[pl.ds(row0, STRIPE)])
    pltpu.sync_copy(init_hbm, rows_v)

    base = (c * NS + s) * EPC

    def start(blk, idx_v, attr_v, sem_i, sem_a):
        off = pl.multiple_of(base + blk * BLK, 8)
        pltpu.make_async_copy(dst_hbm.at[pl.ds(off, CH)], idx_v, sem_i).start()
        pltpu.make_async_copy(ea_hbm.at[pl.ds(off, BLK)], attr_v, sem_a).start()

    def wait(idx_v, attr_v, sem_i, sem_a):
        pltpu.make_async_copy(dst_hbm.at[pl.ds(0, CH)], idx_v, sem_i).wait()
        pltpu.make_async_copy(ea_hbm.at[pl.ds(0, BLK)], attr_v, sem_a).wait()

    def process(idx_v, attr_v):
        def widen(i8, carry2):
            for u in range(8):
                i = i8 * 8 + u
                rows_v[i, pl.ds(0, EDGE_DIM)] = attr_v[i, :]
            return carry2

        lax.fori_loop(0, BLK // 8, widen, 0)
        pltpu.sync_copy(rows_v, s_acc.at[idx_v], add=True)

    start(0, idx0, attr0, si0, sa0)
    start(1, idx1, attr1, si1, sa1)
    plsc.subcore_barrier()

    def body(kk, carry):
        j0 = 2 * kk
        wait(idx0, attr0, si0, sa0)
        process(idx0, attr0)

        @pl.when(j0 + 2 < NB)
        def _():
            start(j0 + 2, idx0, attr0, si0, sa0)

        wait(idx1, attr1, si1, sa1)
        process(idx1, attr1)

        @pl.when(j0 + 3 < NB)
        def _():
            start(j0 + 3, idx1, attr1, si1, sa1)

        return carry

    lax.fori_loop(0, NB // 2, body, 0)

    toff = pl.multiple_of(base + NB * BLK, 8)
    pltpu.sync_copy(dst_hbm.at[pl.ds(toff, TAIL)], idxt)
    pltpu.sync_copy(ea_hbm.at[pl.ds(toff, TAIL)], attr0.at[pl.ds(0, TAIL)])

    def widen_t(i8, carry2):
        for u in range(8):
            i = i8 * 8 + u
            rows_v[i, pl.ds(0, EDGE_DIM)] = attr0[i, :]
        return carry2

    lax.fori_loop(0, TAIL // 8, widen_t, 0)
    pltpu.sync_copy(rows_v.at[pl.ds(0, TAIL)], s_acc.at[idxt], add=True)

    plsc.subcore_barrier()
    pltpu.sync_copy(s_acc.at[pl.ds(row0, STRIPE)], s_out.at[c, pl.ds(row0, STRIPE)])


@functools.partial(
    pl.kernel,
    mesh=_sc_mesh(),
    out_type=jax.ShapeDtypeStruct((NC, N_ACC, HIDDEN), jnp.float32),
    scratch_types=[
        pltpu.VMEM((CH,), jnp.int32),
        pltpu.VMEM((CH,), jnp.int32),
        pltpu.VMEM((TAIL,), jnp.int32),
        pltpu.VMEM((BLK, HIDDEN), jnp.float32),
        pltpu.VMEM((BLK, HIDDEN), jnp.float32),
        pltpu.VMEM_SHARED((N_ACC, HIDDEN), jnp.float32),
        pltpu.SemaphoreType.DMA,
        pltpu.SemaphoreType.DMA,
        pltpu.SemaphoreType.DMA,
        pltpu.SemaphoreType.DMA,
    ],
)
def _sc_scatter_msg(dst_hbm, msg_hbm, zs_hbm, n_out,
                    idx0, idx1, idxt, rows0, rows1, acc,
                    si0, si1, sr0, sr1):
    c = lax.axis_index("c")
    s = lax.axis_index("s")
    row0 = s * STRIPE
    pltpu.sync_copy(zs_hbm, acc.at[pl.ds(row0, STRIPE)])

    base = (c * NS + s) * EPC

    def start(blk, idx_v, rows_v, sem_i, sem_r):
        off = pl.multiple_of(base + blk * BLK, 8)
        pltpu.make_async_copy(dst_hbm.at[pl.ds(off, CH)], idx_v, sem_i).start()
        pltpu.make_async_copy(msg_hbm.at[pl.ds(off, BLK)], rows_v, sem_r).start()

    def wait(idx_v, rows_v, sem_i, sem_r):
        pltpu.make_async_copy(dst_hbm.at[pl.ds(0, CH)], idx_v, sem_i).wait()
        pltpu.make_async_copy(msg_hbm.at[pl.ds(0, BLK)], rows_v, sem_r).wait()

    def scatter(idx_v, rows_v):
        pltpu.sync_copy(rows_v, acc.at[idx_v], add=True)

    start(0, idx0, rows0, si0, sr0)
    start(1, idx1, rows1, si1, sr1)
    plsc.subcore_barrier()

    def body(kk, carry):
        j0 = 2 * kk
        wait(idx0, rows0, si0, sr0)
        scatter(idx0, rows0)

        @pl.when(j0 + 2 < NB)
        def _():
            start(j0 + 2, idx0, rows0, si0, sr0)

        wait(idx1, rows1, si1, sr1)
        scatter(idx1, rows1)

        @pl.when(j0 + 3 < NB)
        def _():
            start(j0 + 3, idx1, rows1, si1, sr1)

        return carry

    lax.fori_loop(0, NB // 2, body, 0)

    toff = pl.multiple_of(base + NB * BLK, 8)
    pltpu.sync_copy(dst_hbm.at[pl.ds(toff, TAIL)], idxt)
    pltpu.sync_copy(msg_hbm.at[pl.ds(toff, TAIL)], rows0.at[pl.ds(0, TAIL)])
    pltpu.sync_copy(rows0.at[pl.ds(0, TAIL)], acc.at[idxt], add=True)

    plsc.subcore_barrier()
    pltpu.sync_copy(acc.at[pl.ds(row0, STRIPE)], n_out.at[c, pl.ds(row0, STRIPE)])


def _mlp(x, w1, b1, w2, b2, w3, b3):
    h = jnp.maximum(jnp.dot(x, w1, preferred_element_type=jnp.float32) + b1, 0.0)
    h = jnp.maximum(jnp.dot(h, w2, preferred_element_type=jnp.float32) + b2, 0.0)
    return jnp.dot(h, w3, preferred_element_type=jnp.float32) + b3


def _edge_mlp_body(ea_ref, w1_ref, b1_ref, w2_ref, b2_ref, w3_ref, b3_ref, out_ref):
    out_ref[...] = _mlp(ea_ref[...], w1_ref[...], b1_ref[...], w2_ref[...],
                        b2_ref[...], w3_ref[...], b3_ref[...])


def _loop_mlp_body(st_ref, w1_ref, b1_ref, w2_ref, b2_ref, w3_ref, b3_ref,
                   out_ref):
    st = st_ref[0] + st_ref[1]
    ssum = st[:, 0:EDGE_DIM]
    deg = st[:, EDGE_DIM:EDGE_DIM + 1]
    ea = ssum / jnp.maximum(deg, 1.0)
    out_ref[...] = _mlp(ea, w1_ref[...], b1_ref[...], w2_ref[...],
                        b2_ref[...], w3_ref[...], b3_ref[...])


def _pool_head_body(p_ref, sm_ref, batch_ref, wc1_ref, bc1_ref, wc2_ref, bc2_ref,
                    out_ref, g_ref):
    i = pl.program_id(0)

    @pl.when(i == 0)
    def _():
        g_ref[...] = jnp.full((NUM_GRAPHS, HIDDEN), -jnp.inf, jnp.float32)

    x = p_ref[0] + p_ref[1] + sm_ref[...]
    b_col = batch_ref[...]
    bmin = b_col[0, 0]
    bmax = b_col[POOL_TILE - 1, 0]
    neg_inf = jnp.float32(-jnp.inf)
    for g in range(NUM_GRAPHS):
        @pl.when((bmin <= g) & (g <= bmax))
        def _(g=g):
            pen = jnp.where(b_col == g, 0.0, neg_inf)
            gmax = jnp.max(x + pen, axis=0, keepdims=True)
            g_ref[pl.ds(g, 1), :] = jnp.maximum(g_ref[pl.ds(g, 1), :], gmax)

    @pl.when(i == N_ACC // POOL_TILE - 1)
    def _():
        g = g_ref[...]
        gh = jnp.maximum(
            jnp.dot(g, wc1_ref[...], preferred_element_type=jnp.float32)
            + bc1_ref[...], 0.0)
        out_ref[...] = (jnp.dot(gh, wc2_ref[...], preferred_element_type=jnp.float32)
                        + bc2_ref[...])


def kernel(edge_index, edge_attr, batch, W1, b1, W2, b2, W3, b3, Wc1, bc1, Wc2, bc2):
    dst = edge_index[1].astype(jnp.int32)
    batch_pad = jnp.concatenate(
        [batch.astype(jnp.int32),
         jnp.full((N_ACC - N_NODES,), NUM_GRAPHS, jnp.int32)])
    batch_col = batch_pad.reshape(N_ACC, 1)

    init_rows = jnp.zeros((BLK, HIDDEN), jnp.float32).at[:, EDGE_DIM].set(1.0)
    zstripe = jnp.zeros((STRIPE, HIDDEN), jnp.float32)

    b1r = b1.reshape(1, HIDDEN)
    b2r = b2.reshape(1, HIDDEN)
    b3r = b3.reshape(1, HIDDEN)
    bc1r = bc1.reshape(1, HIDDEN)
    bc2r = bc2.reshape(1, NUM_CLASSES)

    stats = _sc_edge_stats(dst, edge_attr, init_rows, zstripe)

    msg = pl.pallas_call(
        _edge_mlp_body,
        grid=(N_EDGES // MLP_TILE,),
        in_specs=[
            pl.BlockSpec((MLP_TILE, EDGE_DIM), lambda i: (i, 0)),
            pl.BlockSpec((EDGE_DIM, HIDDEN), lambda i: (0, 0)),
            pl.BlockSpec((1, HIDDEN), lambda i: (0, 0)),
            pl.BlockSpec((HIDDEN, HIDDEN), lambda i: (0, 0)),
            pl.BlockSpec((1, HIDDEN), lambda i: (0, 0)),
            pl.BlockSpec((HIDDEN, HIDDEN), lambda i: (0, 0)),
            pl.BlockSpec((1, HIDDEN), lambda i: (0, 0)),
        ],
        out_specs=pl.BlockSpec((MLP_TILE, HIDDEN), lambda i: (i, 0)),
        out_shape=jax.ShapeDtypeStruct((N_EDGES, HIDDEN), jnp.float32),
    )(edge_attr, W1, b1r, W2, b2r, W3, b3r)

    self_msg = pl.pallas_call(
        _loop_mlp_body,
        grid=(N_ACC // LOOP_TILE,),
        in_specs=[
            pl.BlockSpec((NC, LOOP_TILE, HIDDEN), lambda i: (0, i, 0)),
            pl.BlockSpec((EDGE_DIM, HIDDEN), lambda i: (0, 0)),
            pl.BlockSpec((1, HIDDEN), lambda i: (0, 0)),
            pl.BlockSpec((HIDDEN, HIDDEN), lambda i: (0, 0)),
            pl.BlockSpec((1, HIDDEN), lambda i: (0, 0)),
            pl.BlockSpec((HIDDEN, HIDDEN), lambda i: (0, 0)),
            pl.BlockSpec((1, HIDDEN), lambda i: (0, 0)),
        ],
        out_specs=pl.BlockSpec((LOOP_TILE, HIDDEN), lambda i: (i, 0)),
        out_shape=jax.ShapeDtypeStruct((N_ACC, HIDDEN), jnp.float32),
    )(stats, W1, b1r, W2, b2r, W3, b3r)

    n_parts = _sc_scatter_msg(dst, msg, zstripe)

    logits = pl.pallas_call(
        _pool_head_body,
        grid=(N_ACC // POOL_TILE,),
        in_specs=[
            pl.BlockSpec((NC, POOL_TILE, HIDDEN), lambda i: (0, i, 0)),
            pl.BlockSpec((POOL_TILE, HIDDEN), lambda i: (i, 0)),
            pl.BlockSpec((POOL_TILE, 1), lambda i: (i, 0)),
            pl.BlockSpec((HIDDEN, HIDDEN), lambda i: (0, 0)),
            pl.BlockSpec((1, HIDDEN), lambda i: (0, 0)),
            pl.BlockSpec((HIDDEN, NUM_CLASSES), lambda i: (0, 0)),
            pl.BlockSpec((1, NUM_CLASSES), lambda i: (0, 0)),
        ],
        out_specs=pl.BlockSpec((NUM_GRAPHS, NUM_CLASSES), lambda i: (0, 0)),
        out_shape=jax.ShapeDtypeStruct((NUM_GRAPHS, NUM_CLASSES), jnp.float32),
        scratch_shapes=[pltpu.VMEM((NUM_GRAPHS, HIDDEN), jnp.float32)],
    )(n_parts, self_msg, batch_col, Wc1, bc1r, Wc2, bc2r)

    return logits

# --- scband reference (transcript-rebuilt; emitter-appended) ---
"""Pipeline reference for scband-graph-classifier-20650202759574 (READ-ONLY COPY).

The authoritative reference and input builder live on the scoring server;
editing this copy changes nothing except your own understanding.
"""

import jax, jax.numpy as jnp
import numpy as np

N_NODES = 10000
N_EDGES = 640000
EDGE_DIM = 16
HIDDEN = 128
NUM_CLASSES = 10
NUM_GRAPHS = 64


def setup_inputs(seed: int = 0) -> dict:
    key = jax.random.key(seed)
    ks = jax.random.split(key, 10)
    edge_index = jax.random.randint(ks[0], (2, N_EDGES), 0, N_NODES)
    edge_attr = jax.random.normal(ks[1], (N_EDGES, EDGE_DIM), dtype=jnp.float32)
    batch = jnp.sort(jax.random.randint(ks[2], (N_NODES,), 0, NUM_GRAPHS))

    def lin(k, fan_in, fan_out):
        return jax.random.normal(k, (fan_in, fan_out), dtype=jnp.float32) * (1.0 / np.sqrt(fan_in))

    W1 = lin(ks[3], EDGE_DIM, HIDDEN)
    b1 = jnp.zeros((HIDDEN,), jnp.float32)
    W2 = lin(ks[4], HIDDEN, HIDDEN)
    b2 = jnp.zeros((HIDDEN,), jnp.float32)
    W3 = lin(ks[5], HIDDEN, HIDDEN)
    b3 = jnp.zeros((HIDDEN,), jnp.float32)
    Wc1 = lin(ks[6], HIDDEN, HIDDEN)
    bc1 = jnp.zeros((HIDDEN,), jnp.float32)
    Wc2 = lin(ks[7], HIDDEN, NUM_CLASSES)
    bc2 = jnp.zeros((NUM_CLASSES,), jnp.float32)
    return {
        "edge_index": edge_index,
        "edge_attr": edge_attr,
        "batch": batch,
        "W1": W1, "b1": b1,
        "W2": W2, "b2": b2,
        "W3": W3, "b3": b3,
        "Wc1": Wc1, "bc1": bc1,
        "Wc2": Wc2, "bc2": bc2,
    }


def reference(edge_index, edge_attr, batch, W1, b1, W2, b2, W3, b3, Wc1, bc1, Wc2, bc2):
    N = N_NODES
    src = edge_index[0]
    dst = edge_index[1]
    # add_self_loops with fill_value='mean': self-loop attr = scatter_mean of edge_attr onto dst node
    E = edge_attr.shape[0]
    deg = jax.ops.segment_sum(jnp.ones((E,), jnp.float32), dst, num_segments=N)
    loop_attr = jax.ops.segment_sum(edge_attr, dst, num_segments=N) / jnp.clip(deg, 1.0)[:, None]
    loop_idx = jnp.arange(N, dtype=src.dtype)
    src_full = jnp.concatenate([src, loop_idx], axis=0)
    dst_full = jnp.concatenate([dst, loop_idx], axis=0)
    ea_full = jnp.concatenate([edge_attr, loop_attr], axis=0)
    # edge MLP: Linear-ReLU-Linear-ReLU-Linear (dropout=0)
    h = jnp.maximum(ea_full @ W1 + b1, 0.0)
    h = jnp.maximum(h @ W2 + b2, 0.0)
    msg_e = h @ W3 + b3
    # node features start as zeros[N,1]; message = x_j + edge_attr (broadcast)
    x = jnp.zeros((N, 1), jnp.float32)
    m = x[src_full] + msg_e
    # aggr='sum' scatter into dst nodes
    node_out = jax.ops.segment_sum(m, dst_full, num_segments=N)
    # global_max_pool over graphs in the batch
    g = jax.ops.segment_max(node_out, batch, num_segments=NUM_GRAPHS)
    # classifier head
    gh = jnp.maximum(g @ Wc1 + bc1, 0.0)
    logits = gh @ Wc2 + bc2
    return logits

if __name__ == "__main__":
    import jax
    _d = setup_inputs()
    print(jax.jit(kernel)(*tuple(_d.values())))

</pallas_src>

<mosaic_0001>
#map = affine_map<(d0, d1) -> (0)>
#map1 = affine_map<(d0, d1) -> (0, 0)>
#map2 = affine_map<(d0, d1) -> (0, 0, 0)>
module attributes {stable_mosaic.version = 14 : i64} {
  func.func @_sc_scatter_msg(%arg0: i32, %arg1: i32, %arg2: memref<640000xi32, #tpu.memory_space<hbm>>, %arg3: memref<640000x128xf32, #tpu.memory_space<hbm>>, %arg4: memref<632x128xf32, #tpu.memory_space<hbm>>, %arg5: memref<2x10112x128xf32, #tpu.memory_space<hbm>>, %arg6: memref<128xi32, #tpu.memory_space<vmem>>, %arg7: memref<128xi32, #tpu.memory_space<vmem>>, %arg8: memref<32xi32, #tpu.memory_space<vmem>>, %arg9: memref<128x128xf32, #tpu.memory_space<vmem>>, %arg10: memref<128x128xf32, #tpu.memory_space<vmem>>, %arg11: memref<10112x128xf32, #tpu.memory_space<vmem_shared>>, %arg12: memref<!tpu.dma_semaphore, #tpu.memory_space<semaphore_mem>>, %arg13: memref<!tpu.dma_semaphore, #tpu.memory_space<semaphore_mem>>, %arg14: memref<!tpu.dma_semaphore, #tpu.memory_space<semaphore_mem>>, %arg15: memref<!tpu.dma_semaphore, #tpu.memory_space<semaphore_mem>>) attributes {dimension_semantics = [#tpu.dimension_semantics<core_parallel>, #tpu.dimension_semantics<subcore_parallel>], iteration_bounds = array<i64: 2, 16>, scalar_prefetch = 0 : i64, scratch_operands = 10 : i64, tpu.core_type = #tpu.core_type<sc_vector_subcore>, window_params = [{transform_indices = #map}, {transform_indices = #map1}, {transform_indices = #map1}, {transform_indices = #map2}]} {
    %mul3A = arith.constant 632 : i32
    %mul3A_0 = arith.muli %arg1, %mul3A : i32
    "tpu.region"() ({
      %run_scoped3A = tpu.sem_alloc : memref<!tpu.dma_semaphore, #tpu.memory_space<semaphore_mem>>
      %dma_start3A_30 = arith.constant 0 : i32
      %dma_start3A_31 = tpu.memref_slice %arg11[%mul3A_0, %dma_start3A_30] : memref<10112x128xf32, #tpu.memory_space<vmem_shared>> -> memref<632x128xf32, #tpu.memory_space<vmem_shared>>
      tpu.enqueue_dma source(%arg4 : memref<632x128xf32, #tpu.memory_space<hbm>>) target(%dma_start3A_31 : memref<632x128xf32, #tpu.memory_space<vmem_shared>>) target_semaphore(%run_scoped3A : memref<!tpu.dma_semaphore, #tpu.memory_space<semaphore_mem>>)
      %dma_wait3A = arith.constant 0 : i32
      %dma_wait3A_32 = tpu.memref_slice %arg11[%mul3A_0, %dma_wait3A] : memref<10112x128xf32, #tpu.memory_space<vmem_shared>> -> memref<632x128xf32, #tpu.memory_space<vmem_shared>>
      tpu.wait_dma2 semaphore(%run_scoped3A : memref<!tpu.dma_semaphore, #tpu.memory_space<semaphore_mem>>) src(%arg4 : memref<632x128xf32, #tpu.memory_space<hbm>>) dst(%dma_wait3A_32 : memref<632x128xf32, #tpu.memory_space<vmem_shared>>)
      tpu.yield
    }) : () -> ()
    %mul3A_1 = arith.constant 16 : i32
    %mul3A_2 = arith.muli %arg0, %mul3A_1 : i32
    %add3A = arith.addi %mul3A_2, %arg1 : i32
    %mul3A_3 = arith.constant 20000 : i32
    %mul3A_4 = arith.muli %add3A, %mul3A_3 : i32
    %add3A_5 = arith.constant 0 : i32
    %add3A_6 = arith.addi %mul3A_4, %add3A_5 : i32
    %multiple_of3A = tpu.assume_multiple %add3A_6, 8 : i32
    %dma_start3A = tpu.memref_slice %arg2[%multiple_of3A] : memref<640000xi32, #tpu.memory_space<hbm>> -> memref<128xi32, #tpu.memory_space<hbm>>
    %dma_start3A_7 = tpu.memref_slice %arg2[%multiple_of3A] : memref<640000xi32, #tpu.memory_space<hbm>> -> memref<128xi32, #tpu.memory_space<hbm>>
    tpu.enqueue_dma source(%dma_start3A_7 : memref<128xi32, #tpu.memory_space<hbm>>) target(%arg6 : memref<128xi32, #tpu.memory_space<vmem>>) target_semaphore(%arg12 : memref<!tpu.dma_semaphore, #tpu.memory_space<semaphore_mem>>)
    %dma_start3A_8 = arith.constant 0 : i32
    %dma_start3A_9 = tpu.memref_slice %arg3[%multiple_of3A, %dma_start3A_8] : memref<640000x128xf32, #tpu.memory_space<hbm>> -> memref<128x128xf32, #tpu.memory_space<hbm>>
    %dma_start3A_10 = arith.constant 0 : i32
    %dma_start3A_11 = tpu.memref_slice %arg3[%multiple_of3A, %dma_start3A_10] : memref<640000x128xf32, #tpu.memory_space<hbm>> -> memref<128x128xf32, #tpu.memory_space<hbm>>
    tpu.enqueue_dma source(%dma_start3A_11 : memref<128x128xf32, #tpu.memory_space<hbm>>) target(%arg9 : memref<128x128xf32, #tpu.memory_space<vmem>>) target_semaphore(%arg14 : memref<!tpu.dma_semaphore, #tpu.memory_space<semaphore_mem>>)
    %add3A_12 = arith.constant 128 : i32
    %add3A_13 = arith.addi %mul3A_4, %add3A_12 : i32
    %multiple_of3A_14 = tpu.assume_multiple %add3A_13, 8 : i32
    %dma_start3A_15 = tpu.memref_slice %arg2[%multiple_of3A_14] : memref<640000xi32, #tpu.memory_space<hbm>> -> memref<128xi32, #tpu.memory_space<hbm>>
    %dma_start3A_16 = tpu.memref_slice %arg2[%multiple_of3A_14] : memref<640000xi32, #tpu.memory_space<hbm>> -> memref<128xi32, #tpu.memory_space<hbm>>
    tpu.enqueue_dma source(%dma_start3A_16 : memref<128xi32, #tpu.memory_space<hbm>>) target(%arg7 : memref<128xi32, #tpu.memory_space<vmem>>) target_semaphore(%arg13 : memref<!tpu.dma_semaphore, #tpu.memory_space<semaphore_mem>>)
    %dma_start3A_17 = arith.constant 0 : i32
    %dma_start3A_18 = tpu.memref_slice %arg3[%multiple_of3A_14, %dma_start3A_17] : memref<640000x128xf32, #tpu.memory_space<hbm>> -> memref<128x128xf32, #tpu.memory_space<hbm>>
    %dma_start3A_19 = arith.constant 0 : i32
    %dma_start3A_20 = tpu.memref_slice %arg3[%multiple_of3A_14, %dma_start3A_19] : memref<640000x128xf32, #tpu.memory_space<hbm>> -> memref<128x128xf32, #tpu.memory_space<hbm>>
    tpu.enqueue_dma source(%dma_start3A_20 : memref<128x128xf32, #tpu.memory_space<hbm>>) target(%arg10 : memref<128x128xf32, #tpu.memory_space<vmem>>) target_semaphore(%arg15 : memref<!tpu.dma_semaphore, #tpu.memory_space<semaphore_mem>>)
    %barrier3A = arith.constant 0 : index
    tpu.barrier barrier_id(%barrier3A)
    %scan3A = arith.constant 0 : i32
    %scan3A_21 = arith.constant 0 : i32
    %scan3A_22 = arith.constant 78 : i32
    %scan3A_23 = arith.addi %scan3A_21, %scan3A_22 : i32
    %scan3A_24 = arith.constant 1 : i32
    scf.for %scan3A_30 = %scan3A_21 to %scan3A_23 step %scan3A_24  : i32 {
      %mul3A_31 = arith.constant 2 : i32
      %mul3A_32 = arith.muli %mul3A_31, %scan3A_30 : i32
      %dma_wait3A = arith.constant 0 : i32
      %dma_wait3A_33 = tpu.memref_slice %arg2[%dma_wait3A] : memref<640000xi32, #tpu.memory_space<hbm>> -> memref<128xi32, #tpu.memory_space<hbm>>
      %dma_wait3A_34 = arith.constant 0 : i32
      %dma_wait3A_35 = tpu.memref_slice %arg2[%dma_wait3A_34] : memref<640000xi32, #tpu.memory_space<hbm>> -> memref<128xi32, #tpu.memory_space<hbm>>
      tpu.wait_dma2 semaphore(%arg12 : memref<!tpu.dma_semaphore, #tpu.memory_space<semaphore_mem>>) src(%dma_wait3A_35 : memref<128xi32, #tpu.memory_space<hbm>>) dst(%arg6 : memref<128xi32, #tpu.memory_space<vmem>>)
      %dma_wait3A_36 = arith.constant 0 : i32
      %dma_wait3A_37 = arith.constant 0 : i32
      %dma_wait3A_38 = tpu.memref_slice %arg3[%dma_wait3A_36, %dma_wait3A_37] : memref<640000x128xf32, #tpu.memory_space<hbm>> -> memref<128x128xf32, #tpu.memory_space<hbm>>
      %dma_wait3A_39 = arith.constant 0 : i32
      %dma_wait3A_40 = arith.constant 0 : i32
      %dma_wait3A_41 = tpu.memref_slice %arg3[%dma_wait3A_39, %dma_wait3A_40] : memref<640000x128xf32, #tpu.memory_space<hbm>> -> memref<128x128xf32, #tpu.memory_space<hbm>>
      tpu.wait_dma2 semaphore(%arg14 : memref<!tpu.dma_semaphore, #tpu.memory_space<semaphore_mem>>) src(%dma_wait3A_41 : memref<128x128xf32, #tpu.memory_space<hbm>>) dst(%arg9 : memref<128x128xf32, #tpu.memory_space<vmem>>)
      "tpu.region"() ({
        %run_scoped3A = tpu.sem_alloc : memref<!tpu.dma_semaphore, #tpu.memory_space<semaphore_mem>>
        %dma_start3A_63 = arith.constant 0 : i32
        %dma_start3A_64 = arith.constant 0 : i32
        %dma_start3A_65 = tpu.memref_slice %arg11[%dma_start3A_63, %dma_start3A_64] : memref<10112x128xf32, #tpu.memory_space<vmem_shared>> -> memref<10112x128xf32, #tpu.memory_space<vmem_shared>>
        tpu.enqueue_indirect_dma source(%arg9 : memref<128x128xf32, #tpu.memory_space<vmem>>) target(%dma_start3A_65 : memref<10112x128xf32, #tpu.memory_space<vmem_shared>>) offsets(%arg6 : memref<128xi32, #tpu.memory_space<vmem>>) semaphore(%run_scoped3A : memref<!tpu.dma_semaphore, #tpu.memory_space<semaphore_mem>>) {add = true}
        %dma_wait3A_66 = arith.constant 0 : i32
        %dma_wait3A_67 = arith.constant 0 : i32
        %dma_wait3A_68 = tpu.memref_slice %arg11[%dma_wait3A_66, %dma_wait3A_67] : memref<10112x128xf32, #tpu.memory_space<vmem_shared>> -> memref<10112x128xf32, #tpu.memory_space<vmem_shared>>
        tpu.wait_indirect_dma semaphore(%run_scoped3A : memref<!tpu.dma_semaphore, #tpu.memory_space<semaphore_mem>>) src(%arg9 : memref<128x128xf32, #tpu.memory_space<vmem>>) dst(%dma_wait3A_68 : memref<10112x128xf32, #tpu.memory_space<vmem_shared>>)
        tpu.yield
      }) : () -> ()
      %add3A_42 = arith.constant 2 : i32
      %add3A_43 = arith.addi %mul3A_32, %add3A_42 : i32
      %lt3A = arith.constant 156 : i32
      %lt3A_44 = arith.cmpi slt, %add3A_43, %lt3A : i32
      %convert_element_type3A = arith.extui %lt3A_44 : i1 to i32
      %cond3A = arith.constant 0 : i32
      %cond3A_45 = arith.cmpi ne, %convert_element_type3A, %cond3A : i32
      scf.if %cond3A_45 {
        %add3A_63 = arith.constant 2 : i32
        %add3A_64 = arith.addi %mul3A_32, %add3A_63 : i32
        %mul3A_65 = arith.constant 128 : i32
        %mul3A_66 = arith.muli %add3A_64, %mul3A_65 : i32
        %add3A_67 = arith.addi %mul3A_4, %mul3A_66 : i32
        %multiple_of3A_68 = tpu.assume_multiple %add3A_67, 8 : i32
        %dma_start3A_69 = tpu.memref_slice %arg2[%multiple_of3A_68] : memref<640000xi32, #tpu.memory_space<hbm>> -> memref<128xi32, #tpu.memory_space<hbm>>
        %dma_start3A_70 = tpu.memref_slice %arg2[%multiple_of3A_68] : memref<640000xi32, #tpu.memory_space<hbm>> -> memref<128xi32, #tpu.memory_space<hbm>>
        tpu.enqueue_dma source(%dma_start3A_70 : memref<128xi32, #tpu.memory_space<hbm>>) target(%arg6 : memref<128xi32, #tpu.memory_space<vmem>>) target_semaphore(%arg12 : memref<!tpu.dma_semaphore, #tpu.memory_space<semaphore_mem>>)
        %dma_start3A_71 = arith.constant 0 : i32
        %dma_start3A_72 = tpu.memref_slice %arg3[%multiple_of3A_68, %dma_start3A_71] : memref<640000x128xf32, #tpu.memory_space<hbm>> -> memref<128x128xf32, #tpu.memory_space<hbm>>
        %dma_start3A_73 = arith.constant 0 : i32
        %dma_start3A_74 = tpu.memref_slice %arg3[%multiple_of3A_68, %dma_start3A_73] : memref<640000x128xf32, #tpu.memory_space<hbm>> -> memref<128x128xf32, #tpu.memory_space<hbm>>
        tpu.enqueue_dma source(%dma_start3A_74 : memref<128x128xf32, #tpu.memory_space<hbm>>) target(%arg9 : memref<128x128xf32, #tpu.memory_space<vmem>>) target_semaphore(%arg14 : memref<!tpu.dma_semaphore, #tpu.memory_space<semaphore_mem>>)
      } else {
      }
      %dma_wait3A_46 = arith.constant 0 : i32
      %dma_wait3A_47 = tpu.memref_slice %arg2[%dma_wait3A_46] : memref<640000xi32, #tpu.memory_space<hbm>> -> memref<128xi32, #tpu.memory_space<hbm>>
      %dma_wait3A_48 = arith.constant 0 : i32
      %dma_wait3A_49 = tpu.memref_slice %arg2[%dma_wait3A_48] : memref<640000xi32, #tpu.memory_space<hbm>> -> memref<128xi32, #tpu.memory_space<hbm>>
      tpu.wait_dma2 semaphore(%arg13 : memref<!tpu.dma_semaphore, #tpu.memory_space<semaphore_mem>>) src(%dma_wait3A_49 : memref<128xi32, #tpu.memory_space<hbm>>) dst(%arg7 : memref<128xi32, #tpu.memory_space<vmem>>)
      %dma_wait3A_50 = arith.constant 0 : i32
      %dma_wait3A_51 = arith.constant 0 : i32
      %dma_wait3A_52 = tpu.memref_slice %arg3[%dma_wait3A_50, %dma_wait3A_51] : memref<640000x128xf32, #tpu.memory_space<hbm>> -> memref<128x128xf32, #tpu.memory_space<hbm>>
      %dma_wait3A_53 = arith.constant 0 : i32
      %dma_wait3A_54 = arith.constant 0 : i32
      %dma_wait3A_55 = tpu.memref_slice %arg3[%dma_wait3A_53, %dma_wait3A_54] : memref<640000x128xf32, #tpu.memory_space<hbm>> -> memref<128x128xf32, #tpu.memory_space<hbm>>
      tpu.wait_dma2 semaphore(%arg15 : memref<!tpu.dma_semaphore, #tpu.memory_space<semaphore_mem>>) src(%dma_wait3A_55 : memref<128x128xf32, #tpu.memory_space<hbm>>) dst(%arg10 : memref<128x128xf32, #tpu.memory_space<vmem>>)
      "tpu.region"() ({
        %run_scoped3A = tpu.sem_alloc : memref<!tpu.dma_semaphore, #tpu.memory_space<semaphore_mem>>
        %dma_start3A_63 = arith.constant 0 : i32
        %dma_start3A_64 = arith.constant 0 : i32
        %dma_start3A_65 = tpu.memref_slice %arg11[%dma_start3A_63, %dma_start3A_64] : memref<10112x128xf32, #tpu.memory_space<vmem_shared>> -> memref<10112x128xf32, #tpu.memory_space<vmem_shared>>
        tpu.enqueue_indirect_dma source(%arg10 : memref<128x128xf32, #tpu.memory_space<vmem>>) target(%dma_start3A_65 : memref<10112x128xf32, #tpu.memory_space<vmem_shared>>) offsets(%arg7 : memref<128xi32, #tpu.memory_space<vmem>>) semaphore(%run_scoped3A : memref<!tpu.dma_semaphore, #tpu.memory_space<semaphore_mem>>) {add = true}
        %dma_wait3A_66 = arith.constant 0 : i32
        %dma_wait3A_67 = arith.constant 0 : i32
        %dma_wait3A_68 = tpu.memref_slice %arg11[%dma_wait3A_66, %dma_wait3A_67] : memref<10112x128xf32, #tpu.memory_space<vmem_shared>> -> memref<10112x128xf32, #tpu.memory_space<vmem_shared>>
        tpu.wait_indirect_dma semaphore(%run_scoped3A : memref<!tpu.dma_semaphore, #tpu.memory_space<semaphore_mem>>) src(%arg10 : memref<128x128xf32, #tpu.memory_space<vmem>>) dst(%dma_wait3A_68 : memref<10112x128xf32, #tpu.memory_space<vmem_shared>>)
        tpu.yield
      }) : () -> ()
      %add3A_56 = arith.constant 3 : i32
      %add3A_57 = arith.addi %mul3A_32, %add3A_56 : i32
      %lt3A_58 = arith.constant 156 : i32
      %lt3A_59 = arith.cmpi slt, %add3A_57, %lt3A_58 : i32
      %convert_element_type3A_60 = arith.extui %lt3A_59 : i1 to i32
      %cond3A_61 = arith.constant 0 : i32
      %cond3A_62 = arith.cmpi ne, %convert_element_type3A_60, %cond3A_61 : i32
      scf.if %cond3A_62 {
        %add3A_63 = arith.constant 3 : i32
        %add3A_64 = arith.addi %mul3A_32, %add3A_63 : i32
        %mul3A_65 = arith.constant 128 : i32
        %mul3A_66 = arith.muli %add3A_64, %mul3A_65 : i32
        %add3A_67 = arith.addi %mul3A_4, %mul3A_66 : i32
        %multiple_of3A_68 = tpu.assume_multiple %add3A_67, 8 : i32
        %dma_start3A_69 = tpu.memref_slice %arg2[%multiple_of3A_68] : memref<640000xi32, #tpu.memory_space<hbm>> -> memref<128xi32, #tpu.memory_space<hbm>>
        %dma_start3A_70 = tpu.memref_slice %arg2[%multiple_of3A_68] : memref<640000xi32, #tpu.memory_space<hbm>> -> memref<128xi32, #tpu.memory_space<hbm>>
        tpu.enqueue_dma source(%dma_start3A_70 : memref<128xi32, #tpu.memory_space<hbm>>) target(%arg7 : memref<128xi32, #tpu.memory_space<vmem>>) target_semaphore(%arg13 : memref<!tpu.dma_semaphore, #tpu.memory_space<semaphore_mem>>)
        %dma_start3A_71 = arith.constant 0 : i32
        %dma_start3A_72 = tpu.memref_slice %arg3[%multiple_of3A_68, %dma_start3A_71] : memref<640000x128xf32, #tpu.memory_space<hbm>> -> memref<128x128xf32, #tpu.memory_space<hbm>>
        %dma_start3A_73 = arith.constant 0 : i32
        %dma_start3A_74 = tpu.memref_slice %arg3[%multiple_of3A_68, %dma_start3A_73] : memref<640000x128xf32, #tpu.memory_space<hbm>> -> memref<128x128xf32, #tpu.memory_space<hbm>>
        tpu.enqueue_dma source(%dma_start3A_74 : memref<128x128xf32, #tpu.memory_space<hbm>>) target(%arg10 : memref<128x128xf32, #tpu.memory_space<vmem>>) target_semaphore(%arg15 : memref<!tpu.dma_semaphore, #tpu.memory_space<semaphore_mem>>)
      } else {
      }
    }
    %scan3A_25 = arith.constant 78 : i32
    %add3A_26 = arith.constant 19968 : i32
    %add3A_27 = arith.addi %mul3A_4, %add3A_26 : i32
    %multiple_of3A_28 = tpu.assume_multiple %add3A_27, 8 : i32
    "tpu.region"() ({
      %run_scoped3A = tpu.sem_alloc : memref<!tpu.dma_semaphore, #tpu.memory_space<semaphore_mem>>
      %dma_start3A_30 = tpu.memref_slice %arg2[%multiple_of3A_28] : memref<640000xi32, #tpu.memory_space<hbm>> -> memref<32xi32, #tpu.memory_space<hbm>>
      %dma_start3A_31 = tpu.memref_slice %arg2[%multiple_of3A_28] : memref<640000xi32, #tpu.memory_space<hbm>> -> memref<32xi32, #tpu.memory_space<hbm>>
      tpu.enqueue_dma source(%dma_start3A_31 : memref<32xi32, #tpu.memory_space<hbm>>) target(%arg8 : memref<32xi32, #tpu.memory_space<vmem>>) target_semaphore(%run_scoped3A : memref<!tpu.dma_semaphore, #tpu.memory_space<semaphore_mem>>)
      %dma_wait3A = tpu.memref_slice %arg2[%multiple_of3A_28] : memref<640000xi32, #tpu.memory_space<hbm>> -> memref<32xi32, #tpu.memory_space<hbm>>
      %dma_wait3A_32 = tpu.memref_slice %arg2[%multiple_of3A_28] : memref<640000xi32, #tpu.memory_space<hbm>> -> memref<32xi32, #tpu.memory_space<hbm>>
      tpu.wait_dma2 semaphore(%run_scoped3A : memref<!tpu.dma_semaphore, #tpu.memory_space<semaphore_mem>>) src(%dma_wait3A_32 : memref<32xi32, #tpu.memory_space<hbm>>) dst(%arg8 : memref<32xi32, #tpu.memory_space<vmem>>)
      tpu.yield
    }) : () -> ()
    "tpu.region"() ({
      %run_scoped3A = tpu.sem_alloc : memref<!tpu.dma_semaphore, #tpu.memory_space<semaphore_mem>>
      %dma_start3A_30 = arith.constant 0 : i32
      %dma_start3A_31 = arith.constant 0 : i32
      %dma_start3A_32 = tpu.memref_slice %arg9[%dma_start3A_30, %dma_start3A_31] : memref<128x128xf32, #tpu.memory_space<vmem>> -> memref<32x128xf32, #tpu.memory_space<vmem>>
      %dma_start3A_33 = arith.constant 0 : i32
      %dma_start3A_34 = tpu.memref_slice %arg3[%multiple_of3A_28, %dma_start3A_33] : memref<640000x128xf32, #tpu.memory_space<hbm>> -> memref<32x128xf32, #tpu.memory_space<hbm>>
      %dma_start3A_35 = arith.constant 0 : i32
      %dma_start3A_36 = arith.constant 0 : i32
      %dma_start3A_37 = tpu.memref_slice %arg9[%dma_start3A_35, %dma_start3A_36] : memref<128x128xf32, #tpu.memory_space<vmem>> -> memref<32x128xf32, #tpu.memory_space<vmem>>
      %dma_start3A_38 = arith.constant 0 : i32
      %dma_start3A_39 = tpu.memref_slice %arg3[%multiple_of3A_28, %dma_start3A_38] : memref<640000x128xf32, #tpu.memory_space<hbm>> -> memref<32x128xf32, #tpu.memory_space<hbm>>
      tpu.enqueue_dma source(%dma_start3A_39 : memref<32x128xf32, #tpu.memory_space<hbm>>) target(%dma_start3A_37 : memref<32x128xf32, #tpu.memory_space<vmem>>) target_semaphore(%run_scoped3A : memref<!tpu.dma_semaphore, #tpu.memory_space<semaphore_mem>>)
      %dma_wait3A = arith.constant 0 : i32
      %dma_wait3A_40 = arith.constant 0 : i32
      %dma_wait3A_41 = tpu.memref_slice %arg9[%dma_wait3A, %dma_wait3A_40] : memref<128x128xf32, #tpu.memory_space<vmem>> -> memref<32x128xf32, #tpu.memory_space<vmem>>
      %dma_wait3A_42 = arith.constant 0 : i32
      %dma_wait3A_43 = tpu.memref_slice %arg3[%multiple_of3A_28, %dma_wait3A_42] : memref<640000x128xf32, #tpu.memory_space<hbm>> -> memref<32x128xf32, #tpu.memory_space<hbm>>
      %dma_wait3A_44 = arith.constant 0 : i32
      %dma_wait3A_45 = arith.constant 0 : i32
      %dma_wait3A_46 = tpu.memref_slice %arg9[%dma_wait3A_44, %dma_wait3A_45] : memref<128x128xf32, #tpu.memory_space<vmem>> -> memref<32x128xf32, #tpu.memory_space<vmem>>
      %dma_wait3A_47 = arith.constant 0 : i32
      %dma_wait3A_48 = tpu.memref_slice %arg3[%multiple_of3A_28, %dma_wait3A_47] : memref<640000x128xf32, #tpu.memory_space<hbm>> -> memref<32x128xf32, #tpu.memory_space<hbm>>
      tpu.wait_dma2 semaphore(%run_scoped3A : memref<!tpu.dma_semaphore, #tpu.memory_space<semaphore_mem>>) src(%dma_wait3A_48 : memref<32x128xf32, #tpu.memory_space<hbm>>) dst(%dma_wait3A_46 : memref<32x128xf32, #tpu.memory_space<vmem>>)
      tpu.yield
    }) : () -> ()
    "tpu.region"() ({
      %run_scoped3A = tpu.sem_alloc : memref<!tpu.dma_semaphore, #tpu.memory_space<semaphore_mem>>
      %dma_start3A_30 = arith.constant 0 : i32
      %dma_start3A_31 = arith.constant 0 : i32
      %dma_start3A_32 = tpu.memref_slice %arg9[%dma_start3A_30, %dma_start3A_31] : memref<128x128xf32, #tpu.memory_space<vmem>> -> memref<32x128xf32, #tpu.memory_space<vmem>>
      %dma_start3A_33 = arith.constant 0 : i32
      %dma_start3A_34 = arith.constant 0 : i32
      %dma_start3A_35 = tpu.memref_slice %arg11[%dma_start3A_33, %dma_start3A_34] : memref<10112x128xf32, #tpu.memory_space<vmem_shared>> -> memref<10112x128xf32, #tpu.memory_space<vmem_shared>>
      tpu.enqueue_indirect_dma source(%dma_start3A_32 : memref<32x128xf32, #tpu.memory_space<vmem>>) target(%dma_start3A_35 : memref<10112x128xf32, #tpu.memory_space<vmem_shared>>) offsets(%arg8 : memref<32xi32, #tpu.memory_space<vmem>>) semaphore(%run_scoped3A : memref<!tpu.dma_semaphore, #tpu.memory_space<semaphore_mem>>) {add = true}
      %dma_wait3A = arith.constant 0 : i32
      %dma_wait3A_36 = arith.constant 0 : i32
      %dma_wait3A_37 = tpu.memref_slice %arg9[%dma_wait3A, %dma_wait3A_36] : memref<128x128xf32, #tpu.memory_space<vmem>> -> memref<32x128xf32, #tpu.memory_space<vmem>>
      %dma_wait3A_38 = arith.constant 0 : i32
      %dma_wait3A_39 = arith.constant 0 : i32
      %dma_wait3A_40 = tpu.memref_slice %arg11[%dma_wait3A_38, %dma_wait3A_39] : memref<10112x128xf32, #tpu.memory_space<vmem_shared>> -> memref<10112x128xf32, #tpu.memory_space<vmem_shared>>
      tpu.wait_indirect_dma semaphore(%run_scoped3A : memref<!tpu.dma_semaphore, #tpu.memory_space<semaphore_mem>>) src(%dma_wait3A_37 : memref<32x128xf32, #tpu.memory_space<vmem>>) dst(%dma_wait3A_40 : memref<10112x128xf32, #tpu.memory_space<vmem_shared>>)
      tpu.yield
    }) : () -> ()
    %barrier3A_29 = arith.constant 0 : index
    tpu.barrier barrier_id(%barrier3A_29)
    "tpu.region"() ({
      %run_scoped3A = tpu.sem_alloc : memref<!tpu.dma_semaphore, #tpu.memory_space<semaphore_mem>>
      %dma_start3A_30 = arith.constant 0 : i32
      %dma_start3A_31 = tpu.memref_slice %arg5[%arg0, %mul3A_0, %dma_start3A_30] : memref<2x10112x128xf32, #tpu.memory_space<hbm>> -> memref<1x632x128xf32, #tpu.memory_space<hbm>>
      %dma_start3A_32 = tpu.memref_squeeze %dma_start3A_31 : memref<1x632x128xf32, #tpu.memory_space<hbm>> -> memref<632x128xf32, #tpu.memory_space<hbm>>
      %dma_start3A_33 = arith.constant 0 : i32
      %dma_start3A_34 = tpu.memref_slice %arg11[%mul3A_0, %dma_start3A_33] : memref<10112x128xf32, #tpu.memory_space<vmem_shared>> -> memref<632x128xf32, #tpu.memory_space<vmem_shared>>
      tpu.enqueue_dma source(%dma_start3A_34 : memref<632x128xf32, #tpu.memory_space<vmem_shared>>) target(%dma_start3A_32 : memref<632x128xf32, #tpu.memory_space<hbm>>) target_semaphore(%run_scoped3A : memref<!tpu.dma_semaphore, #tpu.memory_space<semaphore_mem>>)
      %dma_wait3A = arith.constant 0 : i32
      %dma_wait3A_35 = tpu.memref_slice %arg5[%arg0, %mul3A_0, %dma_wait3A] : memref<2x10112x128xf32, #tpu.memory_space<hbm>> -> memref<1x632x128xf32, #tpu.memory_space<hbm>>
      %dma_wait3A_36 = tpu.memref_squeeze %dma_wait3A_35 : memref<1x632x128xf32, #tpu.memory_space<hbm>> -> memref<632x128xf32, #tpu.memory_space<hbm>>
      %dma_wait3A_37 = arith.constant 0 : i32
      %dma_wait3A_38 = tpu.memref_slice %arg11[%mul3A_0, %dma_wait3A_37] : memref<10112x128xf32, #tpu.memory_space<vmem_shared>> -> memref<632x128xf32, #tpu.memory_space<vmem_shared>>
      tpu.wait_dma2 semaphore(%run_scoped3A : memref<!tpu.dma_semaphore, #tpu.memory_space<semaphore_mem>>) src(%dma_wait3A_38 : memref<632x128xf32, #tpu.memory_space<vmem_shared>>) dst(%dma_wait3A_36 : memref<632x128xf32, #tpu.memory_space<hbm>>)
      tpu.yield
    }) : () -> ()
    return
  }
}

#map = affine_map<(d0, d1) -> (0)>
#map1 = affine_map<(d0, d1) -> (0, 0)>
#map2 = affine_map<(d0, d1) -> (0, 0, 0)>
module attributes {stable_mosaic.version = 14 : i64} {
  func.func @_sc_edge_stats(%arg0: i32, %arg1: i32, %arg2: memref<640000xi32, #tpu.memory_space<hbm>>, %arg3: memref<640000x16xf32, #tpu.memory_space<hbm>>, %arg4: memref<128x128xf32, #tpu.memory_space<hbm>>, %arg5: memref<632x128xf32, #tpu.memory_space<hbm>>, %arg6: memref<2x10112x128xf32, #tpu.memory_space<hbm>>, %arg7: memref<128xi32, #tpu.memory_space<vmem>>, %arg8: memref<128xi32, #tpu.memory_space<vmem>>, %arg9: memref<32xi32, #tpu.memory_space<vmem>>, %arg10: memref<128x16xf32, #tpu.memory_space<vmem>>, %arg11: memref<128x16xf32, #tpu.memory_space<vmem>>, %arg12: memref<128x128xf32, #tpu.memory_space<vmem>>, %arg13: memref<10112x128xf32, #tpu.memory_space<vmem_shared>>, %arg14: memref<!tpu.dma_semaphore, #tpu.memory_space<semaphore_mem>>, %arg15: memref<!tpu.dma_semaphore, #tpu.memory_space<semaphore_mem>>, %arg16: memref<!tpu.dma_semaphore, #tpu.memory_space<semaphore_mem>>, %arg17: memref<!tpu.dma_semaphore, #tpu.memory_space<semaphore_mem>>) attributes {dimension_semantics = [#tpu.dimension_semantics<core_parallel>, #tpu.dimension_semantics<subcore_parallel>], iteration_bounds = array<i64: 2, 16>, scalar_prefetch = 0 : i64, scratch_operands = 11 : i64, tpu.core_type = #tpu.core_type<sc_vector_subcore>, window_params = [{transform_indices = #map}, {transform_indices = #map1}, {transform_indices = #map1}, {transform_indices = #map1}, {transform_indices = #map2}]} {
    %mul3A = arith.constant 632 : i32
    %mul3A_0 = arith.muli %arg1, %mul3A : i32
    "tpu.region"() ({
      %run_scoped3A = tpu.sem_alloc : memref<!tpu.dma_semaphore, #tpu.memory_space<semaphore_mem>>
      %dma_start3A_36 = arith.constant 0 : i32
      %dma_start3A_37 = tpu.memref_slice %arg13[%mul3A_0, %dma_start3A_36] : memref<10112x128xf32, #tpu.memory_space<vmem_shared>> -> memref<632x128xf32, #tpu.memory_space<vmem_shared>>
      tpu.enqueue_dma source(%arg5 : memref<632x128xf32, #tpu.memory_space<hbm>>) target(%dma_start3A_37 : memref<632x128xf32, #tpu.memory_space<vmem_shared>>) target_semaphore(%run_scoped3A : memref<!tpu.dma_semaphore, #tpu.memory_space<semaphore_mem>>)
      %dma_wait3A = arith.constant 0 : i32
      %dma_wait3A_38 = tpu.memref_slice %arg13[%mul3A_0, %dma_wait3A] : memref<10112x128xf32, #tpu.memory_space<vmem_shared>> -> memref<632x128xf32, #tpu.memory_space<vmem_shared>>
      tpu.wait_dma2 semaphore(%run_scoped3A : memref<!tpu.dma_semaphore, #tpu.memory_space<semaphore_mem>>) src(%arg5 : memref<632x128xf32, #tpu.memory_space<hbm>>) dst(%dma_wait3A_38 : memref<632x128xf32, #tpu.memory_space<vmem_shared>>)
      tpu.yield
    }) : () -> ()
    "tpu.region"() ({
      %run_scoped3A = tpu.sem_alloc : memref<!tpu.dma_semaphore, #tpu.memory_space<semaphore_mem>>
      tpu.enqueue_dma source(%arg4 : memref<128x128xf32, #tpu.memory_space<hbm>>) target(%arg12 : memref<128x128xf32, #tpu.memory_space<vmem>>) target_semaphore(%run_scoped3A : memref<!tpu.dma_semaphore, #tpu.memory_space<semaphore_mem>>)
      tpu.wait_dma2 semaphore(%run_scoped3A : memref<!tpu.dma_semaphore, #tpu.memory_space<semaphore_mem>>) src(%arg4 : memref<128x128xf32, #tpu.memory_space<hbm>>) dst(%arg12 : memref<128x128xf32, #tpu.memory_space<vmem>>)
      tpu.yield
    }) : () -> ()
    %mul3A_1 = arith.constant 16 : i32
    %mul3A_2 = arith.muli %arg0, %mul3A_1 : i32
    %add3A = arith.addi %mul3A_2, %arg1 : i32
    %mul3A_3 = arith.constant 20000 : i32
    %mul3A_4 = arith.muli %add3A, %mul3A_3 : i32
    %add3A_5 = arith.constant 0 : i32
    %add3A_6 = arith.addi %mul3A_4, %add3A_5 : i32
    %multiple_of3A = tpu.assume_multiple %add3A_6, 8 : i32
    %dma_start3A = tpu.memref_slice %arg2[%multiple_of3A] : memref<640000xi32, #tpu.memory_space<hbm>> -> memref<128xi32, #tpu.memory_space<hbm>>
    %dma_start3A_7 = tpu.memref_slice %arg2[%multiple_of3A] : memref<640000xi32, #tpu.memory_space<hbm>> -> memref<128xi32, #tpu.memory_space<hbm>>
    tpu.enqueue_dma source(%dma_start3A_7 : memref<128xi32, #tpu.memory_space<hbm>>) target(%arg7 : memref<128xi32, #tpu.memory_space<vmem>>) target_semaphore(%arg14 : memref<!tpu.dma_semaphore, #tpu.memory_space<semaphore_mem>>)
    %dma_start3A_8 = arith.constant 0 : i32
    %dma_start3A_9 = tpu.memref_slice %arg3[%multiple_of3A, %dma_start3A_8] : memref<640000x16xf32, #tpu.memory_space<hbm>> -> memref<128x16xf32, #tpu.memory_space<hbm>>
    %dma_start3A_10 = arith.constant 0 : i32
    %dma_start3A_11 = tpu.memref_slice %arg3[%multiple_of3A, %dma_start3A_10] : memref<640000x16xf32, #tpu.memory_space<hbm>> -> memref<128x16xf32, #tpu.memory_space<hbm>>
    tpu.enqueue_dma source(%dma_start3A_11 : memref<128x16xf32, #tpu.memory_space<hbm>>) target(%arg10 : memref<128x16xf32, #tpu.memory_space<vmem>>) target_semaphore(%arg16 : memref<!tpu.dma_semaphore, #tpu.memory_space<semaphore_mem>>)
    %add3A_12 = arith.constant 128 : i32
    %add3A_13 = arith.addi %mul3A_4, %add3A_12 : i32
    %multiple_of3A_14 = tpu.assume_multiple %add3A_13, 8 : i32
    %dma_start3A_15 = tpu.memref_slice %arg2[%multiple_of3A_14] : memref<640000xi32, #tpu.memory_space<hbm>> -> memref<128xi32, #tpu.memory_space<hbm>>
    %dma_start3A_16 = tpu.memref_slice %arg2[%multiple_of3A_14] : memref<640000xi32, #tpu.memory_space<hbm>> -> memref<128xi32, #tpu.memory_space<hbm>>
    tpu.enqueue_dma source(%dma_start3A_16 : memref<128xi32, #tpu.memory_space<hbm>>) target(%arg8 : memref<128xi32, #tpu.memory_space<vmem>>) target_semaphore(%arg15 : memref<!tpu.dma_semaphore, #tpu.memory_space<semaphore_mem>>)
    %dma_start3A_17 = arith.constant 0 : i32
    %dma_start3A_18 = tpu.memref_slice %arg3[%multiple_of3A_14, %dma_start3A_17] : memref<640000x16xf32, #tpu.memory_space<hbm>> -> memref<128x16xf32, #tpu.memory_space<hbm>>
    %dma_start3A_19 = arith.constant 0 : i32
    %dma_start3A_20 = tpu.memref_slice %arg3[%multiple_of3A_14, %dma_start3A_19] : memref<640000x16xf32, #tpu.memory_space<hbm>> -> memref<128x16xf32, #tpu.memory_space<hbm>>
    tpu.enqueue_dma source(%dma_start3A_20 : memref<128x16xf32, #tpu.memory_space<hbm>>) target(%arg11 : memref<128x16xf32, #tpu.memory_space<vmem>>) target_semaphore(%arg17 : memref<!tpu.dma_semaphore, #tpu.memory_space<semaphore_mem>>)
    %barrier3A = arith.constant 0 : index
    tpu.barrier barrier_id(%barrier3A)
    %scan3A = arith.constant 0 : i32
    %scan3A_21 = arith.constant 0 : i32
    %scan3A_22 = arith.constant 78 : i32
    %scan3A_23 = arith.addi %scan3A_21, %scan3A_22 : i32
    %scan3A_24 = arith.constant 1 : i32
    scf.for %scan3A_36 = %scan3A_21 to %scan3A_23 step %scan3A_24  : i32 {
      %mul3A_37 = arith.constant 2 : i32
      %mul3A_38 = arith.muli %mul3A_37, %scan3A_36 : i32
      %dma_wait3A = arith.constant 0 : i32
      %dma_wait3A_39 = tpu.memref_slice %arg2[%dma_wait3A] : memref<640000xi32, #tpu.memory_space<hbm>> -> memref<128xi32, #tpu.memory_space<hbm>>
      %dma_wait3A_40 = arith.constant 0 : i32
      %dma_wait3A_41 = tpu.memref_slice %arg2[%dma_wait3A_40] : memref<640000xi32, #tpu.memory_space<hbm>> -> memref<128xi32, #tpu.memory_space<hbm>>
      tpu.wait_dma2 semaphore(%arg14 : memref<!tpu.dma_semaphore, #tpu.memory_space<semaphore_mem>>) src(%dma_wait3A_41 : memref<128xi32, #tpu.memory_space<hbm>>) dst(%arg7 : memref<128xi32, #tpu.memory_space<vmem>>)
      %dma_wait3A_42 = arith.constant 0 : i32
      %dma_wait3A_43 = arith.constant 0 : i32
      %dma_wait3A_44 = tpu.memref_slice %arg3[%dma_wait3A_42, %dma_wait3A_43] : memref<640000x16xf32, #tpu.memory_space<hbm>> -> memref<128x16xf32, #tpu.memory_space<hbm>>
      %dma_wait3A_45 = arith.constant 0 : i32
      %dma_wait3A_46 = arith.constant 0 : i32
      %dma_wait3A_47 = tpu.memref_slice %arg3[%dma_wait3A_45, %dma_wait3A_46] : memref<640000x16xf32, #tpu.memory_space<hbm>> -> memref<128x16xf32, #tpu.memory_space<hbm>>
      tpu.wait_dma2 semaphore(%arg16 : memref<!tpu.dma_semaphore, #tpu.memory_space<semaphore_mem>>) src(%dma_wait3A_47 : memref<128x16xf32, #tpu.memory_space<hbm>>) dst(%arg10 : memref<128x16xf32, #tpu.memory_space<vmem>>)
      %scan3A_48 = arith.constant 0 : i32
      %scan3A_49 = arith.constant 0 : i32
      %scan3A_50 = arith.constant 16 : i32
      %scan3A_51 = arith.addi %scan3A_49, %scan3A_50 : i32
      %scan3A_52 = arith.constant 1 : i32
      scf.for %scan3A_81 = %scan3A_49 to %scan3A_51 step %scan3A_52  : i32 {
        %mul3A_82 = arith.constant 8 : i32
        %mul3A_83 = arith.muli %scan3A_81, %mul3A_82 : i32
        %add3A_84 = arith.constant 0 : i32
        %add3A_85 = arith.addi %mul3A_83, %add3A_84 : i32
        %get3A = arith.index_cast %add3A_85 : i32 to index
        %get3A_86 = arith.constant 0 : index
        %get3A_87 = tpu.vector_load %arg10[%get3A, %get3A_86] {strides = array<i32>} : memref<128x16xf32, #tpu.memory_space<vmem>>, vector<1x16xf32>,
        %get3A_88 = vector.shape_cast %get3A_87 : vector<1x16xf32> to vector<16xf32>
        %swap3A = arith.index_cast %add3A_85 : i32 to index
        %swap3A_89 = arith.constant 0 : index
        %swap3A_90 = tpu.vector_load %arg12[%swap3A, %swap3A_89] {strides = array<i32>} : memref<128x128xf32, #tpu.memory_space<vmem>>, vector<1x16xf32>,
        %swap3A_91 = vector.shape_cast %swap3A_90 : vector<1x16xf32> to vector<16xf32>
        %swap3A_92 = vector.shape_cast %get3A_88 : vector<16xf32> to vector<1x16xf32>
        tpu.vector_store %arg12[%swap3A, %swap3A_89], %swap3A_92 {strides = array<i32>} : memref<128x128xf32, #tpu.memory_space<vmem>>, vector<1x16xf32>,
        %mul3A_93 = arith.constant 8 : i32
        %mul3A_94 = arith.muli %scan3A_81, %mul3A_93 : i32
        %add3A_95 = arith.constant 1 : i32
        %add3A_96 = arith.addi %mul3A_94, %add3A_95 : i32
        %get3A_97 = arith.index_cast %add3A_96 : i32 to index
        %get3A_98 = arith.constant 0 : index
        %get3A_99 = tpu.vector_load %arg10[%get3A_97, %get3A_98] {strides = array<i32>} : memref<128x16xf32, #tpu.memory_space<vmem>>, vector<1x16xf32>,
        %get3A_100 = vector.shape_cast %get3A_99 : vector<1x16xf32> to vector<16xf32>
        %swap3A_101 = arith.index_cast %add3A_96 : i32 to index
        %swap3A_102 = arith.constant 0 : index
        %swap3A_103 = tpu.vector_load %arg12[%swap3A_101, %swap3A_102] {strides = array<i32>} : memref<128x128xf32, #tpu.memory_space<vmem>>, vector<1x16xf32>,
        %swap3A_104 = vector.shape_cast %swap3A_103 : vector<1x16xf32> to vector<16xf32>
        %swap3A_105 = vector.shape_cast %get3A_100 : vector<16xf32> to vector<1x16xf32>
        tpu.vector_store %arg12[%swap3A_101, %swap3A_102], %swap3A_105 {strides = array<i32>} : memref<128x128xf32, #tpu.memory_space<vmem>>, vector<1x16xf32>,
        %mul3A_106 = arith.constant 8 : i32
        %mul3A_107 = arith.muli %scan3A_81, %mul3A_106 : i32
        %add3A_108 = arith.constant 2 : i32
        %add3A_109 = arith.addi %mul3A_107, %add3A_108 : i32
        %get3A_110 = arith.index_cast %add3A_109 : i32 to index
        %get3A_111 = arith.constant 0 : index
        %get3A_112 = tpu.vector_load %arg10[%get3A_110, %get3A_111] {strides = array<i32>} : memref<128x16xf32, #tpu.memory_space<vmem>>, vector<1x16xf32>,
        %get3A_113 = vector.shape_cast %get3A_112 : vector<1x16xf32> to vector<16xf32>
        %swap3A_114 = arith.index_cast %add3A_109 : i32 to index
        %swap3A_115 = arith.constant 0 : index
        %swap3A_116 = tpu.vector_load %arg12[%swap3A_114, %swap3A_115] {strides = array<i32>} : memref<128x128xf32, #tpu.memory_space<vmem>>, vector<1x16xf32>,
        %swap3A_117 = vector.shape_cast %swap3A_116 : vector<1x16xf32> to vector<16xf32>
        %swap3A_118 = vector.shape_cast %get3A_113 : vector<16xf32> to vector<1x16xf32>
        tpu.vector_store %arg12[%swap3A_114, %swap3A_115], %swap3A_118 {strides = array<i32>} : memref<128x128xf32, #tpu.memory_space<vmem>>, vector<1x16xf32>,
        %mul3A_119 = arith.constant 8 : i32
        %mul3A_120 = arith.muli %scan3A_81, %mul3A_119 : i32
        %add3A_121 = arith.constant 3 : i32
        %add3A_122 = arith.addi %mul3A_120, %add3A_121 : i32
        %get3A_123 = arith.index_cast %add3A_122 : i32 to index
        %get3A_124 = arith.constant 0 : index
        %get3A_125 = tpu.vector_load %arg10[%get3A_123, %get3A_124] {strides = array<i32>} : memref<128x16xf32, #tpu.memory_space<vmem>>, vector<1x16xf32>,
        %get3A_126 = vector.shape_cast %get3A_125 : vector<1x16xf32> to vector<16xf32>
        %swap3A_127 = arith.index_cast %add3A_122 : i32 to index
        %swap3A_128 = arith.constant 0 : index
        %swap3A_129 = tpu.vector_load %arg12[%swap3A_127, %swap3A_128] {strides = array<i32>} : memref<128x128xf32, #tpu.memory_space<vmem>>, vector<1x16xf32>,
        %swap3A_130 = vector.shape_cast %swap3A_129 : vector<1x16xf32> to vector<16xf32>
        %swap3A_131 = vector.shape_cast %get3A_126 : vector<16xf32> to vector<1x16xf32>
        tpu.vector_store %arg12[%swap3A_127, %swap3A_128], %swap3A_131 {strides = array<i32>} : memref<128x128xf32, #tpu.memory_space<vmem>>, vector<1x16xf32>,
        %mul3A_132 = arith.constant 8 : i32
        %mul3A_133 = arith.muli %scan3A_81, %mul3A_132 : i32
        %add3A_134 = arith.constant 4 : i32
        %add3A_135 = arith.addi %mul3A_133, %add3A_134 : i32
        %get3A_136 = arith.index_cast %add3A_135 : i32 to index
        %get3A_137 = arith.constant 0 : index
        %get3A_138 = tpu.vector_load %arg10[%get3A_136, %get3A_137] {strides = array<i32>} : memref<128x16xf32, #tpu.memory_space<vmem>>, vector<1x16xf32>,
        %get3A_139 = vector.shape_cast %get3A_138 : vector<1x16xf32> to vector<16xf32>
        %swap3A_140 = arith.index_cast %add3A_135 : i32 to index
        %swap3A_141 = arith.constant 0 : index
        %swap3A_142 = tpu.vector_load %arg12[%swap3A_140, %swap3A_141] {strides = array<i32>} : memref<128x128xf32, #tpu.memory_space<vmem>>, vector<1x16xf32>,
        %swap3A_143 = vector.shape_cast %swap3A_142 : vector<1x16xf32> to vector<16xf32>
        %swap3A_144 = vector.shape_cast %get3A_139 : vector<16xf32> to vector<1x16xf32>
        tpu.vector_store %arg12[%swap3A_140, %swap3A_141], %swap3A_144 {strides = array<i32>} : memref<128x128xf32, #tpu.memory_space<vmem>>, vector<1x16xf32>,
        %mul3A_145 = arith.constant 8 : i32
        %mul3A_146 = arith.muli %scan3A_81, %mul3A_145 : i32
        %add3A_147 = arith.constant 5 : i32
        %add3A_148 = arith.addi %mul3A_146, %add3A_147 : i32
        %get3A_149 = arith.index_cast %add3A_148 : i32 to index
        %get3A_150 = arith.constant 0 : index
        %get3A_151 = tpu.vector_load %arg10[%get3A_149, %get3A_150] {strides = array<i32>} : memref<128x16xf32, #tpu.memory_space<vmem>>, vector<1x16xf32>,
        %get3A_152 = vector.shape_cast %get3A_151 : vector<1x16xf32> to vector<16xf32>
        %swap3A_153 = arith.index_cast %add3A_148 : i32 to index
        %swap3A_154 = arith.constant 0 : index
        %swap3A_155 = tpu.vector_load %arg12[%swap3A_153, %swap3A_154] {strides = array<i32>} : memref<128x128xf32, #tpu.memory_space<vmem>>, vector<1x16xf32>,
        %swap3A_156 = vector.shape_cast %swap3A_155 : vector<1x16xf32> to vector<16xf32>
        %swap3A_157 = vector.shape_cast %get3A_152 : vector<16xf32> to vector<1x16xf32>
        tpu.vector_store %arg12[%swap3A_153, %swap3A_154], %swap3A_157 {strides = array<i32>} : memref<128x128xf32, #tpu.memory_space<vmem>>, vector<1x16xf32>,
        %mul3A_158 = arith.constant 8 : i32
        %mul3A_159 = arith.muli %scan3A_81, %mul3A_158 : i32
        %add3A_160 = arith.constant 6 : i32
        %add3A_161 = arith.addi %mul3A_159, %add3A_160 : i32
        %get3A_162 = arith.index_cast %add3A_161 : i32 to index
        %get3A_163 = arith.constant 0 : index
        %get3A_164 = tpu.vector_load %arg10[%get3A_162, %get3A_163] {strides = array<i32>} : memref<128x16xf32, #tpu.memory_space<vmem>>, vector<1x16xf32>,
        %get3A_165 = vector.shape_cast %get3A_164 : vector<1x16xf32> to vector<16xf32>
        %swap3A_166 = arith.index_cast %add3A_161 : i32 to index
        %swap3A_167 = arith.constant 0 : index
        %swap3A_168 = tpu.vector_load %arg12[%swap3A_166, %swap3A_167] {strides = array<i32>} : memref<128x128xf32, #tpu.memory_space<vmem>>, vector<1x16xf32>,
        %swap3A_169 = vector.shape_cast %swap3A_168 : vector<1x16xf32> to vector<16xf32>
        %swap3A_170 = vector.shape_cast %get3A_165 : vector<16xf32> to vector<1x16xf32>
        tpu.vector_store %arg12[%swap3A_166, %swap3A_167], %swap3A_170 {strides = array<i32>} : memref<128x128xf32, #tpu.memory_space<vmem>>, vector<1x16xf32>,
        %mul3A_171 = arith.constant 8 : i32
        %mul3A_172 = arith.muli %scan3A_81, %mul3A_171 : i32
        %add3A_173 = arith.constant 7 : i32
        %add3A_174 = arith.addi %mul3A_172, %add3A_173 : i32
        %get3A_175 = arith.index_cast %add3A_174 : i32 to index
        %get3A_176 = arith.constant 0 : index
        %get3A_177 = tpu.vector_load %arg10[%get3A_175, %get3A_176] {strides = array<i32>} : memref<128x16xf32, #tpu.memory_space<vmem>>, vector<1x16xf32>,
        %get3A_178 = vector.shape_cast %get3A_177 : vector<1x16xf32> to vector<16xf32>
        %swap3A_179 = arith.index_cast %add3A_174 : i32 to index
        %swap3A_180 = arith.constant 0 : index
        %swap3A_181 = tpu.vector_load %arg12[%swap3A_179, %swap3A_180] {strides = array<i32>} : memref<128x128xf32, #tpu.memory_space<vmem>>, vector<1x16xf32>,
        %swap3A_182 = vector.shape_cast %swap3A_181 : vector<1x16xf32> to vector<16xf32>
        %swap3A_183 = vector.shape_cast %get3A_178 : vector<16xf32> to vector<1x16xf32>
        tpu.vector_store %arg12[%swap3A_179, %swap3A_180], %swap3A_183 {strides = array<i32>} : memref<128x128xf32, #tpu.memory_space<vmem>>, vector<1x16xf32>,
      }
      %scan3A_53 = arith.constant 16 : i32
      "tpu.region"() ({
        %run_scoped3A = tpu.sem_alloc : memref<!tpu.dma_semaphore, #tpu.memory_space<semaphore_mem>>
        %dma_start3A_81 = arith.constant 0 : i32
        %dma_start3A_82 = arith.constant 0 : i32
        %dma_start3A_83 = tpu.memref_slice %arg13[%dma_start3A_81, %dma_start3A_82] : memref<10112x128xf32, #tpu.memory_space<vmem_shared>> -> memref<10112x128xf32, #tpu.memory_space<vmem_shared>>
        tpu.enqueue_indirect_dma source(%arg12 : memref<128x128xf32, #tpu.memory_space<vmem>>) target(%dma_start3A_83 : memref<10112x128xf32, #tpu.memory_space<vmem_shared>>) offsets(%arg7 : memref<128xi32, #tpu.memory_space<vmem>>) semaphore(%run_scoped3A : memref<!tpu.dma_semaphore, #tpu.memory_space<semaphore_mem>>) {add = true}
        %dma_wait3A_84 = arith.constant 0 : i32
        %dma_wait3A_85 = arith.constant 0 : i32
        %dma_wait3A_86 = tpu.memref_slice %arg13[%dma_wait3A_84, %dma_wait3A_85] : memref<10112x128xf32, #tpu.memory_space<vmem_shared>> -> memref<10112x128xf32, #tpu.memory_space<vmem_shared>>
        tpu.wait_indirect_dma semaphore(%run_scoped3A : memref<!tpu.dma_semaphore, #tpu.memory_space<semaphore_mem>>) src(%arg12 : memref<128x128xf32, #tpu.memory_space<vmem>>) dst(%dma_wait3A_86 : memref<10112x128xf32, #tpu.memory_space<vmem_shared>>)
        tpu.yield
      }) : () -> ()
      %add3A_54 = arith.constant 2 : i32
      %add3A_55 = arith.addi %mul3A_38, %add3A_54 : i32
      %lt3A = arith.constant 156 : i32
      %lt3A_56 = arith.cmpi slt, %add3A_55, %lt3A : i32
      %convert_element_type3A = arith.extui %lt3A_56 : i1 to i32
      %cond3A = arith.constant 0 : i32
      %cond3A_57 = arith.cmpi ne, %convert_element_type3A, %cond3A : i32
      scf.if %cond3A_57 {
        %add3A_81 = arith.constant 2 : i32
        %add3A_82 = arith.addi %mul3A_38, %add3A_81 : i32
        %mul3A_83 = arith.constant 128 : i32
        %mul3A_84 = arith.muli %add3A_82, %mul3A_83 : i32
        %add3A_85 = arith.addi %mul3A_4, %mul3A_84 : i32
        %multiple_of3A_86 = tpu.assume_multiple %add3A_85, 8 : i32
        %dma_start3A_87 = tpu.memref_slice %arg2[%multiple_of3A_86] : memref<640000xi32, #tpu.memory_space<hbm>> -> memref<128xi32, #tpu.memory_space<hbm>>
        %dma_start3A_88 = tpu.memref_slice %arg2[%multiple_of3A_86] : memref<640000xi32, #tpu.memory_space<hbm>> -> memref<128xi32, #tpu.memory_space<hbm>>
        tpu.enqueue_dma source(%dma_start3A_88 : memref<128xi32, #tpu.memory_space<hbm>>) target(%arg7 : memref<128xi32, #tpu.memory_space<vmem>>) target_semaphore(%arg14 : memref<!tpu.dma_semaphore, #tpu.memory_space<semaphore_mem>>)
        %dma_start3A_89 = arith.constant 0 : i32
        %dma_start3A_90 = tpu.memref_slice %arg3[%multiple_of3A_86, %dma_start3A_89] : memref<640000x16xf32, #tpu.memory_space<hbm>> -> memref<128x16xf32, #tpu.memory_space<hbm>>
        %dma_start3A_91 = arith.constant 0 : i32
        %dma_start3A_92 = tpu.memref_slice %arg3[%multiple_of3A_86, %dma_start3A_91] : memref<640000x16xf32, #tpu.memory_space<hbm>> -> memref<128x16xf32, #tpu.memory_space<hbm>>
        tpu.enqueue_dma source(%dma_start3A_92 : memref<128x16xf32, #tpu.memory_space<hbm>>) target(%arg10 : memref<128x16xf32, #tpu.memory_space<vmem>>) target_semaphore(%arg16 : memref<!tpu.dma_semaphore, #tpu.memory_space<semaphore_mem>>)
      } else {
      }
      %dma_wait3A_58 = arith.constant 0 : i32
      %dma_wait3A_59 = tpu.memref_slice %arg2[%dma_wait3A_58] : memref<640000xi32, #tpu.memory_space<hbm>> -> memref<128xi32, #tpu.memory_space<hbm>>
      %dma_wait3A_60 = arith.constant 0 : i32
      %dma_wait3A_61 = tpu.memref_slice %arg2[%dma_wait3A_60] : memref<640000xi32, #tpu.memory_space<hbm>> -> memref<128xi32, #tpu.memory_space<hbm>>
      tpu.wait_dma2 semaphore(%arg15 : memref<!tpu.dma_semaphore, #tpu.memory_space<semaphore_mem>>) src(%dma_wait3A_61 : memref<128xi32, #tpu.memory_space<hbm>>) dst(%arg8 : memref<128xi32, #tpu.memory_space<vmem>>)
      %dma_wait3A_62 = arith.constant 0 : i32
      %dma_wait3A_63 = arith.constant 0 : i32
      %dma_wait3A_64 = tpu.memref_slice %arg3[%dma_wait3A_62, %dma_wait3A_63] : memref<640000x16xf32, #tpu.memory_space<hbm>> -> memref<128x16xf32, #tpu.memory_space<hbm>>
      %dma_wait3A_65 = arith.constant 0 : i32
      %dma_wait3A_66 = arith.constant 0 : i32
      %dma_wait3A_67 = tpu.memref_slice %arg3[%dma_wait3A_65, %dma_wait3A_66] : memref<640000x16xf32, #tpu.memory_space<hbm>> -> memref<128x16xf32, #tpu.memory_space<hbm>>
      tpu.wait_dma2 semaphore(%arg17 : memref<!tpu.dma_semaphore, #tpu.memory_space<semaphore_mem>>) src(%dma_wait3A_67 : memref<128x16xf32, #tpu.memory_space<hbm>>) dst(%arg11 : memref<128x16xf32, #tpu.memory_space<vmem>>)
      %scan3A_68 = arith.constant 0 : i32
      %scan3A_69 = arith.constant 0 : i32
      %scan3A_70 = arith.constant 16 : i32
      %scan3A_71 = arith.addi %scan3A_69, %scan3A_70 : i32
      %scan3A_72 = arith.constant 1 : i32
      scf.for %scan3A_81 = %scan3A_69 to %scan3A_71 step %scan3A_72  : i32 {
        %mul3A_82 = arith.constant 8 : i32
        %mul3A_83 = arith.muli %scan3A_81, %mul3A_82 : i32
        %add3A_84 = arith.constant 0 : i32
        %add3A_85 = arith.addi %mul3A_83, %add3A_84 : i32
        %get3A = arith.index_cast %add3A_85 : i32 to index
        %get3A_86 = arith.constant 0 : index
        %get3A_87 = tpu.vector_load %arg11[%get3A, %get3A_86] {strides = array<i32>} : memref<128x16xf32, #tpu.memory_space<vmem>>, vector<1x16xf32>,
        %get3A_88 = vector.shape_cast %get3A_87 : vector<1x16xf32> to vector<16xf32>
        %swap3A = arith.index_cast %add3A_85 : i32 to index
        %swap3A_89 = arith.constant 0 : index
        %swap3A_90 = tpu.vector_load %arg12[%swap3A, %swap3A_89] {strides = array<i32>} : memref<128x128xf32, #tpu.memory_space<vmem>>, vector<1x16xf32>,
        %swap3A_91 = vector.shape_cast %swap3A_90 : vector<1x16xf32> to vector<16xf32>
        %swap3A_92 = vector.shape_cast %get3A_88 : vector<16xf32> to vector<1x16xf32>
        tpu.vector_store %arg12[%swap3A, %swap3A_89], %swap3A_92 {strides = array<i32>} : memref<128x128xf32, #tpu.memory_space<vmem>>, vector<1x16xf32>,
        %mul3A_93 = arith.constant 8 : i32
        %mul3A_94 = arith.muli %scan3A_81, %mul3A_93 : i32
        %add3A_95 = arith.constant 1 : i32
        %add3A_96 = arith.addi %mul3A_94, %add3A_95 : i32
        %get3A_97 = arith.index_cast %add3A_96 : i32 to index
        %get3A_98 = arith.constant 0 : index
        %get3A_99 = tpu.vector_load %arg11[%get3A_97, %get3A_98] {strides = array<i32>} : memref<128x16xf32, #tpu.memory_space<vmem>>, vector<1x16xf32>,
        %get3A_100 = vector.shape_cast %get3A_99 : vector<1x16xf32> to vector<16xf32>
        %swap3A_101 = arith.index_cast %add3A_96 : i32 to index
        %swap3A_102 = arith.constant 0 : index
        %swap3A_103 = tpu.vector_load %arg12[%swap3A_101, %swap3A_102] {strides = array<i32>} : memref<128x128xf32, #tpu.memory_space<vmem>>, vector<1x16xf32>,
        %swap3A_104 = vector.shape_cast %swap3A_103 : vector<1x16xf32> to vector<16xf32>
        %swap3A_105 = vector.shape_cast %get3A_100 : vector<16xf32> to vector<1x16xf32>
        tpu.vector_store %arg12[%swap3A_101, %swap3A_102], %swap3A_105 {strides = array<i32>} : memref<128x128xf32, #tpu.memory_space<vmem>>, vector<1x16xf32>,
        %mul3A_106 = arith.constant 8 : i32
        %mul3A_107 = arith.muli %scan3A_81, %mul3A_106 : i32
        %add3A_108 = arith.constant 2 : i32
        %add3A_109 = arith.addi %mul3A_107, %add3A_108 : i32
        %get3A_110 = arith.index_cast %add3A_109 : i32 to index
        %get3A_111 = arith.constant 0 : index
        %get3A_112 = tpu.vector_load %arg11[%get3A_110, %get3A_111] {strides = array<i32>} : memref<128x16xf32, #tpu.memory_space<vmem>>, vector<1x16xf32>,
        %get3A_113 = vector.shape_cast %get3A_112 : vector<1x16xf32> to vector<16xf32>
        %swap3A_114 = arith.index_cast %add3A_109 : i32 to index
        %swap3A_115 = arith.constant 0 : index
        %swap3A_116 = tpu.vector_load %arg12[%swap3A_114, %swap3A_115] {strides = array<i32>} : memref<128x128xf32, #tpu.memory_space<vmem>>, vector<1x16xf32>,
        %swap3A_117 = vector.shape_cast %swap3A_116 : vector<1x16xf32> to vector<16xf32>
        %swap3A_118 = vector.shape_cast %get3A_113 : vector<16xf32> to vector<1x16xf32>
        tpu.vector_store %arg12[%swap3A_114, %swap3A_115], %swap3A_118 {strides = array<i32>} : memref<128x128xf32, #tpu.memory_space<vmem>>, vector<1x16xf32>,
        %mul3A_119 = arith.constant 8 : i32
        %mul3A_120 = arith.muli %scan3A_81, %mul3A_119 : i32
        %add3A_121 = arith.constant 3 : i32
        %add3A_122 = arith.addi %mul3A_120, %add3A_121 : i32
        %get3A_123 = arith.index_cast %add3A_122 : i32 to index
        %get3A_124 = arith.constant 0 : index
        %get3A_125 = tpu.vector_load %arg11[%get3A_123, %get3A_124] {strides = array<i32>} : memref<128x16xf32, #tpu.memory_space<vmem>>, vector<1x16xf32>,
        %get3A_126 = vector.shape_cast %get3A_125 : vector<1x16xf32> to vector<16xf32>
        %swap3A_127 = arith.index_cast %add3A_122 : i32 to index
        %swap3A_128 = arith.constant 0 : index
        %swap3A_129 = tpu.vector_load %arg12[%swap3A_127, %swap3A_128] {strides = array<i32>} : memref<128x128xf32, #tpu.memory_space<vmem>>, vector<1x16xf32>,
        %swap3A_130 = vector.shape_cast %swap3A_129 : vector<1x16xf32> to vector<16xf32>
        %swap3A_131 = vector.shape_cast %get3A_126 : vector<16xf32> to vector<1x16xf32>
        tpu.vector_store %arg12[%swap3A_127, %swap3A_128], %swap3A_131 {strides = array<i32>} : memref<128x128xf32, #tpu.memory_space<vmem>>, vector<1x16xf32>,
        %mul3A_132 = arith.constant 8 : i32
        %mul3A_133 = arith.muli %scan3A_81, %mul3A_132 : i32
        %add3A_134 = arith.constant 4 : i32
        %add3A_135 = arith.addi %mul3A_133, %add3A_134 : i32
        %get3A_136 = arith.index_cast %add3A_135 : i32 to index
        %get3A_137 = arith.constant 0 : index
        %get3A_138 = tpu.vector_load %arg11[%get3A_136, %get3A_137] {strides = array<i32>} : memref<128x16xf32, #tpu.memory_space<vmem>>, vector<1x16xf32>,
        %get3A_139 = vector.shape_cast %get3A_138 : vector<1x16xf32> to vector<16xf32>
        %swap3A_140 = arith.index_cast %add3A_135 : i32 to index
        %swap3A_141 = arith.constant 0 : index
        %swap3A_142 = tpu.vector_load %arg12[%swap3A_140, %swap3A_141] {strides = array<i32>} : memref<128x128xf32, #tpu.memory_space<vmem>>, vector<1x16xf32>,
        %swap3A_143 = vector.shape_cast %swap3A_142 : vector<1x16xf32> to vector<16xf32>
        %swap3A_144 = vector.shape_cast %get3A_139 : vector<16xf32> to vector<1x16xf32>
        tpu.vector_store %arg12[%swap3A_140, %swap3A_141], %swap3A_144 {strides = array<i32>} : memref<128x128xf32, #tpu.memory_space<vmem>>, vector<1x16xf32>,
        %mul3A_145 = arith.constant 8 : i32
        %mul3A_146 = arith.muli %scan3A_81, %mul3A_145 : i32
        %add3A_147 = arith.constant 5 : i32
        %add3A_148 = arith.addi %mul3A_146, %add3A_147 : i32
        %get3A_149 = arith.index_cast %add3A_148 : i32 to index
        %get3A_150 = arith.constant 0 : index
        %get3A_151 = tpu.vector_load %arg11[%get3A_149, %get3A_150] {strides = array<i32>} : memref<128x16xf32, #tpu.memory_space<vmem>>, vector<1x16xf32>,
        %get3A_152 = vector.shape_cast %get3A_151 : vector<1x16xf32> to vector<16xf32>
        %swap3A_153 = arith.index_cast %add3A_148 : i32 to index
        %swap3A_154 = arith.constant 0 : index
        %swap3A_155 = tpu.vector_load %arg12[%swap3A_153, %swap3A_154] {strides = array<i32>} : memref<128x128xf32, #tpu.memory_space<vmem>>, vector<1x16xf32>,
        %swap3A_156 = vector.shape_cast %swap3A_155 : vector<1x16xf32> to vector<16xf32>
        %swap3A_157 = vector.shape_cast %get3A_152 : vector<16xf32> to vector<1x16xf32>
        tpu.vector_store %arg12[%swap3A_153, %swap3A_154], %swap3A_157 {strides = array<i32>} : memref<128x128xf32, #tpu.memory_space<vmem>>, vector<1x16xf32>,
        %mul3A_158 = arith.constant 8 : i32
        %mul3A_159 = arith.muli %scan3A_81, %mul3A_158 : i32
        %add3A_160 = arith.constant 6 : i32
        %add3A_161 = arith.addi %mul3A_159, %add3A_160 : i32
        %get3A_162 = arith.index_cast %add3A_161 : i32 to index
        %get3A_163 = arith.constant 0 : index
        %get3A_164 = tpu.vector_load %arg11[%get3A_162, %get3A_163] {strides = array<i32>} : memref<128x16xf32, #tpu.memory_space<vmem>>, vector<1x16xf32>,
        %get3A_165 = vector.shape_cast %get3A_164 : vector<1x16xf32> to vector<16xf32>
        %swap3A_166 = arith.index_cast %add3A_161 : i32 to index
        %swap3A_167 = arith.constant 0 : index
        %swap3A_168 = tpu.vector_load %arg12[%swap3A_166, %swap3A_167] {strides = array<i32>} : memref<128x128xf32, #tpu.memory_space<vmem>>, vector<1x16xf32>,
        %swap3A_169 = vector.shape_cast %swap3A_168 : vector<1x16xf32> to vector<16xf32>
        %swap3A_170 = vector.shape_cast %get3A_165 : vector<16xf32> to vector<1x16xf32>
        tpu.vector_store %arg12[%swap3A_166, %swap3A_167], %swap3A_170 {strides = array<i32>} : memref<128x128xf32, #tpu.memory_space<vmem>>, vector<1x16xf32>,
        %mul3A_171 = arith.constant 8 : i32
        %mul3A_172 = arith.muli %scan3A_81, %mul3A_171 : i32
        %add3A_173 = arith.constant 7 : i32
        %add3A_174 = arith.addi %mul3A_172, %add3A_173 : i32
        %get3A_175 = arith.index_cast %add3A_174 : i32 to index
        %get3A_176 = arith.constant 0 : index
        %get3A_177 = tpu.vector_load %arg11[%get3A_175, %get3A_176] {strides = array<i32>} : memref<128x16xf32, #tpu.memory_space<vmem>>, vector<1x16xf32>,
        %get3A_178 = vector.shape_cast %get3A_177 : vector<1x16xf32> to vector<16xf32>
        %swap3A_179 = arith.index_cast %add3A_174 : i32 to index
        %swap3A_180 = arith.constant 0 : index
        %swap3A_181 = tpu.vector_load %arg12[%swap3A_179, %swap3A_180] {strides = array<i32>} : memref<128x128xf32, #tpu.memory_space<vmem>>, vector<1x16xf32>,
        %swap3A_182 = vector.shape_cast %swap3A_181 : vector<1x16xf32> to vector<16xf32>
        %swap3A_183 = vector.shape_cast %get3A_178 : vector<16xf32> to vector<1x16xf32>
        tpu.vector_store %arg12[%swap3A_179, %swap3A_180], %swap3A_183 {strides = array<i32>} : memref<128x128xf32, #tpu.memory_space<vmem>>, vector<1x16xf32>,
      }
      %scan3A_73 = arith.constant 16 : i32
      "tpu.region"() ({
        %run_scoped3A = tpu.sem_alloc : memref<!tpu.dma_semaphore, #tpu.memory_space<semaphore_mem>>
        %dma_start3A_81 = arith.constant 0 : i32
        %dma_start3A_82 = arith.constant 0 : i32
        %dma_start3A_83 = tpu.memref_slice %arg13[%dma_start3A_81, %dma_start3A_82] : memref<10112x128xf32, #tpu.memory_space<vmem_shared>> -> memref<10112x128xf32, #tpu.memory_space<vmem_shared>>
        tpu.enqueue_indirect_dma source(%arg12 : memref<128x128xf32, #tpu.memory_space<vmem>>) target(%dma_start3A_83 : memref<10112x128xf32, #tpu.memory_space<vmem_shared>>) offsets(%arg8 : memref<128xi32, #tpu.memory_space<vmem>>) semaphore(%run_scoped3A : memref<!tpu.dma_semaphore, #tpu.memory_space<semaphore_mem>>) {add = true}
        %dma_wait3A_84 = arith.constant 0 : i32
        %dma_wait3A_85 = arith.constant 0 : i32
        %dma_wait3A_86 = tpu.memref_slice %arg13[%dma_wait3A_84, %dma_wait3A_85] : memref<10112x128xf32, #tpu.memory_space<vmem_shared>> -> memref<10112x128xf32, #tpu.memory_space<vmem_shared>>
        tpu.wait_indirect_dma semaphore(%run_scoped3A : memref<!tpu.dma_semaphore, #tpu.memory_space<semaphore_mem>>) src(%arg12 : memref<128x128xf32, #tpu.memory_space<vmem>>) dst(%dma_wait3A_86 : memref<10112x128xf32, #tpu.memory_space<vmem_shared>>)
        tpu.yield
      }) : () -> ()
      %add3A_74 = arith.constant 3 : i32
      %add3A_75 = arith.addi %mul3A_38, %add3A_74 : i32
      %lt3A_76 = arith.constant 156 : i32
      %lt3A_77 = arith.cmpi slt, %add3A_75, %lt3A_76 : i32
      %convert_element_type3A_78 = arith.extui %lt3A_77 : i1 to i32
      %cond3A_79 = arith.constant 0 : i32
      %cond3A_80 = arith.cmpi ne, %convert_element_type3A_78, %cond3A_79 : i32
      scf.if %cond3A_80 {
        %add3A_81 = arith.constant 3 : i32
        %add3A_82 = arith.addi %mul3A_38, %add3A_81 : i32
        %mul3A_83 = arith.constant 128 : i32
        %mul3A_84 = arith.muli %add3A_82, %mul3A_83 : i32
        %add3A_85 = arith.addi %mul3A_4, %mul3A_84 : i32
        %multiple_of3A_86 = tpu.assume_multiple %add3A_85, 8 : i32
        %dma_start3A_87 = tpu.memref_slice %arg2[%multiple_of3A_86] : memref<640000xi32, #tpu.memory_space<hbm>> -> memref<128xi32, #tpu.memory_space<hbm>>
        %dma_start3A_88 = tpu.memref_slice %arg2[%multiple_of3A_86] : memref<640000xi32, #tpu.memory_space<hbm>> -> memref<128xi32, #tpu.memory_space<hbm>>
        tpu.enqueue_dma source(%dma_start3A_88 : memref<128xi32, #tpu.memory_space<hbm>>) target(%arg8 : memref<128xi32, #tpu.memory_space<vmem>>) target_semaphore(%arg15 : memref<!tpu.dma_semaphore, #tpu.memory_space<semaphore_mem>>)
        %dma_start3A_89 = arith.constant 0 : i32
        %dma_start3A_90 = tpu.memref_slice %arg3[%multiple_of3A_86, %dma_start3A_89] : memref<640000x16xf32, #tpu.memory_space<hbm>> -> memref<128x16xf32, #tpu.memory_space<hbm>>
        %dma_start3A_91 = arith.constant 0 : i32
        %dma_start3A_92 = tpu.memref_slice %arg3[%multiple_of3A_86, %dma_start3A_91] : memref<640000x16xf32, #tpu.memory_space<hbm>> -> memref<128x16xf32, #tpu.memory_space<hbm>>
        tpu.enqueue_dma source(%dma_start3A_92 : memref<128x16xf32, #tpu.memory_space<hbm>>) target(%arg11 : memref<128x16xf32, #tpu.memory_space<vmem>>) target_semaphore(%arg17 : memref<!tpu.dma_semaphore, #tpu.memory_space<semaphore_mem>>)
      } else {
      }
    }
    %scan3A_25 = arith.constant 78 : i32
    %add3A_26 = arith.constant 19968 : i32
    %add3A_27 = arith.addi %mul3A_4, %add3A_26 : i32
    %multiple_of3A_28 = tpu.assume_multiple %add3A_27, 8 : i32
    "tpu.region"() ({
      %run_scoped3A = tpu.sem_alloc : memref<!tpu.dma_semaphore, #tpu.memory_space<semaphore_mem>>
      %dma_start3A_36 = tpu.memref_slice %arg2[%multiple_of3A_28] : memref<640000xi32, #tpu.memory_space<hbm>> -> memref<32xi32, #tpu.memory_space<hbm>>
      %dma_start3A_37 = tpu.memref_slice %arg2[%multiple_of3A_28] : memref<640000xi32, #tpu.memory_space<hbm>> -> memref<32xi32, #tpu.memory_space<hbm>>
      tpu.enqueue_dma source(%dma_start3A_37 : memref<32xi32, #tpu.memory_space<hbm>>) target(%arg9 : memref<32xi32, #tpu.memory_space<vmem>>) target_semaphore(%run_scoped3A : memref<!tpu.dma_semaphore, #tpu.memory_space<semaphore_mem>>)
      %dma_wait3A = tpu.memref_slice %arg2[%multiple_of3A_28] : memref<640000xi32, #tpu.memory_space<hbm>> -> memref<32xi32, #tpu.memory_space<hbm>>
      %dma_wait3A_38 = tpu.memref_slice %arg2[%multiple_of3A_28] : memref<640000xi32, #tpu.memory_space<hbm>> -> memref<32xi32, #tpu.memory_space<hbm>>
      tpu.wait_dma2 semaphore(%run_scoped3A : memref<!tpu.dma_semaphore, #tpu.memory_space<semaphore_mem>>) src(%dma_wait3A_38 : memref<32xi32, #tpu.memory_space<hbm>>) dst(%arg9 : memref<32xi32, #tpu.memory_space<vmem>>)
      tpu.yield
    }) : () -> ()
    "tpu.region"() ({
      %run_scoped3A = tpu.sem_alloc : memref<!tpu.dma_semaphore, #tpu.memory_space<semaphore_mem>>
      %dma_start3A_36 = arith.constant 0 : i32
      %dma_start3A_37 = arith.constant 0 : i32
      %dma_start3A_38 = tpu.memref_slice %arg10[%dma_start3A_36, %dma_start3A_37] : memref<128x16xf32, #tpu.memory_space<vmem>> -> memref<32x16xf32, #tpu.memory_space<vmem>>
      %dma_start3A_39 = arith.constant 0 : i32
      %dma_start3A_40 = tpu.memref_slice %arg3[%multiple_of3A_28, %dma_start3A_39] : memref<640000x16xf32, #tpu.memory_space<hbm>> -> memref<32x16xf32, #tpu.memory_space<hbm>>
      %dma_start3A_41 = arith.constant 0 : i32
      %dma_start3A_42 = arith.constant 0 : i32
      %dma_start3A_43 = tpu.memref_slice %arg10[%dma_start3A_41, %dma_start3A_42] : memref<128x16xf32, #tpu.memory_space<vmem>> -> memref<32x16xf32, #tpu.memory_space<vmem>>
      %dma_start3A_44 = arith.constant 0 : i32
      %dma_start3A_45 = tpu.memref_slice %arg3[%multiple_of3A_28, %dma_start3A_44] : memref<640000x16xf32, #tpu.memory_space<hbm>> -> memref<32x16xf32, #tpu.memory_space<hbm>>
      tpu.enqueue_dma source(%dma_start3A_45 : memref<32x16xf32, #tpu.memory_space<hbm>>) target(%dma_start3A_43 : memref<32x16xf32, #tpu.memory_space<vmem>>) target_semaphore(%run_scoped3A : memref<!tpu.dma_semaphore, #tpu.memory_space<semaphore_mem>>)
      %dma_wait3A = arith.constant 0 : i32
      %dma_wait3A_46 = arith.constant 0 : i32
      %dma_wait3A_47 = tpu.memref_slice %arg10[%dma_wait3A, %dma_wait3A_46] : memref<128x16xf32, #tpu.memory_space<vmem>> -> memref<32x16xf32, #tpu.memory_space<vmem>>
      %dma_wait3A_48 = arith.constant 0 : i32
      %dma_wait3A_49 = tpu.memref_slice %arg3[%multiple_of3A_28, %dma_wait3A_48] : memref<640000x16xf32, #tpu.memory_space<hbm>> -> memref<32x16xf32, #tpu.memory_space<hbm>>
      %dma_wait3A_50 = arith.constant 0 : i32
      %dma_wait3A_51 = arith.constant 0 : i32
      %dma_wait3A_52 = tpu.memref_slice %arg10[%dma_wait3A_50, %dma_wait3A_51] : memref<128x16xf32, #tpu.memory_space<vmem>> -> memref<32x16xf32, #tpu.memory_space<vmem>>
      %dma_wait3A_53 = arith.constant 0 : i32
      %dma_wait3A_54 = tpu.memref_slice %arg3[%multiple_of3A_28, %dma_wait3A_53] : memref<640000x16xf32, #tpu.memory_space<hbm>> -> memref<32x16xf32, #tpu.memory_space<hbm>>
      tpu.wait_dma2 semaphore(%run_scoped3A : memref<!tpu.dma_semaphore, #tpu.memory_space<semaphore_mem>>) src(%dma_wait3A_54 : memref<32x16xf32, #tpu.memory_space<hbm>>) dst(%dma_wait3A_52 : memref<32x16xf32, #tpu.memory_space<vmem>>)
      tpu.yield
    }) : () -> ()
    %scan3A_29 = arith.constant 0 : i32
    %scan3A_30 = arith.constant 0 : i32
    %scan3A_31 = arith.constant 4 : i32
    %scan3A_32 = arith.addi %scan3A_30, %scan3A_31 : i32
    %scan3A_33 = arith.constant 1 : i32
    scf.for %scan3A_36 = %scan3A_30 to %scan3A_32 step %scan3A_33  : i32 {
      %mul3A_37 = arith.constant 8 : i32
      %mul3A_38 = arith.muli %scan3A_36, %mul3A_37 : i32
      %add3A_39 = arith.constant 0 : i32
      %add3A_40 = arith.addi %mul3A_38, %add3A_39 : i32
      %get3A = arith.index_cast %add3A_40 : i32 to index
      %get3A_41 = arith.constant 0 : index
      %get3A_42 = tpu.vector_load %arg10[%get3A, %get3A_41] {strides = array<i32>} : memref<128x16xf32, #tpu.memory_space<vmem>>, vector<1x16xf32>,
      %get3A_43 = vector.shape_cast %get3A_42 : vector<1x16xf32> to vector<16xf32>
      %swap3A = arith.index_cast %add3A_40 : i32 to index
      %swap3A_44 = arith.constant 0 : index
      %swap3A_45 = tpu.vector_load %arg12[%swap3A, %swap3A_44] {strides = array<i32>} : memref<128x128xf32, #tpu.memory_space<vmem>>, vector<1x16xf32>,
      %swap3A_46 = vector.shape_cast %swap3A_45 : vector<1x16xf32> to vector<16xf32>
      %swap3A_47 = vector.shape_cast %get3A_43 : vector<16xf32> to vector<1x16xf32>
      tpu.vector_store %arg12[%swap3A, %swap3A_44], %swap3A_47 {strides = array<i32>} : memref<128x128xf32, #tpu.memory_space<vmem>>, vector<1x16xf32>,
      %mul3A_48 = arith.constant 8 : i32
      %mul3A_49 = arith.muli %scan3A_36, %mul3A_48 : i32
      %add3A_50 = arith.constant 1 : i32
      %add3A_51 = arith.addi %mul3A_49, %add3A_50 : i32
      %get3A_52 = arith.index_cast %add3A_51 : i32 to index
      %get3A_53 = arith.constant 0 : index
      %get3A_54 = tpu.vector_load %arg10[%get3A_52, %get3A_53] {strides = array<i32>} : memref<128x16xf32, #tpu.memory_space<vmem>>, vector<1x16xf32>,
      %get3A_55 = vector.shape_cast %get3A_54 : vector<1x16xf32> to vector<16xf32>
      %swap3A_56 = arith.index_cast %add3A_51 : i32 to index
      %swap3A_57 = arith.constant 0 : index
      %swap3A_58 = tpu.vector_load %arg12[%swap3A_56, %swap3A_57] {strides = array<i32>} : memref<128x128xf32, #tpu.memory_space<vmem>>, vector<1x16xf32>,
      %swap3A_59 = vector.shape_cast %swap3A_58 : vector<1x16xf32> to vector<16xf32>
      %swap3A_60 = vector.shape_cast %get3A_55 : vector<16xf32> to vector<1x16xf32>
      tpu.vector_store %arg12[%swap3A_56, %swap3A_57], %swap3A_60 {strides = array<i32>} : memref<128x128xf32, #tpu.memory_space<vmem>>, vector<1x16xf32>,
      %mul3A_61 = arith.constant 8 : i32
      %mul3A_62 = arith.muli %scan3A_36, %mul3A_61 : i32
      %add3A_63 = arith.constant 2 : i32
      %add3A_64 = arith.addi %mul3A_62, %add3A_63 : i32
      %get3A_65 = arith.index_cast %add3A_64 : i32 to index
      %get3A_66 = arith.constant 0 : index
      %get3A_67 = tpu.vector_load %arg10[%get3A_65, %get3A_66] {strides = array<i32>} : memref<128x16xf32, #tpu.memory_space<vmem>>, vector<1x16xf32>,
      %get3A_68 = vector.shape_cast %get3A_67 : vector<1x16xf32> to vector<16xf32>
      %swap3A_69 = arith.index_cast %add3A_64 : i32 to index
      %swap3A_70 = arith.constant 0 : index
      %swap3A_71 = tpu.vector_load %arg12[%swap3A_69, %swap3A_70] {strides = array<i32>} : memref<128x128xf32, #tpu.memory_space<vmem>>, vector<1x16xf32>,
      %swap3A_72 = vector.shape_cast %swap3A_71 : vector<1x16xf32> to vector<16xf32>
      %swap3A_73 = vector.shape_cast %get3A_68 : vector<16xf32> to vector<1x16xf32>
      tpu.vector_store %arg12[%swap3A_69, %swap3A_70], %swap3A_73 {strides = array<i32>} : memref<128x128xf32, #tpu.memory_space<vmem>>, vector<1x16xf32>,
      %mul3A_74 = arith.constant 8 : i32
      %mul3A_75 = arith.muli %scan3A_36, %mul3A_74 : i32
      %add3A_76 = arith.constant 3 : i32
      %add3A_77 = arith.addi %mul3A_75, %add3A_76 : i32
      %get3A_78 = arith.index_cast %add3A_77 : i32 to index
      %get3A_79 = arith.constant 0 : index
      %get3A_80 = tpu.vector_load %arg10[%get3A_78, %get3A_79] {strides = array<i32>} : memref<128x16xf32, #tpu.memory_space<vmem>>, vector<1x16xf32>,
      %get3A_81 = vector.shape_cast %get3A_80 : vector<1x16xf32> to vector<16xf32>
      %swap3A_82 = arith.index_cast %add3A_77 : i32 to index
      %swap3A_83 = arith.constant 0 : index
      %swap3A_84 = tpu.vector_load %arg12[%swap3A_82, %swap3A_83] {strides = array<i32>} : memref<128x128xf32, #tpu.memory_space<vmem>>, vector<1x16xf32>,
      %swap3A_85 = vector.shape_cast %swap3A_84 : vector<1x16xf32> to vector<16xf32>
      %swap3A_86 = vector.shape_cast %get3A_81 : vector<16xf32> to vector<1x16xf32>
      tpu.vector_store %arg12[%swap3A_82, %swap3A_83], %swap3A_86 {strides = array<i32>} : memref<128x128xf32, #tpu.memory_space<vmem>>, vector<1x16xf32>,
      %mul3A_87 = arith.constant 8 : i32
      %mul3A_88 = arith.muli %scan3A_36, %mul3A_87 : i32
      %add3A_89 = arith.constant 4 : i32
      %add3A_90 = arith.addi %mul3A_88, %add3A_89 : i32
      %get3A_91 = arith.index_cast %add3A_90 : i32 to index
      %get3A_92 = arith.constant 0 : index
      %get3A_93 = tpu.vector_load %arg10[%get3A_91, %get3A_92] {strides = array<i32>} : memref<128x16xf32, #tpu.memory_space<vmem>>, vector<1x16xf32>,
      %get3A_94 = vector.shape_cast %get3A_93 : vector<1x16xf32> to vector<16xf32>
      %swap3A_95 = arith.index_cast %add3A_90 : i32 to index
      %swap3A_96 = arith.constant 0 : index
      %swap3A_97 = tpu.vector_load %arg12[%swap3A_95, %swap3A_96] {strides = array<i32>} : memref<128x128xf32, #tpu.memory_space<vmem>>, vector<1x16xf32>,
      %swap3A_98 = vector.shape_cast %swap3A_97 : vector<1x16xf32> to vector<16xf32>
      %swap3A_99 = vector.shape_cast %get3A_94 : vector<16xf32> to vector<1x16xf32>
      tpu.vector_store %arg12[%swap3A_95, %swap3A_96], %swap3A_99 {strides = array<i32>} : memref<128x128xf32, #tpu.memory_space<vmem>>, vector<1x16xf32>,
      %mul3A_100 = arith.constant 8 : i32
      %mul3A_101 = arith.muli %scan3A_36, %mul3A_100 : i32
      %add3A_102 = arith.constant 5 : i32
      %add3A_103 = arith.addi %mul3A_101, %add3A_102 : i32
      %get3A_104 = arith.index_cast %add3A_103 : i32 to index
      %get3A_105 = arith.constant 0 : index
      %get3A_106 = tpu.vector_load %arg10[%get3A_104, %get3A_105] {strides = array<i32>} : memref<128x16xf32, #tpu.memory_space<vmem>>, vector<1x16xf32>,
      %get3A_107 = vector.shape_cast %get3A_106 : vector<1x16xf32> to vector<16xf32>
      %swap3A_108 = arith.index_cast %add3A_103 : i32 to index
      %swap3A_109 = arith.constant 0 : index
      %swap3A_110 = tpu.vector_load %arg12[%swap3A_108, %swap3A_109] {strides = array<i32>} : memref<128x128xf32, #tpu.memory_space<vmem>>, vector<1x16xf32>,
      %swap3A_111 = vector.shape_cast %swap3A_110 : vector<1x16xf32> to vector<16xf32>
      %swap3A_112 = vector.shape_cast %get3A_107 : vector<16xf32> to vector<1x16xf32>
      tpu.vector_store %arg12[%swap3A_108, %swap3A_109], %swap3A_112 {strides = array<i32>} : memref<128x128xf32, #tpu.memory_space<vmem>>, vector<1x16xf32>,
      %mul3A_113 = arith.constant 8 : i32
      %mul3A_114 = arith.muli %scan3A_36, %mul3A_113 : i32
      %add3A_115 = arith.constant 6 : i32
      %add3A_116 = arith.addi %mul3A_114, %add3A_115 : i32
      %get3A_117 = arith.index_cast %add3A_116 : i32 to index
      %get3A_118 = arith.constant 0 : index
      %get3A_119 = tpu.vector_load %arg10[%get3A_117, %get3A_118] {strides = array<i32>} : memref<128x16xf32, #tpu.memory_space<vmem>>, vector<1x16xf32>,
      %get3A_120 = vector.shape_cast %get3A_119 : vector<1x16xf32> to vector<16xf32>
      %swap3A_121 = arith.index_cast %add3A_116 : i32 to index
      %swap3A_122 = arith.constant 0 : index
      %swap3A_123 = tpu.vector_load %arg12[%swap3A_121, %swap3A_122] {strides = array<i32>} : memref<128x128xf32, #tpu.memory_space<vmem>>, vector<1x16xf32>,
      %swap3A_124 = vector.shape_cast %swap3A_123 : vector<1x16xf32> to vector<16xf32>
      %swap3A_125 = vector.shape_cast %get3A_120 : vector<16xf32> to vector<1x16xf32>
      tpu.vector_store %arg12[%swap3A_121, %swap3A_122], %swap3A_125 {strides = array<i32>} : memref<128x128xf32, #tpu.memory_space<vmem>>, vector<1x16xf32>,
      %mul3A_126 = arith.constant 8 : i32
      %mul3A_127 = arith.muli %scan3A_36, %mul3A_126 : i32
      %add3A_128 = arith.constant 7 : i32
      %add3A_129 = arith.addi %mul3A_127, %add3A_128 : i32
      %get3A_130 = arith.index_cast %add3A_129 : i32 to index
      %get3A_131 = arith.constant 0 : index
      %get3A_132 = tpu.vector_load %arg10[%get3A_130, %get3A_131] {strides = array<i32>} : memref<128x16xf32, #tpu.memory_space<vmem>>, vector<1x16xf32>,
      %get3A_133 = vector.shape_cast %get3A_132 : vector<1x16xf32> to vector<16xf32>
      %swap3A_134 = arith.index_cast %add3A_129 : i32 to index
      %swap3A_135 = arith.constant 0 : index
      %swap3A_136 = tpu.vector_load %arg12[%swap3A_134, %swap3A_135] {strides = array<i32>} : memref<128x128xf32, #tpu.memory_space<vmem>>, vector<1x16xf32>,
      %swap3A_137 = vector.shape_cast %swap3A_136 : vector<1x16xf32> to vector<16xf32>
      %swap3A_138 = vector.shape_cast %get3A_133 : vector<16xf32> to vector<1x16xf32>
      tpu.vector_store %arg12[%swap3A_134, %swap3A_135], %swap3A_138 {strides = array<i32>} : memref<128x128xf32, #tpu.memory_space<vmem>>, vector<1x16xf32>,
    }
    %scan3A_34 = arith.constant 4 : i32
    "tpu.region"() ({
      %run_scoped3A = tpu.sem_alloc : memref<!tpu.dma_semaphore, #tpu.memory_space<semaphore_mem>>
      %dma_start3A_36 = arith.constant 0 : i32
      %dma_start3A_37 = arith.constant 0 : i32
      %dma_start3A_38 = tpu.memref_slice %arg12[%dma_start3A_36, %dma_start3A_37] : memref<128x128xf32, #tpu.memory_space<vmem>> -> memref<32x128xf32, #tpu.memory_space<vmem>>
      %dma_start3A_39 = arith.constant 0 : i32
      %dma_start3A_40 = arith.constant 0 : i32
      %dma_start3A_41 = tpu.memref_slice %arg13[%dma_start3A_39, %dma_start3A_40] : memref<10112x128xf32, #tpu.memory_space<vmem_shared>> -> memref<10112x128xf32, #tpu.memory_space<vmem_shared>>
      tpu.enqueue_indirect_dma source(%dma_start3A_38 : memref<32x128xf32, #tpu.memory_space<vmem>>) target(%dma_start3A_41 : memref<10112x128xf32, #tpu.memory_space<vmem_shared>>) offsets(%arg9 : memref<32xi32, #tpu.memory_space<vmem>>) semaphore(%run_scoped3A : memref<!tpu.dma_semaphore, #tpu.memory_space<semaphore_mem>>) {add = true}
      %dma_wait3A = arith.constant 0 : i32
      %dma_wait3A_42 = arith.constant 0 : i32
      %dma_wait3A_43 = tpu.memref_slice %arg12[%dma_wait3A, %dma_wait3A_42] : memref<128x128xf32, #tpu.memory_space<vmem>> -> memref<32x128xf32, #tpu.memory_space<vmem>>
      %dma_wait3A_44 = arith.constant 0 : i32
      %dma_wait3A_45 = arith.constant 0 : i32
      %dma_wait3A_46 = tpu.memref_slice %arg13[%dma_wait3A_44, %dma_wait3A_45] : memref<10112x128xf32, #tpu.memory_space<vmem_shared>> -> memref<10112x128xf32, #tpu.memory_space<vmem_shared>>
      tpu.wait_indirect_dma semaphore(%run_scoped3A : memref<!tpu.dma_semaphore, #tpu.memory_space<semaphore_mem>>) src(%dma_wait3A_43 : memref<32x128xf32, #tpu.memory_space<vmem>>) dst(%dma_wait3A_46 : memref<10112x128xf32, #tpu.memory_space<vmem_shared>>)
      tpu.yield
    }) : () -> ()
    %barrier3A_35 = arith.constant 0 : index
    tpu.barrier barrier_id(%barrier3A_35)
    "tpu.region"() ({
      %run_scoped3A = tpu.sem_alloc : memref<!tpu.dma_semaphore, #tpu.memory_space<semaphore_mem>>
      %dma_start3A_36 = arith.constant 0 : i32
      %dma_start3A_37 = tpu.memref_slice %arg6[%arg0, %mul3A_0, %dma_start3A_36] : memref<2x10112x128xf32, #tpu.memory_space<hbm>> -> memref<1x632x128xf32, #tpu.memory_space<hbm>>
      %dma_start3A_38 = tpu.memref_squeeze %dma_start3A_37 : memref<1x632x128xf32, #tpu.memory_space<hbm>> -> memref<632x128xf32, #tpu.memory_space<hbm>>
      %dma_start3A_39 = arith.constant 0 : i32
      %dma_start3A_40 = tpu.memref_slice %arg13[%mul3A_0, %dma_start3A_39] : memref<10112x128xf32, #tpu.memory_space<vmem_shared>> -> memref<632x128xf32, #tpu.memory_space<vmem_shared>>
      tpu.enqueue_dma source(%dma_start3A_40 : memref<632x128xf32, #tpu.memory_space<vmem_shared>>) target(%dma_start3A_38 : memref<632x128xf32, #tpu.memory_space<hbm>>) target_semaphore(%run_scoped3A : memref<!tpu.dma_semaphore, #tpu.memory_space<semaphore_mem>>)
      %dma_wait3A = arith.constant 0 : i32
      %dma_wait3A_41 = tpu.memref_slice %arg6[%arg0, %mul3A_0, %dma_wait3A] : memref<2x10112x128xf32, #tpu.memory_space<hbm>> -> memref<1x632x128xf32, #tpu.memory_space<hbm>>
      %dma_wait3A_42 = tpu.memref_squeeze %dma_wait3A_41 : memref<1x632x128xf32, #tpu.memory_space<hbm>> -> memref<632x128xf32, #tpu.memory_space<hbm>>
      %dma_wait3A_43 = arith.constant 0 : i32
      %dma_wait3A_44 = tpu.memref_slice %arg13[%mul3A_0, %dma_wait3A_43] : memref<10112x128xf32, #tpu.memory_space<vmem_shared>> -> memref<632x128xf32, #tpu.memory_space<vmem_shared>>
      tpu.wait_dma2 semaphore(%run_scoped3A : memref<!tpu.dma_semaphore, #tpu.memory_space<semaphore_mem>>) src(%dma_wait3A_44 : memref<632x128xf32, #tpu.memory_space<vmem_shared>>) dst(%dma_wait3A_42 : memref<632x128xf32, #tpu.memory_space<hbm>>)
      tpu.yield
    }) : () -> ()
    return
  }
}

module attributes {stable_mosaic.version = 14 : i64} {
  func.func @_edge_mlp_body(%arg0: i32, %arg1: memref<8000x16xf32, #tpu.memory_space<vmem>>, %arg2: memref<16x128xf32, #tpu.memory_space<vmem>>, %arg3: memref<1x128xf32, #tpu.memory_space<vmem>>, %arg4: memref<128x128xf32, #tpu.memory_space<vmem>>, %arg5: memref<1x128xf32, #tpu.memory_space<vmem>>, %arg6: memref<128x128xf32, #tpu.memory_space<vmem>>, %arg7: memref<1x128xf32, #tpu.memory_space<vmem>>, %arg8: memref<8000x128xf32, #tpu.memory_space<vmem>>) attributes {dimension_semantics = [#tpu.dimension_semantics<arbitrary>], iteration_bounds = array<i64: 80>, scalar_prefetch = 0 : i64, scratch_operands = 0 : i64, tpu.core_type = #tpu.core_type<tc>, window_params = [{transform_indices = @transform_0, window_bounds = array<i64: 8000, 16>}, {pipeline_mode = #tpu.pipeline_mode<synchronous>, transform_indices = @transform_1, window_bounds = array<i64: 16, 128>}, {pipeline_mode = #tpu.pipeline_mode<synchronous>, transform_indices = @transform_2, window_bounds = array<i64: 1, 128>}, {pipeline_mode = #tpu.pipeline_mode<synchronous>, transform_indices = @transform_3, window_bounds = array<i64: 128, 128>}, {pipeline_mode = #tpu.pipeline_mode<synchronous>, transform_indices = @transform_4, window_bounds = array<i64: 1, 128>}, {pipeline_mode = #tpu.pipeline_mode<synchronous>, transform_indices = @transform_5, window_bounds = array<i64: 128, 128>}, {pipeline_mode = #tpu.pipeline_mode<synchronous>, transform_indices = @transform_6, window_bounds = array<i64: 1, 128>}, {transform_indices = @transform_7, window_bounds = array<i64: 8000, 128>}]} {
    %get3A = arith.constant 0 : index
    %get3A_0 = arith.constant 0 : index
    %get3A_1 = vector.load %arg1[%get3A, %get3A_0] : memref<8000x16xf32, #tpu.memory_space<vmem>>, vector<8000x16xf32>
    %get3A_2 = arith.constant 0 : index
    %get3A_3 = arith.constant 0 : index
    %get3A_4 = vector.load %arg2[%get3A_2, %get3A_3] : memref<16x128xf32, #tpu.memory_space<vmem>>, vector<16x128xf32>
    %get3A_5 = arith.constant 0 : index
    %get3A_6 = arith.constant 0 : index
    %get3A_7 = vector.load %arg3[%get3A_5, %get3A_6] : memref<1x128xf32, #tpu.memory_space<vmem>>, vector<1x128xf32>
    %get3A_8 = arith.constant 0 : index
    %get3A_9 = arith.constant 0 : index
    %get3A_10 = vector.load %arg4[%get3A_8, %get3A_9] : memref<128x128xf32, #tpu.memory_space<vmem>>, vector<128x128xf32>
    %get3A_11 = arith.constant 0 : index
    %get3A_12 = arith.constant 0 : index
    %get3A_13 = vector.load %arg5[%get3A_11, %get3A_12] : memref<1x128xf32, #tpu.memory_space<vmem>>, vector<1x128xf32>
    %get3A_14 = arith.constant 0 : index
    %get3A_15 = arith.constant 0 : index
    %get3A_16 = vector.load %arg6[%get3A_14, %get3A_15] : memref<128x128xf32, #tpu.memory_space<vmem>>, vector<128x128xf32>
    %get3A_17 = arith.constant 0 : index
    %get3A_18 = arith.constant 0 : index
    %get3A_19 = vector.load %arg7[%get3A_17, %get3A_18] : memref<1x128xf32, #tpu.memory_space<vmem>>, vector<1x128xf32>
    %dot_general3A = arith.constant dense<0.000000e+00> : vector<8000x128xf32>
    %dot_general3A_20 = tpu.matmul %get3A_1, %get3A_4, %dot_general3A {dimension_numbers = #tpu.dot_dimension_numbers<[1], [0], [0], [1], [0, 0, 1, 1], [], []>, transpose_lhs_hint = false} : vector<8000x16xf32>, vector<16x128xf32>, vector<8000x128xf32> -> vector<8000x128xf32>
    %add3A = vector.broadcast %get3A_7 : vector<1x128xf32> to vector<8000x128xf32>
    %add3A_21 = arith.addf %dot_general3A_20, %add3A : vector<8000x128xf32>
    %max3A = arith.constant 0.000000e+00 : f32
    %max3A_22 = vector.broadcast %max3A : f32 to vector<8000x128xf32>
    %max3A_23 = arith.maximumf %add3A_21, %max3A_22 : vector<8000x128xf32>
    %dot_general3A_24 = arith.constant dense<0.000000e+00> : vector<8000x128xf32>
    %dot_general3A_25 = tpu.matmul %max3A_23, %get3A_10, %dot_general3A_24 {dimension_numbers = #tpu.dot_dimension_numbers<[1], [0], [0], [1], [0, 0, 1, 1], [], []>, transpose_lhs_hint = false} : vector<8000x128xf32>, vector<128x128xf32>, vector<8000x128xf32> -> vector<8000x128xf32>
    %add3A_26 = vector.broadcast %get3A_13 : vector<1x128xf32> to vector<8000x128xf32>
    %add3A_27 = arith.addf %dot_general3A_25, %add3A_26 : vector<8000x128xf32>
    %max3A_28 = arith.constant 0.000000e+00 : f32
    %max3A_29 = vector.broadcast %max3A_28 : f32 to vector<8000x128xf32>
    %max3A_30 = arith.maximumf %add3A_27, %max3A_29 : vector<8000x128xf32>
    %dot_general3A_31 = arith.constant dense<0.000000e+00> : vector<8000x128xf32>
    %dot_general3A_32 = tpu.matmul %max3A_30, %get3A_16, %dot_general3A_31 {dimension_numbers = #tpu.dot_dimension_numbers<[1], [0], [0], [1], [0, 0, 1, 1], [], []>, transpose_lhs_hint = false} : vector<8000x128xf32>, vector<128x128xf32>, vector<8000x128xf32> -> vector<8000x128xf32>
    %add3A_33 = vector.broadcast %get3A_19 : vector<1x128xf32> to vector<8000x128xf32>
    %add3A_34 = arith.addf %dot_general3A_32, %add3A_33 : vector<8000x128xf32>
    %swap3A = arith.constant 0 : index
    %swap3A_35 = arith.constant 0 : index
    %swap3A_36 = vector.load %arg8[%swap3A, %swap3A_35] : memref<8000x128xf32, #tpu.memory_space<vmem>>, vector<8000x128xf32>
    tpu.vector_store %arg8[%swap3A, %swap3A_35], %add3A_34 {strides = array<i32>} : memref<8000x128xf32, #tpu.memory_space<vmem>>, vector<8000x128xf32>,
    return
  }
  func.func @transform_0(%arg0: i32) -> (i32, i32) {
    %c0_i32 = arith.constant 0 : i32
    %c0_i32_0 = arith.constant 0 : i32
    return %arg0, %c0_i32 : i32, i32
  }
  func.func @transform_1(%arg0: i32) -> (i32, i32) {
    %c0_i32 = arith.constant 0 : i32
    %c0_i32_0 = arith.constant 0 : i32
    %c0_i32_1 = arith.constant 0 : i32
    return %c0_i32, %c0_i32_0 : i32, i32
  }
  func.func @transform_2(%arg0: i32) -> (i32, i32) {
    %c0_i32 = arith.constant 0 : i32
    %c0_i32_0 = arith.constant 0 : i32
    %c0_i32_1 = arith.constant 0 : i32
    return %c0_i32, %c0_i32_0 : i32, i32
  }
  func.func @transform_3(%arg0: i32) -> (i32, i32) {
    %c0_i32 = arith.constant 0 : i32
    %c0_i32_0 = arith.constant 0 : i32
    %c0_i32_1 = arith.constant 0 : i32
    return %c0_i32, %c0_i32_0 : i32, i32
  }
  func.func @transform_4(%arg0: i32) -> (i32, i32) {
    %c0_i32 = arith.constant 0 : i32
    %c0_i32_0 = arith.constant 0 : i32
    %c0_i32_1 = arith.constant 0 : i32
    return %c0_i32, %c0_i32_0 : i32, i32
  }
  func.func @transform_5(%arg0: i32) -> (i32, i32) {
    %c0_i32 = arith.constant 0 : i32
    %c0_i32_0 = arith.constant 0 : i32
    %c0_i32_1 = arith.constant 0 : i32
    return %c0_i32, %c0_i32_0 : i32, i32
  }
  func.func @transform_6(%arg0: i32) -> (i32, i32) {
    %c0_i32 = arith.constant 0 : i32
    %c0_i32_0 = arith.constant 0 : i32
    %c0_i32_1 = arith.constant 0 : i32
    return %c0_i32, %c0_i32_0 : i32, i32
  }
  func.func @transform_7(%arg0: i32) -> (i32, i32) {
    %c0_i32 = arith.constant 0 : i32
    %c0_i32_0 = arith.constant 0 : i32
    return %arg0, %c0_i32 : i32, i32
  }
}

module attributes {stable_mosaic.version = 14 : i64} {
  func.func @_loop_mlp_body(%arg0: i32, %arg1: memref<2x1264x128xf32, #tpu.memory_space<vmem>>, %arg2: memref<16x128xf32, #tpu.memory_space<vmem>>, %arg3: memref<1x128xf32, #tpu.memory_space<vmem>>, %arg4: memref<128x128xf32, #tpu.memory_space<vmem>>, %arg5: memref<1x128xf32, #tpu.memory_space<vmem>>, %arg6: memref<128x128xf32, #tpu.memory_space<vmem>>, %arg7: memref<1x128xf32, #tpu.memory_space<vmem>>, %arg8: memref<1264x128xf32, #tpu.memory_space<vmem>>) attributes {dimension_semantics = [#tpu.dimension_semantics<arbitrary>], iteration_bounds = array<i64: 8>, scalar_prefetch = 0 : i64, scratch_operands = 0 : i64, tpu.core_type = #tpu.core_type<tc>, window_params = [{transform_indices = @transform_0, window_bounds = array<i64: 2, 1264, 128>}, {pipeline_mode = #tpu.pipeline_mode<synchronous>, transform_indices = @transform_1, window_bounds = array<i64: 16, 128>}, {pipeline_mode = #tpu.pipeline_mode<synchronous>, transform_indices = @transform_2, window_bounds = array<i64: 1, 128>}, {pipeline_mode = #tpu.pipeline_mode<synchronous>, transform_indices = @transform_3, window_bounds = array<i64: 128, 128>}, {pipeline_mode = #tpu.pipeline_mode<synchronous>, transform_indices = @transform_4, window_bounds = array<i64: 1, 128>}, {pipeline_mode = #tpu.pipeline_mode<synchronous>, transform_indices = @transform_5, window_bounds = array<i64: 128, 128>}, {pipeline_mode = #tpu.pipeline_mode<synchronous>, transform_indices = @transform_6, window_bounds = array<i64: 1, 128>}, {transform_indices = @transform_7, window_bounds = array<i64: 1264, 128>}]} {
    %get3A = arith.constant 0 : index
    %get3A_0 = arith.constant 0 : index
    %get3A_1 = arith.constant 0 : index
    %get3A_2 = vector.load %arg1[%get3A, %get3A_0, %get3A_1] : memref<2x1264x128xf32, #tpu.memory_space<vmem>>, vector<1x1264x128xf32>
    %get3A_3 = vector.shape_cast %get3A_2 : vector<1x1264x128xf32> to vector<1264x128xf32>
    %get3A_4 = arith.constant 1 : index
    %get3A_5 = arith.constant 0 : index
    %get3A_6 = arith.constant 0 : index
    %get3A_7 = vector.load %arg1[%get3A_4, %get3A_5, %get3A_6] : memref<2x1264x128xf32, #tpu.memory_space<vmem>>, vector<1x1264x128xf32>
    %get3A_8 = vector.shape_cast %get3A_7 : vector<1x1264x128xf32> to vector<1264x128xf32>
    %add3A = arith.addf %get3A_3, %get3A_8 : vector<1264x128xf32>
    %slice3A = vector.extract_strided_slice %add3A {offsets = [0, 0], sizes = [1264, 16], strides = [1, 1]} : vector<1264x128xf32> to vector<1264x16xf32>
    %slice3A_9 = vector.extract_strided_slice %add3A {offsets = [0, 16], sizes = [1264, 1], strides = [1, 1]} : vector<1264x128xf32> to vector<1264x1xf32>
    %max3A = arith.constant 1.000000e+00 : f32
    %max3A_10 = vector.broadcast %max3A : f32 to vector<1264x1xf32>
    %max3A_11 = arith.maximumf %slice3A_9, %max3A_10 : vector<1264x1xf32>
    %div3A = vector.broadcast %max3A_11 : vector<1264x1xf32> to vector<1264x16xf32>
    %div3A_12 = arith.divf %slice3A, %div3A : vector<1264x16xf32>
    %get3A_13 = arith.constant 0 : index
    %get3A_14 = arith.constant 0 : index
    %get3A_15 = vector.load %arg2[%get3A_13, %get3A_14] : memref<16x128xf32, #tpu.memory_space<vmem>>, vector<16x128xf32>
    %get3A_16 = arith.constant 0 : index
    %get3A_17 = arith.constant 0 : index
    %get3A_18 = vector.load %arg3[%get3A_16, %get3A_17] : memref<1x128xf32, #tpu.memory_space<vmem>>, vector<1x128xf32>
    %get3A_19 = arith.constant 0 : index
    %get3A_20 = arith.constant 0 : index
    %get3A_21 = vector.load %arg4[%get3A_19, %get3A_20] : memref<128x128xf32, #tpu.memory_space<vmem>>, vector<128x128xf32>
    %get3A_22 = arith.constant 0 : index
    %get3A_23 = arith.constant 0 : index
    %get3A_24 = vector.load %arg5[%get3A_22, %get3A_23] : memref<1x128xf32, #tpu.memory_space<vmem>>, vector<1x128xf32>
    %get3A_25 = arith.constant 0 : index
    %get3A_26 = arith.constant 0 : index
    %get3A_27 = vector.load %arg6[%get3A_25, %get3A_26] : memref<128x128xf32, #tpu.memory_space<vmem>>, vector<128x128xf32>
    %get3A_28 = arith.constant 0 : index
    %get3A_29 = arith.constant 0 : index
    %get3A_30 = vector.load %arg7[%get3A_28, %get3A_29] : memref<1x128xf32, #tpu.memory_space<vmem>>, vector<1x128xf32>
    %dot_general3A = arith.constant dense<0.000000e+00> : vector<1264x128xf32>
    %dot_general3A_31 = tpu.matmul %div3A_12, %get3A_15, %dot_general3A {dimension_numbers = #tpu.dot_dimension_numbers<[1], [0], [0], [1], [0, 0, 1, 1], [], []>, transpose_lhs_hint = false} : vector<1264x16xf32>, vector<16x128xf32>, vector<1264x128xf32> -> vector<1264x128xf32>
    %add3A_32 = vector.broadcast %get3A_18 : vector<1x128xf32> to vector<1264x128xf32>
    %add3A_33 = arith.addf %dot_general3A_31, %add3A_32 : vector<1264x128xf32>
    %max3A_34 = arith.constant 0.000000e+00 : f32
    %max3A_35 = vector.broadcast %max3A_34 : f32 to vector<1264x128xf32>
    %max3A_36 = arith.maximumf %add3A_33, %max3A_35 : vector<1264x128xf32>
    %dot_general3A_37 = arith.constant dense<0.000000e+00> : vector<1264x128xf32>
    %dot_general3A_38 = tpu.matmul %max3A_36, %get3A_21, %dot_general3A_37 {dimension_numbers = #tpu.dot_dimension_numbers<[1], [0], [0], [1], [0, 0, 1, 1], [], []>, transpose_lhs_hint = false} : vector<1264x128xf32>, vector<128x128xf32>, vector<1264x128xf32> -> vector<1264x128xf32>
    %add3A_39 = vector.broadcast %get3A_24 : vector<1x128xf32> to vector<1264x128xf32>
    %add3A_40 = arith.addf %dot_general3A_38, %add3A_39 : vector<1264x128xf32>
    %max3A_41 = arith.constant 0.000000e+00 : f32
    %max3A_42 = vector.broadcast %max3A_41 : f32 to vector<1264x128xf32>
    %max3A_43 = arith.maximumf %add3A_40, %max3A_42 : vector<1264x128xf32>
    %dot_general3A_44 = arith.constant dense<0.000000e+00> : vector<1264x128xf32>
    %dot_general3A_45 = tpu.matmul %max3A_43, %get3A_27, %dot_general3A_44 {dimension_numbers = #tpu.dot_dimension_numbers<[1], [0], [0], [1], [0, 0, 1, 1], [], []>, transpose_lhs_hint = false} : vector<1264x128xf32>, vector<128x128xf32>, vector<1264x128xf32> -> vector<1264x128xf32>
    %add3A_46 = vector.broadcast %get3A_30 : vector<1x128xf32> to vector<1264x128xf32>
    %add3A_47 = arith.addf %dot_general3A_45, %add3A_46 : vector<1264x128xf32>
    %swap3A = arith.constant 0 : index
    %swap3A_48 = arith.constant 0 : index
    %swap3A_49 = vector.load %arg8[%swap3A, %swap3A_48] : memref<1264x128xf32, #tpu.memory_space<vmem>>, vector<1264x128xf32>
    tpu.vector_store %arg8[%swap3A, %swap3A_48], %add3A_47 {strides = array<i32>} : memref<1264x128xf32, #tpu.memory_space<vmem>>, vector<1264x128xf32>,
    return
  }
  func.func @transform_0(%arg0: i32) -> (i32, i32, i32) {
    %c0_i32 = arith.constant 0 : i32
    %c0_i32_0 = arith.constant 0 : i32
    %c0_i32_1 = arith.constant 0 : i32
    return %c0_i32, %arg0, %c0_i32_0 : i32, i32, i32
  }
  func.func @transform_1(%arg0: i32) -> (i32, i32) {
    %c0_i32 = arith.constant 0 : i32
    %c0_i32_0 = arith.constant 0 : i32
    %c0_i32_1 = arith.constant 0 : i32
    return %c0_i32, %c0_i32_0 : i32, i32
  }
  func.func @transform_2(%arg0: i32) -> (i32, i32) {
    %c0_i32 = arith.constant 0 : i32
    %c0_i32_0 = arith.constant 0 : i32
    %c0_i32_1 = arith.constant 0 : i32
    return %c0_i32, %c0_i32_0 : i32, i32
  }
  func.func @transform_3(%arg0: i32) -> (i32, i32) {
    %c0_i32 = arith.constant 0 : i32
    %c0_i32_0 = arith.constant 0 : i32
    %c0_i32_1 = arith.constant 0 : i32
    return %c0_i32, %c0_i32_0 : i32, i32
  }
  func.func @transform_4(%arg0: i32) -> (i32, i32) {
    %c0_i32 = arith.constant 0 : i32
    %c0_i32_0 = arith.constant 0 : i32
    %c0_i32_1 = arith.constant 0 : i32
    return %c0_i32, %c0_i32_0 : i32, i32
  }
  func.func @transform_5(%arg0: i32) -> (i32, i32) {
    %c0_i32 = arith.constant 0 : i32
    %c0_i32_0 = arith.constant 0 : i32
    %c0_i32_1 = arith.constant 0 : i32
    return %c0_i32, %c0_i32_0 : i32, i32
  }
  func.func @transform_6(%arg0: i32) -> (i32, i32) {
    %c0_i32 = arith.constant 0 : i32
    %c0_i32_0 = arith.constant 0 : i32
    %c0_i32_1 = arith.constant 0 : i32
    return %c0_i32, %c0_i32_0 : i32, i32
  }
  func.func @transform_7(%arg0: i32) -> (i32, i32) {
    %c0_i32 = arith.constant 0 : i32
    %c0_i32_0 = arith.constant 0 : i32
    return %arg0, %c0_i32 : i32, i32
  }
}

module attributes {stable_mosaic.version = 14 : i64} {
  func.func @_pool_head_body(%arg0: i32, %arg1: memref<2x1264x128xf32, #tpu.memory_space<vmem>>, %arg2: memref<1264x128xf32, #tpu.memory_space<vmem>>, %arg3: memref<1264x1xi32, #tpu.memory_space<vmem>>, %arg4: memref<128x128xf32, #tpu.memory_space<vmem>>, %arg5: memref<1x128xf32, #tpu.memory_space<vmem>>, %arg6: memref<128x10xf32, #tpu.memory_space<vmem>>, %arg7: memref<1x10xf32, #tpu.memory_space<vmem>>, %arg8: memref<64x10xf32, #tpu.memory_space<vmem>>, %arg9: memref<64x128xf32, #tpu.memory_space<vmem>>) attributes {dimension_semantics = [#tpu.dimension_semantics<arbitrary>], iteration_bounds = array<i64: 8>, scalar_prefetch = 0 : i64, scratch_operands = 1 : i64, tpu.core_type = #tpu.core_type<tc>, window_params = [{transform_indices = @transform_0, window_bounds = array<i64: 2, 1264, 128>}, {transform_indices = @transform_1, window_bounds = array<i64: 1264, 128>}, {transform_indices = @transform_2, window_bounds = array<i64: 1264, 1>}, {pipeline_mode = #tpu.pipeline_mode<synchronous>, transform_indices = @transform_3, window_bounds = array<i64: 128, 128>}, {pipeline_mode = #tpu.pipeline_mode<synchronous>, transform_indices = @transform_4, window_bounds = array<i64: 1, 128>}, {pipeline_mode = #tpu.pipeline_mode<synchronous>, transform_indices = @transform_5, window_bounds = array<i64: 128, 10>}, {pipeline_mode = #tpu.pipeline_mode<synchronous>, transform_indices = @transform_6, window_bounds = array<i64: 1, 10>}, {pipeline_mode = #tpu.pipeline_mode<synchronous>, transform_indices = @transform_7, window_bounds = array<i64: 64, 10>}]} {
    %eq3A = arith.constant 0 : i32
    %eq3A_0 = arith.cmpi eq, %arg0, %eq3A : i32
    %convert_element_type3A = arith.extui %eq3A_0 : i1 to i32
    %cond3A = arith.constant 0 : i32
    %cond3A_1 = arith.cmpi ne, %convert_element_type3A, %cond3A : i32
    scf.if %cond3A_1 {
      %broadcast_in_dim3A = arith.constant 0xFF800000 : f32
      %broadcast_in_dim3A_598 = vector.broadcast %broadcast_in_dim3A : f32 to vector<64x128xf32>
      %swap3A = arith.constant 0 : index
      %swap3A_599 = arith.constant 0 : index
      %swap3A_600 = vector.load %arg9[%swap3A, %swap3A_599] : memref<64x128xf32, #tpu.memory_space<vmem>>, vector<64x128xf32>
      tpu.vector_store %arg9[%swap3A, %swap3A_599], %broadcast_in_dim3A_598 {strides = array<i32>} : memref<64x128xf32, #tpu.memory_space<vmem>>, vector<64x128xf32>,
    } else {
    }
    %get3A = arith.constant 0 : index
    %get3A_2 = arith.constant 0 : index
    %get3A_3 = arith.constant 0 : index
    %get3A_4 = vector.load %arg1[%get3A, %get3A_2, %get3A_3] : memref<2x1264x128xf32, #tpu.memory_space<vmem>>, vector<1x1264x128xf32>
    %get3A_5 = vector.shape_cast %get3A_4 : vector<1x1264x128xf32> to vector<1264x128xf32>
    %get3A_6 = arith.constant 1 : index
    %get3A_7 = arith.constant 0 : index
    %get3A_8 = arith.constant 0 : index
    %get3A_9 = vector.load %arg1[%get3A_6, %get3A_7, %get3A_8] : memref<2x1264x128xf32, #tpu.memory_space<vmem>>, vector<1x1264x128xf32>
    %get3A_10 = vector.shape_cast %get3A_9 : vector<1x1264x128xf32> to vector<1264x128xf32>
    %add3A = arith.addf %get3A_5, %get3A_10 : vector<1264x128xf32>
    %get3A_11 = arith.constant 0 : index
    %get3A_12 = arith.constant 0 : index
    %get3A_13 = vector.load %arg2[%get3A_11, %get3A_12] : memref<1264x128xf32, #tpu.memory_space<vmem>>, vector<1264x128xf32>
    %add3A_14 = arith.addf %add3A, %get3A_13 : vector<1264x128xf32>
    %get3A_15 = arith.constant 0 : index
    %get3A_16 = arith.constant 0 : index
    %get3A_17 = vector.load %arg3[%get3A_15, %get3A_16] : memref<1264x1xi32, #tpu.memory_space<vmem>>, vector<1264x1xi32>
    %slice3A = vector.extract_strided_slice %get3A_17 {offsets = [0, 0], sizes = [1, 1], strides = [1, 1]} : vector<1264x1xi32> to vector<1x1xi32>
    %squeeze3A = vector.extract %slice3A[0, 0] : i32 from vector<1x1xi32>
    %slice3A_18 = vector.extract_strided_slice %get3A_17 {offsets = [1263, 0], sizes = [1, 1], strides = [1, 1]} : vector<1264x1xi32> to vector<1x1xi32>
    %squeeze3A_19 = vector.extract %slice3A_18[0, 0] : i32 from vector<1x1xi32>
    %le3A = arith.constant 0 : i32
    %le3A_20 = arith.cmpi sle, %squeeze3A, %le3A : i32
    %ge3A = arith.constant 0 : i32
    %ge3A_21 = arith.cmpi sge, %squeeze3A_19, %ge3A : i32
    %and3A = arith.andi %le3A_20, %ge3A_21 : i1
    %convert_element_type3A_22 = arith.extui %and3A : i1 to i32
    %cond3A_23 = arith.constant 0xFF800000 : f32
    %cond3A_24 = arith.constant 0 : i32
    %cond3A_25 = arith.cmpi ne, %convert_element_type3A_22, %cond3A_24 : i32
    scf.if %cond3A_25 {
      %eq3A_598 = arith.constant 0 : i32
      %eq3A_599 = vector.broadcast %eq3A_598 : i32 to vector<1264x1xi32>
      %eq3A_600 = arith.cmpi eq, %get3A_17, %eq3A_599 : vector<1264x1xi32>
      %jit3A = arith.constant 0.000000e+00 : f32
      %broadcast_in_dim3A = vector.broadcast %jit3A : f32 to vector<1264x1xf32>
      %broadcast_in_dim3A_601 = vector.broadcast %cond3A_23 : f32 to vector<1264x1xf32>
      %select_n3A = arith.select %eq3A_600, %broadcast_in_dim3A, %broadcast_in_dim3A_601 : vector<1264x1xi1>, vector<1264x1xf32>
      %add3A_602 = vector.broadcast %select_n3A : vector<1264x1xf32> to vector<1264x128xf32>
      %add3A_603 = arith.addf %add3A_14, %add3A_602 : vector<1264x128xf32>
      %reduce_max3A = arith.constant dense<0xFF800000> : vector<128xf32>
      %reduce_max3A_604 = vector.multi_reduction <maximumf>, %add3A_603, %reduce_max3A [0] : vector<1264x128xf32> to vector<128xf32>
      %broadcast_in_dim3A_605 = vector.shape_cast %reduce_max3A_604 : vector<128xf32> to vector<1x128xf32>
      %get3A_606 = arith.constant 0 : index
      %get3A_607 = arith.constant 0 : index
      %get3A_608 = vector.load %arg9[%get3A_606, %get3A_607] : memref<64x128xf32, #tpu.memory_space<vmem>>, vector<1x128xf32>
      %max3A = arith.maximumf %get3A_608, %broadcast_in_dim3A_605 : vector<1x128xf32>
      %swap3A = arith.constant 0 : index
      %swap3A_609 = arith.constant 0 : index
      %swap3A_610 = vector.load %arg9[%swap3A, %swap3A_609] : memref<64x128xf32, #tpu.memory_space<vmem>>, vector<1x128xf32>
      tpu.vector_store %arg9[%swap3A, %swap3A_609], %max3A {strides = array<i32>} : memref<64x128xf32, #tpu.memory_space<vmem>>, vector<1x128xf32>,
    } else {
    }
    %le3A_26 = arith.constant 1 : i32
    %le3A_27 = arith.cmpi sle, %squeeze3A, %le3A_26 : i32
    %ge3A_28 = arith.constant 1 : i32
    %ge3A_29 = arith.cmpi sge, %squeeze3A_19, %ge3A_28 : i32
    %and3A_30 = arith.andi %le3A_27, %ge3A_29 : i1
    %convert_element_type3A_31 = arith.extui %and3A_30 : i1 to i32
    %cond3A_32 = arith.constant 0xFF800000 : f32
    %cond3A_33 = arith.constant 0 : i32
    %cond3A_34 = arith.cmpi ne, %convert_element_type3A_31, %cond3A_33 : i32
    scf.if %cond3A_34 {
      %eq3A_598 = arith.constant 1 : i32
      %eq3A_599 = vector.broadcast %eq3A_598 : i32 to vector<1264x1xi32>
      %eq3A_600 = arith.cmpi eq, %get3A_17, %eq3A_599 : vector<1264x1xi32>
      %jit3A = arith.constant 0.000000e+00 : f32
      %broadcast_in_dim3A = vector.broadcast %jit3A : f32 to vector<1264x1xf32>
      %broadcast_in_dim3A_601 = vector.broadcast %cond3A_32 : f32 to vector<1264x1xf32>
      %select_n3A = arith.select %eq3A_600, %broadcast_in_dim3A, %broadcast_in_dim3A_601 : vector<1264x1xi1>, vector<1264x1xf32>
      %add3A_602 = vector.broadcast %select_n3A : vector<1264x1xf32> to vector<1264x128xf32>
      %add3A_603 = arith.addf %add3A_14, %add3A_602 : vector<1264x128xf32>
      %reduce_max3A = arith.constant dense<0xFF800000> : vector<128xf32>
      %reduce_max3A_604 = vector.multi_reduction <maximumf>, %add3A_603, %reduce_max3A [0] : vector<1264x128xf32> to vector<128xf32>
      %broadcast_in_dim3A_605 = vector.shape_cast %reduce_max3A_604 : vector<128xf32> to vector<1x128xf32>
      %get3A_606 = arith.constant 1 : index
      %get3A_607 = arith.constant 0 : index
      %get3A_608 = vector.load %arg9[%get3A_606, %get3A_607] : memref<64x128xf32, #tpu.memory_space<vmem>>, vector<1x128xf32>
      %max3A = arith.maximumf %get3A_608, %broadcast_in_dim3A_605 : vector<1x128xf32>
      %swap3A = arith.constant 1 : index
      %swap3A_609 = arith.constant 0 : index
      %swap3A_610 = vector.load %arg9[%swap3A, %swap3A_609] : memref<64x128xf32, #tpu.memory_space<vmem>>, vector<1x128xf32>
      tpu.vector_store %arg9[%swap3A, %swap3A_609], %max3A {strides = array<i32>} : memref<64x128xf32, #tpu.memory_space<vmem>>, vector<1x128xf32>,
    } else {
    }
    %le3A_35 = arith.constant 2 : i32
    %le3A_36 = arith.cmpi sle, %squeeze3A, %le3A_35 : i32
    %ge3A_37 = arith.constant 2 : i32
    %ge3A_38 = arith.cmpi sge, %squeeze3A_19, %ge3A_37 : i32
    %and3A_39 = arith.andi %le3A_36, %ge3A_38 : i1
    %convert_element_type3A_40 = arith.extui %and3A_39 : i1 to i32
    %cond3A_41 = arith.constant 0xFF800000 : f32
    %cond3A_42 = arith.constant 0 : i32
    %cond3A_43 = arith.cmpi ne, %convert_element_type3A_40, %cond3A_42 : i32
    scf.if %cond3A_43 {
      %eq3A_598 = arith.constant 2 : i32
      %eq3A_599 = vector.broadcast %eq3A_598 : i32 to vector<1264x1xi32>
      %eq3A_600 = arith.cmpi eq, %get3A_17, %eq3A_599 : vector<1264x1xi32>
      %jit3A = arith.constant 0.000000e+00 : f32
      %broadcast_in_dim3A = vector.broadcast %jit3A : f32 to vector<1264x1xf32>
      %broadcast_in_dim3A_601 = vector.broadcast %cond3A_41 : f32 to vector<1264x1xf32>
      %select_n3A = arith.select %eq3A_600, %broadcast_in_dim3A, %broadcast_in_dim3A_601 : vector<1264x1xi1>, vector<1264x1xf32>
      %add3A_602 = vector.broadcast %select_n3A : vector<1264x1xf32> to vector<1264x128xf32>
      %add3A_603 = arith.addf %add3A_14, %add3A_602 : vector<1264x128xf32>
      %reduce_max3A = arith.constant dense<0xFF800000> : vector<128xf32>
      %reduce_max3A_604 = vector.multi_reduction <maximumf>, %add3A_603, %reduce_max3A [0] : vector<1264x128xf32> to vector<128xf32>
      %broadcast_in_dim3A_605 = vector.shape_cast %reduce_max3A_604 : vector<128xf32> to vector<1x128xf32>
      %get3A_606 = arith.constant 2 : index
      %get3A_607 = arith.constant 0 : index
      %get3A_608 = vector.load %arg9[%get3A_606, %get3A_607] : memref<64x128xf32, #tpu.memory_space<vmem>>, vector<1x128xf32>
      %max3A = arith.maximumf %get3A_608, %broadcast_in_dim3A_605 : vector<1x128xf32>
      %swap3A = arith.constant 2 : index
      %swap3A_609 = arith.constant 0 : index
      %swap3A_610 = vector.load %arg9[%swap3A, %swap3A_609] : memref<64x128xf32, #tpu.memory_space<vmem>>, vector<1x128xf32>
      tpu.vector_store %arg9[%swap3A, %swap3A_609], %max3A {strides = array<i32>} : memref<64x128xf32, #tpu.memory_space<vmem>>, vector<1x128xf32>,
    } else {
    }
    %le3A_44 = arith.constant 3 : i32
    %le3A_45 = arith.cmpi sle, %squeeze3A, %le3A_44 : i32
    %ge3A_46 = arith.constant 3 : i32
    %ge3A_47 = arith.cmpi sge, %squeeze3A_19, %ge3A_46 : i32
    %and3A_48 = arith.andi %le3A_45, %ge3A_47 : i1
    %convert_element_type3A_49 = arith.extui %and3A_48 : i1 to i32
    %cond3A_50 = arith.constant 0xFF800000 : f32
    %cond3A_51 = arith.constant 0 : i32
    %cond3A_52 = arith.cmpi ne, %convert_element_type3A_49, %cond3A_51 : i32
    scf.if %cond3A_52 {
      %eq3A_598 = arith.constant 3 : i32
      %eq3A_599 = vector.broadcast %eq3A_598 : i32 to vector<1264x1xi32>
      %eq3A_600 = arith.cmpi eq, %get3A_17, %eq3A_599 : vector<1264x1xi32>
      %jit3A = arith.constant 0.000000e+00 : f32
      %broadcast_in_dim3A = vector.broadcast %jit3A : f32 to vector<1264x1xf32>
      %broadcast_in_dim3A_601 = vector.broadcast %cond3A_50 : f32 to vector<1264x1xf32>
      %select_n3A = arith.select %eq3A_600, %broadcast_in_dim3A, %broadcast_in_dim3A_601 : vector<1264x1xi1>, vector<1264x1xf32>
      %add3A_602 = vector.broadcast %select_n3A : vector<1264x1xf32> to vector<1264x128xf32>
      %add3A_603 = arith.addf %add3A_14, %add3A_602 : vector<1264x128xf32>
      %reduce_max3A = arith.constant dense<0xFF800000> : vector<128xf32>
      %reduce_max3A_604 = vector.multi_reduction <maximumf>, %add3A_603, %reduce_max3A [0] : vector<1264x128xf32> to vector<128xf32>
      %broadcast_in_dim3A_605 = vector.shape_cast %reduce_max3A_604 : vector<128xf32> to vector<1x128xf32>
      %get3A_606 = arith.constant 3 : index
      %get3A_607 = arith.constant 0 : index
      %get3A_608 = vector.load %arg9[%get3A_606, %get3A_607] : memref<64x128xf32, #tpu.memory_space<vmem>>, vector<1x128xf32>
      %max3A = arith.maximumf %get3A_608, %broadcast_in_dim3A_605 : vector<1x128xf32>
      %swap3A = arith.constant 3 : index
      %swap3A_609 = arith.constant 0 : index
      %swap3A_610 = vector.load %arg9[%swap3A, %swap3A_609] : memref<64x128xf32, #tpu.memory_space<vmem>>, vector<1x128xf32>
      tpu.vector_store %arg9[%swap3A, %swap3A_609], %max3A {strides = array<i32>} : memref<64x128xf32, #tpu.memory_space<vmem>>, vector<1x128xf32>,
    } else {
    }
    %le3A_53 = arith.constant 4 : i32
    %le3A_54 = arith.cmpi sle, %squeeze3A, %le3A_53 : i32
    %ge3A_55 = arith.constant 4 : i32
    %ge3A_56 = arith.cmpi sge, %squeeze3A_19, %ge3A_55 : i32
    %and3A_57 = arith.andi %le3A_54, %ge3A_56 : i1
    %convert_element_type3A_58 = arith.extui %and3A_57 : i1 to i32
    %cond3A_59 = arith.constant 0xFF800000 : f32
    %cond3A_60 = arith.constant 0 : i32
    %cond3A_61 = arith.cmpi ne, %convert_element_type3A_58, %cond3A_60 : i32
    scf.if %cond3A_61 {
      %eq3A_598 = arith.constant 4 : i32
      %eq3A_599 = vector.broadcast %eq3A_598 : i32 to vector<1264x1xi32>
      %eq3A_600 = arith.cmpi eq, %get3A_17, %eq3A_599 : vector<1264x1xi32>
      %jit3A = arith.constant 0.000000e+00 : f32
      %broadcast_in_dim3A = vector.broadcast %jit3A : f32 to vector<1264x1xf32>
      %broadcast_in_dim3A_601 = vector.broadcast %cond3A_59 : f32 to vector<1264x1xf32>
      %select_n3A = arith.select %eq3A_600, %broadcast_in_dim3A, %broadcast_in_dim3A_601 : vector<1264x1xi1>, vector<1264x1xf32>
      %add3A_602 = vector.broadcast %select_n3A : vector<1264x1xf32> to vector<1264x128xf32>
      %add3A_603 = arith.addf %add3A_14, %add3A_602 : vector<1264x128xf32>
      %reduce_max3A = arith.constant dense<0xFF800000> : vector<128xf32>
      %reduce_max3A_604 = vector.multi_reduction <maximumf>, %add3A_603, %reduce_max3A [0] : vector<1264x128xf32> to vector<128xf32>
      %broadcast_in_dim3A_605 = vector.shape_cast %reduce_max3A_604 : vector<128xf32> to vector<1x128xf32>
      %get3A_606 = arith.constant 4 : index
      %get3A_607 = arith.constant 0 : index
      %get3A_608 = vector.load %arg9[%get3A_606, %get3A_607] : memref<64x128xf32, #tpu.memory_space<vmem>>, vector<1x128xf32>
      %max3A = arith.maximumf %get3A_608, %broadcast_in_dim3A_605 : vector<1x128xf32>
      %swap3A = arith.constant 4 : index
      %swap3A_609 = arith.constant 0 : index
      %swap3A_610 = vector.load %arg9[%swap3A, %swap3A_609] : memref<64x128xf32, #tpu.memory_space<vmem>>, vector<1x128xf32>
      tpu.vector_store %arg9[%swap3A, %swap3A_609], %max3A {strides = array<i32>} : memref<64x128xf32, #tpu.memory_space<vmem>>, vector<1x128xf32>,
    } else {
    }
    %le3A_62 = arith.constant 5 : i32
    %le3A_63 = arith.cmpi sle, %squeeze3A, %le3A_62 : i32
    %ge3A_64 = arith.constant 5 : i32
    %ge3A_65 = arith.cmpi sge, %squeeze3A_19, %ge3A_64 : i32
    %and3A_66 = arith.andi %le3A_63, %ge3A_65 : i1
    %convert_element_type3A_67 = arith.extui %and3A_66 : i1 to i32
    %cond3A_68 = arith.constant 0xFF800000 : f32
    %cond3A_69 = arith.constant 0 : i32
    %cond3A_70 = arith.cmpi ne, %convert_element_type3A_67, %cond3A_69 : i32
    scf.if %cond3A_70 {
      %eq3A_598 = arith.constant 5 : i32
      %eq3A_599 = vector.broadcast %eq3A_598 : i32 to vector<1264x1xi32>
      %eq3A_600 = arith.cmpi eq, %get3A_17, %eq3A_599 : vector<1264x1xi32>
      %jit3A = arith.constant 0.000000e+00 : f32
      %broadcast_in_dim3A = vector.broadcast %jit3A : f32 to vector<1264x1xf32>
      %broadcast_in_dim3A_601 = vector.broadcast %cond3A_68 : f32 to vector<1264x1xf32>
      %select_n3A = arith.select %eq3A_600, %broadcast_in_dim3A, %broadcast_in_dim3A_601 : vector<1264x1xi1>, vector<1264x1xf32>
      %add3A_602 = vector.broadcast %select_n3A : vector<1264x1xf32> to vector<1264x128xf32>
      %add3A_603 = arith.addf %add3A_14, %add3A_602 : vector<1264x128xf32>
      %reduce_max3A = arith.constant dense<0xFF800000> : vector<128xf32>
      %reduce_max3A_604 = vector.multi_reduction <maximumf>, %add3A_603, %reduce_max3A [0] : vector<1264x128xf32> to vector<128xf32>
      %broadcast_in_dim3A_605 = vector.shape_cast %reduce_max3A_604 : vector<128xf32> to vector<1x128xf32>
      %get3A_606 = arith.constant 5 : index
      %get3A_607 = arith.constant 0 : index
      %get3A_608 = vector.load %arg9[%get3A_606, %get3A_607] : memref<64x128xf32, #tpu.memory_space<vmem>>, vector<1x128xf32>
      %max3A = arith.maximumf %get3A_608, %broadcast_in_dim3A_605 : vector<1x128xf32>
      %swap3A = arith.constant 5 : index
      %swap3A_609 = arith.constant 0 : index
      %swap3A_610 = vector.load %arg9[%swap3A, %swap3A_609] : memref<64x128xf32, #tpu.memory_space<vmem>>, vector<1x128xf32>
      tpu.vector_store %arg9[%swap3A, %swap3A_609], %max3A {strides = array<i32>} : memref<64x128xf32, #tpu.memory_space<vmem>>, vector<1x128xf32>,
    } else {
    }
    %le3A_71 = arith.constant 6 : i32
    %le3A_72 = arith.cmpi sle, %squeeze3A, %le3A_71 : i32
    %ge3A_73 = arith.constant 6 : i32
    %ge3A_74 = arith.cmpi sge, %squeeze3A_19, %ge3A_73 : i32
    %and3A_75 = arith.andi %le3A_72, %ge3A_74 : i1
    %convert_element_type3A_76 = arith.extui %and3A_75 : i1 to i32
    %cond3A_77 = arith.constant 0xFF800000 : f32
    %cond3A_78 = arith.constant 0 : i32
    %cond3A_79 = arith.cmpi ne, %convert_element_type3A_76, %cond3A_78 : i32
    scf.if %cond3A_79 {
      %eq3A_598 = arith.constant 6 : i32
      %eq3A_599 = vector.broadcast %eq3A_598 : i32 to vector<1264x1xi32>
      %eq3A_600 = arith.cmpi eq, %get3A_17, %eq3A_599 : vector<1264x1xi32>
      %jit3A = arith.constant 0.000000e+00 : f32
      %broadcast_in_dim3A = vector.broadcast %jit3A : f32 to vector<1264x1xf32>
      %broadcast_in_dim3A_601 = vector.broadcast %cond3A_77 : f32 to vector<1264x1xf32>
      %select_n3A = arith.select %eq3A_600, %broadcast_in_dim3A, %broadcast_in_dim3A_601 : vector<1264x1xi1>, vector<1264x1xf32>
      %add3A_602 = vector.broadcast %select_n3A : vector<1264x1xf32> to vector<1264x128xf32>
      %add3A_603 = arith.addf %add3A_14, %add3A_602 : vector<1264x128xf32>
      %reduce_max3A = arith.constant dense<0xFF800000> : vector<128xf32>
      %reduce_max3A_604 = vector.multi_reduction <maximumf>, %add3A_603, %reduce_max3A [0] : vector<1264x128xf32> to vector<128xf32>
      %broadcast_in_dim3A_605 = vector.shape_cast %reduce_max3A_604 : vector<128xf32> to vector<1x128xf32>
      %get3A_606 = arith.constant 6 : index
      %get3A_607 = arith.constant 0 : index
      %get3A_608 = vector.load %arg9[%get3A_606, %get3A_607] : memref<64x128xf32, #tpu.memory_space<vmem>>, vector<1x128xf32>
      %max3A = arith.maximumf %get3A_608, %broadcast_in_dim3A_605 : vector<1x128xf32>
      %swap3A = arith.constant 6 : index
      %swap3A_609 = arith.constant 0 : index
      %swap3A_610 = vector.load %arg9[%swap3A, %swap3A_609] : memref<64x128xf32, #tpu.memory_space<vmem>>, vector<1x128xf32>
      tpu.vector_store %arg9[%swap3A, %swap3A_609], %max3A {strides = array<i32>} : memref<64x128xf32, #tpu.memory_space<vmem>>, vector<1x128xf32>,
    } else {
    }
    %le3A_80 = arith.constant 7 : i32
    %le3A_81 = arith.cmpi sle, %squeeze3A, %le3A_80 : i32
    %ge3A_82 = arith.constant 7 : i32
    %ge3A_83 = arith.cmpi sge, %squeeze3A_19, %ge3A_82 : i32
    %and3A_84 = arith.andi %le3A_81, %ge3A_83 : i1
    %convert_element_type3A_85 = arith.extui %and3A_84 : i1 to i32
    %cond3A_86 = arith.constant 0xFF800000 : f32
    %cond3A_87 = arith.constant 0 : i32
    %cond3A_88 = arith.cmpi ne, %convert_element_type3A_85, %cond3A_87 : i32
    scf.if %cond3A_88 {
      %eq3A_598 = arith.constant 7 : i32
      %eq3A_599 = vector.broadcast %eq3A_598 : i32 to vector<1264x1xi32>
      %eq3A_600 = arith.cmpi eq, %get3A_17, %eq3A_599 : vector<1264x1xi32>
      %jit3A = arith.constant 0.000000e+00 : f32
      %broadcast_in_dim3A = vector.broadcast %jit3A : f32 to vector<1264x1xf32>
      %broadcast_in_dim3A_601 = vector.broadcast %cond3A_86 : f32 to vector<1264x1xf32>
      %select_n3A = arith.select %eq3A_600, %broadcast_in_dim3A, %broadcast_in_dim3A_601 : vector<1264x1xi1>, vector<1264x1xf32>
      %add3A_602 = vector.broadcast %select_n3A : vector<1264x1xf32> to vector<1264x128xf32>
      %add3A_603 = arith.addf %add3A_14, %add3A_602 : vector<1264x128xf32>
      %reduce_max3A = arith.constant dense<0xFF800000> : vector<128xf32>
      %reduce_max3A_604 = vector.multi_reduction <maximumf>, %add3A_603, %reduce_max3A [0] : vector<1264x128xf32> to vector<128xf32>
      %broadcast_in_dim3A_605 = vector.shape_cast %reduce_max3A_604 : vector<128xf32> to vector<1x128xf32>
      %get3A_606 = arith.constant 7 : index
      %get3A_607 = arith.constant 0 : index
      %get3A_608 = vector.load %arg9[%get3A_606, %get3A_607] : memref<64x128xf32, #tpu.memory_space<vmem>>, vector<1x128xf32>
      %max3A = arith.maximumf %get3A_608, %broadcast_in_dim3A_605 : vector<1x128xf32>
      %swap3A = arith.constant 7 : index
      %swap3A_609 = arith.constant 0 : index
      %swap3A_610 = vector.load %arg9[%swap3A, %swap3A_609] : memref<64x128xf32, #tpu.memory_space<vmem>>, vector<1x128xf32>
      tpu.vector_store %arg9[%swap3A, %swap3A_609], %max3A {strides = array<i32>} : memref<64x128xf32, #tpu.memory_space<vmem>>, vector<1x128xf32>,
    } else {
    }
    %le3A_89 = arith.constant 8 : i32
    %le3A_90 = arith.cmpi sle, %squeeze3A, %le3A_89 : i32
    %ge3A_91 = arith.constant 8 : i32
    %ge3A_92 = arith.cmpi sge, %squeeze3A_19, %ge3A_91 : i32
    %and3A_93 = arith.andi %le3A_90, %ge3A_92 : i1
    %convert_element_type3A_94 = arith.extui %and3A_93 : i1 to i32
    %cond3A_95 = arith.constant 0xFF800000 : f32
    %cond3A_96 = arith.constant 0 : i32
    %cond3A_97 = arith.cmpi ne, %convert_element_type3A_94, %cond3A_96 : i32
    scf.if %cond3A_97 {
      %eq3A_598 = arith.constant 8 : i32
      %eq3A_599 = vector.broadcast %eq3A_598 : i32 to vector<1264x1xi32>
      %eq3A_600 = arith.cmpi eq, %get3A_17, %eq3A_599 : vector<1264x1xi32>
      %jit3A = arith.constant 0.000000e+00 : f32
      %broadcast_in_dim3A = vector.broadcast %jit3A : f32 to vector<1264x1xf32>
      %broadcast_in_dim3A_601 = vector.broadcast %cond3A_95 : f32 to vector<1264x1xf32>
      %select_n3A = arith.select %eq3A_600, %broadcast_in_dim3A, %broadcast_in_dim3A_601 : vector<1264x1xi1>, vector<1264x1xf32>
      %add3A_602 = vector.broadcast %select_n3A : vector<1264x1xf32> to vector<1264x128xf32>
      %add3A_603 = arith.addf %add3A_14, %add3A_602 : vector<1264x128xf32>
      %reduce_max3A = arith.constant dense<0xFF800000> : vector<128xf32>
      %reduce_max3A_604 = vector.multi_reduction <maximumf>, %add3A_603, %reduce_max3A [0] : vector<1264x128xf32> to vector<128xf32>
      %broadcast_in_dim3A_605 = vector.shape_cast %reduce_max3A_604 : vector<128xf32> to vector<1x128xf32>
      %get3A_606 = arith.constant 8 : index
      %get3A_607 = arith.constant 0 : index
      %get3A_608 = vector.load %arg9[%get3A_606, %get3A_607] : memref<64x128xf32, #tpu.memory_space<vmem>>, vector<1x128xf32>
      %max3A = arith.maximumf %get3A_608, %broadcast_in_dim3A_605 : vector<1x128xf32>
      %swap3A = arith.constant 8 : index
      %swap3A_609 = arith.constant 0 : index
      %swap3A_610 = vector.load %arg9[%swap3A, %swap3A_609] : memref<64x128xf32, #tpu.memory_space<vmem>>, vector<1x128xf32>
      tpu.vector_store %arg9[%swap3A, %swap3A_609], %max3A {strides = array<i32>} : memref<64x128xf32, #tpu.memory_space<vmem>>, vector<1x128xf32>,
    } else {
    }
    %le3A_98 = arith.constant 9 : i32
    %le3A_99 = arith.cmpi sle, %squeeze3A, %le3A_98 : i32
    %ge3A_100 = arith.constant 9 : i32
    %ge3A_101 = arith.cmpi sge, %squeeze3A_19, %ge3A_100 : i32
    %and3A_102 = arith.andi %le3A_99, %ge3A_101 : i1
    %convert_element_type3A_103 = arith.extui %and3A_102 : i1 to i32
    %cond3A_104 = arith.constant 0xFF800000 : f32
    %cond3A_105 = arith.constant 0 : i32
    %cond3A_106 = arith.cmpi ne, %convert_element_type3A_103, %cond3A_105 : i32
    scf.if %cond3A_106 {
      %eq3A_598 = arith.constant 9 : i32
      %eq3A_599 = vector.broadcast %eq3A_598 : i32 to vector<1264x1xi32>
      %eq3A_600 = arith.cmpi eq, %get3A_17, %eq3A_599 : vector<1264x1xi32>
      %jit3A = arith.constant 0.000000e+00 : f32
      %broadcast_in_dim3A = vector.broadcast %jit3A : f32 to vector<1264x1xf32>
      %broadcast_in_dim3A_601 = vector.broadcast %cond3A_104 : f32 to vector<1264x1xf32>
      %select_n3A = arith.select %eq3A_600, %broadcast_in_dim3A, %broadcast_in_dim3A_601 : vector<1264x1xi1>, vector<1264x1xf32>
      %add3A_602 = vector.broadcast %select_n3A : vector<1264x1xf32> to vector<1264x128xf32>
      %add3A_603 = arith.addf %add3A_14, %add3A_602 : vector<1264x128xf32>
      %reduce_max3A = arith.constant dense<0xFF800000> : vector<128xf32>
      %reduce_max3A_604 = vector.multi_reduction <maximumf>, %add3A_603, %reduce_max3A [0] : vector<1264x128xf32> to vector<128xf32>
      %broadcast_in_dim3A_605 = vector.shape_cast %reduce_max3A_604 : vector<128xf32> to vector<1x128xf32>
      %get3A_606 = arith.constant 9 : index
      %get3A_607 = arith.constant 0 : index
      %get3A_608 = vector.load %arg9[%get3A_606, %get3A_607] : memref<64x128xf32, #tpu.memory_space<vmem>>, vector<1x128xf32>
      %max3A = arith.maximumf %get3A_608, %broadcast_in_dim3A_605 : vector<1x128xf32>
      %swap3A = arith.constant 9 : index
      %swap3A_609 = arith.constant 0 : index
      %swap3A_610 = vector.load %arg9[%swap3A, %swap3A_609] : memref<64x128xf32, #tpu.memory_space<vmem>>, vector<1x128xf32>
      tpu.vector_store %arg9[%swap3A, %swap3A_609], %max3A {strides = array<i32>} : memref<64x128xf32, #tpu.memory_space<vmem>>, vector<1x128xf32>,
    } else {
    }
    %le3A_107 = arith.constant 10 : i32
    %le3A_108 = arith.cmpi sle, %squeeze3A, %le3A_107 : i32
    %ge3A_109 = arith.constant 10 : i32
    %ge3A_110 = arith.cmpi sge, %squeeze3A_19, %ge3A_109 : i32
    %and3A_111 = arith.andi %le3A_108, %ge3A_110 : i1
    %convert_element_type3A_112 = arith.extui %and3A_111 : i1 to i32
    %cond3A_113 = arith.constant 0xFF800000 : f32
    %cond3A_114 = arith.constant 0 : i32
    %cond3A_115 = arith.cmpi ne, %convert_element_type3A_112, %cond3A_114 : i32
    scf.if %cond3A_115 {
      %eq3A_598 = arith.constant 10 : i32
      %eq3A_599 = vector.broadcast %eq3A_598 : i32 to vector<1264x1xi32>
      %eq3A_600 = arith.cmpi eq, %get3A_17, %eq3A_599 : vector<1264x1xi32>
      %jit3A = arith.constant 0.000000e+00 : f32
      %broadcast_in_dim3A = vector.broadcast %jit3A : f32 to vector<1264x1xf32>
      %broadcast_in_dim3A_601 = vector.broadcast %cond3A_113 : f32 to vector<1264x1xf32>
      %select_n3A = arith.select %eq3A_600, %broadcast_in_dim3A, %broadcast_in_dim3A_601 : vector<1264x1xi1>, vector<1264x1xf32>
      %add3A_602 = vector.broadcast %select_n3A : vector<1264x1xf32> to vector<1264x128xf32>
      %add3A_603 = arith.addf %add3A_14, %add3A_602 : vector<1264x128xf32>
      %reduce_max3A = arith.constant dense<0xFF800000> : vector<128xf32>
      %reduce_max3A_604 = vector.multi_reduction <maximumf>, %add3A_603, %reduce_max3A [0] : vector<1264x128xf32> to vector<128xf32>
      %broadcast_in_dim3A_605 = vector.shape_cast %reduce_max3A_604 : vector<128xf32> to vector<1x128xf32>
      %get3A_606 = arith.constant 10 : index
      %get3A_607 = arith.constant 0 : index
      %get3A_608 = vector.load %arg9[%get3A_606, %get3A_607] : memref<64x128xf32, #tpu.memory_space<vmem>>, vector<1x128xf32>
      %max3A = arith.maximumf %get3A_608, %broadcast_in_dim3A_605 : vector<1x128xf32>
      %swap3A = arith.constant 10 : index
      %swap3A_609 = arith.constant 0 : index
      %swap3A_610 = vector.load %arg9[%swap3A, %swap3A_609] : memref<64x128xf32, #tpu.memory_space<vmem>>, vector<1x128xf32>
      tpu.vector_store %arg9[%swap3A, %swap3A_609], %max3A {strides = array<i32>} : memref<64x128xf32, #tpu.memory_space<vmem>>, vector<1x128xf32>,
    } else {
    }
    %le3A_116 = arith.constant 11 : i32
    %le3A_117 = arith.cmpi sle, %squeeze3A, %le3A_116 : i32
    %ge3A_118 = arith.constant 11 : i32
    %ge3A_119 = arith.cmpi sge, %squeeze3A_19, %ge3A_118 : i32
    %and3A_120 = arith.andi %le3A_117, %ge3A_119 : i1
    %convert_element_type3A_121 = arith.extui %and3A_120 : i1 to i32
    %cond3A_122 = arith.constant 0xFF800000 : f32
    %cond3A_123 = arith.constant 0 : i32
    %cond3A_124 = arith.cmpi ne, %convert_element_type3A_121, %cond3A_123 : i32
    scf.if %cond3A_124 {
      %eq3A_598 = arith.constant 11 : i32
      %eq3A_599 = vector.broadcast %eq3A_598 : i32 to vector<1264x1xi32>
      %eq3A_600 = arith.cmpi eq, %get3A_17, %eq3A_599 : vector<1264x1xi32>
      %jit3A = arith.constant 0.000000e+00 : f32
      %broadcast_in_dim3A = vector.broadcast %jit3A : f32 to vector<1264x1xf32>
      %broadcast_in_dim3A_601 = vector.broadcast %cond3A_122 : f32 to vector<1264x1xf32>
      %select_n3A = arith.select %eq3A_600, %broadcast_in_dim3A, %broadcast_in_dim3A_601 : vector<1264x1xi1>, vector<1264x1xf32>
      %add3A_602 = vector.broadcast %select_n3A : vector<1264x1xf32> to vector<1264x128xf32>
      %add3A_603 = arith.addf %add3A_14, %add3A_602 : vector<1264x128xf32>
      %reduce_max3A = arith.constant dense<0xFF800000> : vector<128xf32>
      %reduce_max3A_604 = vector.multi_reduction <maximumf>, %add3A_603, %reduce_max3A [0] : vector<1264x128xf32> to vector<128xf32>
      %broadcast_in_dim3A_605 = vector.shape_cast %reduce_max3A_604 : vector<128xf32> to vector<1x128xf32>
      %get3A_606 = arith.constant 11 : index
      %get3A_607 = arith.constant 0 : index
      %get3A_608 = vector.load %arg9[%get3A_606, %get3A_607] : memref<64x128xf32, #tpu.memory_space<vmem>>, vector<1x128xf32>
      %max3A = arith.maximumf %get3A_608, %broadcast_in_dim3A_605 : vector<1x128xf32>
      %swap3A = arith.constant 11 : index
      %swap3A_609 = arith.constant 0 : index
      %swap3A_610 = vector.load %arg9[%swap3A, %swap3A_609] : memref<64x128xf32, #tpu.memory_space<vmem>>, vector<1x128xf32>
      tpu.vector_store %arg9[%swap3A, %swap3A_609], %max3A {strides = array<i32>} : memref<64x128xf32, #tpu.memory_space<vmem>>, vector<1x128xf32>,
    } else {
    }
    %le3A_125 = arith.constant 12 : i32
    %le3A_126 = arith.cmpi sle, %squeeze3A, %le3A_125 : i32
    %ge3A_127 = arith.constant 12 : i32
    %ge3A_128 = arith.cmpi sge, %squeeze3A_19, %ge3A_127 : i32
    %and3A_129 = arith.andi %le3A_126, %ge3A_128 : i1
    %convert_element_type3A_130 = arith.extui %and3A_129 : i1 to i32
    %cond3A_131 = arith.constant 0xFF800000 : f32
    %cond3A_132 = arith.constant 0 : i32
    %cond3A_133 = arith.cmpi ne, %convert_element_type3A_130, %cond3A_132 : i32
    scf.if %cond3A_133 {
      %eq3A_598 = arith.constant 12 : i32
      %eq3A_599 = vector.broadcast %eq3A_598 : i32 to vector<1264x1xi32>
      %eq3A_600 = arith.cmpi eq, %get3A_17, %eq3A_599 : vector<1264x1xi32>
      %jit3A = arith.constant 0.000000e+00 : f32
      %broadcast_in_dim3A = vector.broadcast %jit3A : f32 to vector<1264x1xf32>
      %broadcast_in_dim3A_601 = vector.broadcast %cond3A_131 : f32 to vector<1264x1xf32>
      %select_n3A = arith.select %eq3A_600, %broadcast_in_dim3A, %broadcast_in_dim3A_601 : vector<1264x1xi1>, vector<1264x1xf32>
      %add3A_602 = vector.broadcast %select_n3A : vector<1264x1xf32> to vector<1264x128xf32>
      %add3A_603 = arith.addf %add3A_14, %add3A_602 : vector<1264x128xf32>
      %reduce_max3A = arith.constant dense<0xFF800000> : vector<128xf32>
      %reduce_max3A_604 = vector.multi_reduction <maximumf>, %add3A_603, %reduce_max3A [0] : vector<1264x128xf32> to vector<128xf32>
      %broadcast_in_dim3A_605 = vector.shape_cast %reduce_max3A_604 : vector<128xf32> to vector<1x128xf32>
      %get3A_606 = arith.constant 12 : index
      %get3A_607 = arith.constant 0 : index
      %get3A_608 = vector.load %arg9[%get3A_606, %get3A_607] : memref<64x128xf32, #tpu.memory_space<vmem>>, vector<1x128xf32>
      %max3A = arith.maximumf %get3A_608, %broadcast_in_dim3A_605 : vector<1x128xf32>
      %swap3A = arith.constant 12 : index
      %swap3A_609 = arith.constant 0 : index
      %swap3A_610 = vector.load %arg9[%swap3A, %swap3A_609] : memref<64x128xf32, #tpu.memory_space<vmem>>, vector<1x128xf32>
      tpu.vector_store %arg9[%swap3A, %swap3A_609], %max3A {strides = array<i32>} : memref<64x128xf32, #tpu.memory_space<vmem>>, vector<1x128xf32>,
    } else {
    }
    %le3A_134 = arith.constant 13 : i32
    %le3A_135 = arith.cmpi sle, %squeeze3A, %le3A_134 : i32
    %ge3A_136 = arith.constant 13 : i32
    %ge3A_137 = arith.cmpi sge, %squeeze3A_19, %ge3A_136 : i32
    %and3A_138 = arith.andi %le3A_135, %ge3A_137 : i1
    %convert_element_type3A_139 = arith.extui %and3A_138 : i1 to i32
    %cond3A_140 = arith.constant 0xFF800000 : f32
    %cond3A_141 = arith.constant 0 : i32
    %cond3A_142 = arith.cmpi ne, %convert_element_type3A_139, %cond3A_141 : i32
    scf.if %cond3A_142 {
      %eq3A_598 = arith.constant 13 : i32
      %eq3A_599 = vector.broadcast %eq3A_598 : i32 to vector<1264x1xi32>
      %eq3A_600 = arith.cmpi eq, %get3A_17, %eq3A_599 : vector<1264x1xi32>
      %jit3A = arith.constant 0.000000e+00 : f32
      %broadcast_in_dim3A = vector.broadcast %jit3A : f32 to vector<1264x1xf32>
      %broadcast_in_dim3A_601 = vector.broadcast %cond3A_140 : f32 to vector<1264x1xf32>
      %select_n3A = arith.select %eq3A_600, %broadcast_in_dim3A, %broadcast_in_dim3A_601 : vector<1264x1xi1>, vector<1264x1xf32>
      %add3A_602 = vector.broadcast %select_n3A : vector<1264x1xf32> to vector<1264x128xf32>
      %add3A_603 = arith.addf %add3A_14, %add3A_602 : vector<1264x128xf32>
      %reduce_max3A = arith.constant dense<0xFF800000> : vector<128xf32>
      %reduce_max3A_604 = vector.multi_reduction <maximumf>, %add3A_603, %reduce_max3A [0] : vector<1264x128xf32> to vector<128xf32>
      %broadcast_in_dim3A_605 = vector.shape_cast %reduce_max3A_604 : vector<128xf32> to vector<1x128xf32>
      %get3A_606 = arith.constant 13 : index
      %get3A_607 = arith.constant 0 : index
      %get3A_608 = vector.load %arg9[%get3A_606, %get3A_607] : memref<64x128xf32, #tpu.memory_space<vmem>>, vector<1x128xf32>
      %max3A = arith.maximumf %get3A_608, %broadcast_in_dim3A_605 : vector<1x128xf32>
      %swap3A = arith.constant 13 : index
      %swap3A_609 = arith.constant 0 : index
      %swap3A_610 = vector.load %arg9[%swap3A, %swap3A_609] : memref<64x128xf32, #tpu.memory_space<vmem>>, vector<1x128xf32>
      tpu.vector_store %arg9[%swap3A, %swap3A_609], %max3A {strides = array<i32>} : memref<64x128xf32, #tpu.memory_space<vmem>>, vector<1x128xf32>,
    } else {
    }
    %le3A_143 = arith.constant 14 : i32
    %le3A_144 = arith.cmpi sle, %squeeze3A, %le3A_143 : i32
    %ge3A_145 = arith.constant 14 : i32
    %ge3A_146 = arith.cmpi sge, %squeeze3A_19, %ge3A_145 : i32
    %and3A_147 = arith.andi %le3A_144, %ge3A_146 : i1
    %convert_element_type3A_148 = arith.extui %and3A_147 : i1 to i32
    %cond3A_149 = arith.constant 0xFF800000 : f32
    %cond3A_150 = arith.constant 0 : i32
    %cond3A_151 = arith.cmpi ne, %convert_element_type3A_148, %cond3A_150 : i32
    scf.if %cond3A_151 {
      %eq3A_598 = arith.constant 14 : i32
      %eq3A_599 = vector.broadcast %eq3A_598 : i32 to vector<1264x1xi32>
      %eq3A_600 = arith.cmpi eq, %get3A_17, %eq3A_599 : vector<1264x1xi32>
      %jit3A = arith.constant 0.000000e+00 : f32
      %broadcast_in_dim3A = vector.broadcast %jit3A : f32 to vector<1264x1xf32>
      %broadcast_in_dim3A_601 = vector.broadcast %cond3A_149 : f32 to vector<1264x1xf32>
      %select_n3A = arith.select %eq3A_600, %broadcast_in_dim3A, %broadcast_in_dim3A_601 : vector<1264x1xi1>, vector<1264x1xf32>
      %add3A_602 = vector.broadcast %select_n3A : vector<1264x1xf32> to vector<1264x128xf32>
      %add3A_603 = arith.addf %add3A_14, %add3A_602 : vector<1264x128xf32>
      %reduce_max3A = arith.constant dense<0xFF800000> : vector<128xf32>
      %reduce_max3A_604 = vector.multi_reduction <maximumf>, %add3A_603, %reduce_max3A [0] : vector<1264x128xf32> to vector<128xf32>
      %broadcast_in_dim3A_605 = vector.shape_cast %reduce_max3A_604 : vector<128xf32> to vector<1x128xf32>
      %get3A_606 = arith.constant 14 : index
      %get3A_607 = arith.constant 0 : index
      %get3A_608 = vector.load %arg9[%get3A_606, %get3A_607] : memref<64x128xf32, #tpu.memory_space<vmem>>, vector<1x128xf32>
      %max3A = arith.maximumf %get3A_608, %broadcast_in_dim3A_605 : vector<1x128xf32>
      %swap3A = arith.constant 14 : index
      %swap3A_609 = arith.constant 0 : index
      %swap3A_610 = vector.load %arg9[%swap3A, %swap3A_609] : memref<64x128xf32, #tpu.memory_space<vmem>>, vector<1x128xf32>
      tpu.vector_store %arg9[%swap3A, %swap3A_609], %max3A {strides = array<i32>} : memref<64x128xf32, #tpu.memory_space<vmem>>, vector<1x128xf32>,
    } else {
    }
    %le3A_152 = arith.constant 15 : i32
    %le3A_153 = arith.cmpi sle, %squeeze3A, %le3A_152 : i32
    %ge3A_154 = arith.constant 15 : i32
    %ge3A_155 = arith.cmpi sge, %squeeze3A_19, %ge3A_154 : i32
    %and3A_156 = arith.andi %le3A_153, %ge3A_155 : i1
    %convert_element_type3A_157 = arith.extui %and3A_156 : i1 to i32
    %cond3A_158 = arith.constant 0xFF800000 : f32
    %cond3A_159 = arith.constant 0 : i32
    %cond3A_160 = arith.cmpi ne, %convert_element_type3A_157, %cond3A_159 : i32
    scf.if %cond3A_160 {
      %eq3A_598 = arith.constant 15 : i32
      %eq3A_599 = vector.broadcast %eq3A_598 : i32 to vector<1264x1xi32>
      %eq3A_600 = arith.cmpi eq, %get3A_17, %eq3A_599 : vector<1264x1xi32>
      %jit3A = arith.constant 0.000000e+00 : f32
      %broadcast_in_dim3A = vector.broadcast %jit3A : f32 to vector<1264x1xf32>
      %broadcast_in_dim3A_601 = vector.broadcast %cond3A_158 : f32 to vector<1264x1xf32>
      %select_n3A = arith.select %eq3A_600, %broadcast_in_dim3A, %broadcast_in_dim3A_601 : vector<1264x1xi1>, vector<1264x1xf32>
      %add3A_602 = vector.broadcast %select_n3A : vector<1264x1xf32> to vector<1264x128xf32>
      %add3A_603 = arith.addf %add3A_14, %add3A_602 : vector<1264x128xf32>
      %reduce_max3A = arith.constant dense<0xFF800000> : vector<128xf32>
      %reduce_max3A_604 = vector.multi_reduction <maximumf>, %add3A_603, %reduce_max3A [0] : vector<1264x128xf32> to vector<128xf32>
      %broadcast_in_dim3A_605 = vector.shape_cast %reduce_max3A_604 : vector<128xf32> to vector<1x128xf32>
      %get3A_606 = arith.constant 15 : index
      %get3A_607 = arith.constant 0 : index
      %get3A_608 = vector.load %arg9[%get3A_606, %get3A_607] : memref<64x128xf32, #tpu.memory_space<vmem>>, vector<1x128xf32>
      %max3A = arith.maximumf %get3A_608, %broadcast_in_dim3A_605 : vector<1x128xf32>
      %swap3A = arith.constant 15 : index
      %swap3A_609 = arith.constant 0 : index
      %swap3A_610 = vector.load %arg9[%swap3A, %swap3A_609] : memref<64x128xf32, #tpu.memory_space<vmem>>, vector<1x128xf32>
      tpu.vector_store %arg9[%swap3A, %swap3A_609], %max3A {strides = array<i32>} : memref<64x128xf32, #tpu.memory_space<vmem>>, vector<1x128xf32>,
    } else {
    }
    %le3A_161 = arith.constant 16 : i32
    %le3A_162 = arith.cmpi sle, %squeeze3A, %le3A_161 : i32
    %ge3A_163 = arith.constant 16 : i32
    %ge3A_164 = arith.cmpi sge, %squeeze3A_19, %ge3A_163 : i32
    %and3A_165 = arith.andi %le3A_162, %ge3A_164 : i1
    %convert_element_type3A_166 = arith.extui %and3A_165 : i1 to i32
    %cond3A_167 = arith.constant 0xFF800000 : f32
    %cond3A_168 = arith.constant 0 : i32
    %cond3A_169 = arith.cmpi ne, %convert_element_type3A_166, %cond3A_168 : i32
    scf.if %cond3A_169 {
      %eq3A_598 = arith.constant 16 : i32
      %eq3A_599 = vector.broadcast %eq3A_598 : i32 to vector<1264x1xi32>
      %eq3A_600 = arith.cmpi eq, %get3A_17, %eq3A_599 : vector<1264x1xi32>
      %jit3A = arith.constant 0.000000e+00 : f32
      %broadcast_in_dim3A = vector.broadcast %jit3A : f32 to vector<1264x1xf32>
      %broadcast_in_dim3A_601 = vector.broadcast %cond3A_167 : f32 to vector<1264x1xf32>
      %select_n3A = arith.select %eq3A_600, %broadcast_in_dim3A, %broadcast_in_dim3A_601 : vector<1264x1xi1>, vector<1264x1xf32>
      %add3A_602 = vector.broadcast %select_n3A : vector<1264x1xf32> to vector<1264x128xf32>
      %add3A_603 = arith.addf %add3A_14, %add3A_602 : vector<1264x128xf32>
      %reduce_max3A = arith.constant dense<0xFF800000> : vector<128xf32>
      %reduce_max3A_604 = vector.multi_reduction <maximumf>, %add3A_603, %reduce_max3A [0] : vector<1264x128xf32> to vector<128xf32>
      %broadcast_in_dim3A_605 = vector.shape_cast %reduce_max3A_604 : vector<128xf32> to vector<1x128xf32>
      %get3A_606 = arith.constant 16 : index
      %get3A_607 = arith.constant 0 : index
      %get3A_608 = vector.load %arg9[%get3A_606, %get3A_607] : memref<64x128xf32, #tpu.memory_space<vmem>>, vector<1x128xf32>
      %max3A = arith.maximumf %get3A_608, %broadcast_in_dim3A_605 : vector<1x128xf32>
      %swap3A = arith.constant 16 : index
      %swap3A_609 = arith.constant 0 : index
      %swap3A_610 = vector.load %arg9[%swap3A, %swap3A_609] : memref<64x128xf32, #tpu.memory_space<vmem>>, vector<1x128xf32>
      tpu.vector_store %arg9[%swap3A, %swap3A_609], %max3A {strides = array<i32>} : memref<64x128xf32, #tpu.memory_space<vmem>>, vector<1x128xf32>,
    } else {
    }
    %le3A_170 = arith.constant 17 : i32
    %le3A_171 = arith.cmpi sle, %squeeze3A, %le3A_170 : i32
    %ge3A_172 = arith.constant 17 : i32
    %ge3A_173 = arith.cmpi sge, %squeeze3A_19, %ge3A_172 : i32
    %and3A_174 = arith.andi %le3A_171, %ge3A_173 : i1
    %convert_element_type3A_175 = arith.extui %and3A_174 : i1 to i32
    %cond3A_176 = arith.constant 0xFF800000 : f32
    %cond3A_177 = arith.constant 0 : i32
    %cond3A_178 = arith.cmpi ne, %convert_element_type3A_175, %cond3A_177 : i32
    scf.if %cond3A_178 {
      %eq3A_598 = arith.constant 17 : i32
      %eq3A_599 = vector.broadcast %eq3A_598 : i32 to vector<1264x1xi32>
      %eq3A_600 = arith.cmpi eq, %get3A_17, %eq3A_599 : vector<1264x1xi32>
      %jit3A = arith.constant 0.000000e+00 : f32
      %broadcast_in_dim3A = vector.broadcast %jit3A : f32 to vector<1264x1xf32>
      %broadcast_in_dim3A_601 = vector.broadcast %cond3A_176 : f32 to vector<1264x1xf32>
      %select_n3A = arith.select %eq3A_600, %broadcast_in_dim3A, %broadcast_in_dim3A_601 : vector<1264x1xi1>, vector<1264x1xf32>
      %add3A_602 = vector.broadcast %select_n3A : vector<1264x1xf32> to vector<1264x128xf32>
      %add3A_603 = arith.addf %add3A_14, %add3A_602 : vector<1264x128xf32>
      %reduce_max3A = arith.constant dense<0xFF800000> : vector<128xf32>
      %reduce_max3A_604 = vector.multi_reduction <maximumf>, %add3A_603, %reduce_max3A [0] : vector<1264x128xf32> to vector<128xf32>
      %broadcast_in_dim3A_605 = vector.shape_cast %reduce_max3A_604 : vector<128xf32> to vector<1x128xf32>
      %get3A_606 = arith.constant 17 : index
      %get3A_607 = arith.constant 0 : index
      %get3A_608 = vector.load %arg9[%get3A_606, %get3A_607] : memref<64x128xf32, #tpu.memory_space<vmem>>, vector<1x128xf32>
      %max3A = arith.maximumf %get3A_608, %broadcast_in_dim3A_605 : vector<1x128xf32>
      %swap3A = arith.constant 17 : index
      %swap3A_609 = arith.constant 0 : index
      %swap3A_610 = vector.load %arg9[%swap3A, %swap3A_609] : memref<64x128xf32, #tpu.memory_space<vmem>>, vector<1x128xf32>
      tpu.vector_store %arg9[%swap3A, %swap3A_609], %max3A {strides = array<i32>} : memref<64x128xf32, #tpu.memory_space<vmem>>, vector<1x128xf32>,
    } else {
    }
    %le3A_179 = arith.constant 18 : i32
    %le3A_180 = arith.cmpi sle, %squeeze3A, %le3A_179 : i32
    %ge3A_181 = arith.constant 18 : i32
    %ge3A_182 = arith.cmpi sge, %squeeze3A_19, %ge3A_181 : i32
    %and3A_183 = arith.andi %le3A_180, %ge3A_182 : i1
    %convert_element_type3A_184 = arith.extui %and3A_183 : i1 to i32
    %cond3A_185 = arith.constant 0xFF800000 : f32
    %cond3A_186 = arith.constant 0 : i32
    %cond3A_187 = arith.cmpi ne, %convert_element_type3A_184, %cond3A_186 : i32
    scf.if %cond3A_187 {
      %eq3A_598 = arith.constant 18 : i32
      %eq3A_599 = vector.broadcast %eq3A_598 : i32 to vector<1264x1xi32>
      %eq3A_600 = arith.cmpi eq, %get3A_17, %eq3A_599 : vector<1264x1xi32>
      %jit3A = arith.constant 0.000000e+00 : f32
      %broadcast_in_dim3A = vector.broadcast %jit3A : f32 to vector<1264x1xf32>
      %broadcast_in_dim3A_601 = vector.broadcast %cond3A_185 : f32 to vector<1264x1xf32>
      %select_n3A = arith.select %eq3A_600, %broadcast_in_dim3A, %broadcast_in_dim3A_601 : vector<1264x1xi1>, vector<1264x1xf32>
      %add3A_602 = vector.broadcast %select_n3A : vector<1264x1xf32> to vector<1264x128xf32>
      %add3A_603 = arith.addf %add3A_14, %add3A_602 : vector<1264x128xf32>
      %reduce_max3A = arith.constant dense<0xFF800000> : vector<128xf32>
      %reduce_max3A_604 = vector.multi_reduction <maximumf>, %add3A_603, %reduce_max3A [0] : vector<1264x128xf32> to vector<128xf32>
      %broadcast_in_dim3A_605 = vector.shape_cast %reduce_max3A_604 : vector<128xf32> to vector<1x128xf32>
      %get3A_606 = arith.constant 18 : index
      %get3A_607 = arith.constant 0 : index
      %get3A_608 = vector.load %arg9[%get3A_606, %get3A_607] : memref<64x128xf32, #tpu.memory_space<vmem>>, vector<1x128xf32>
      %max3A = arith.maximumf %get3A_608, %broadcast_in_dim3A_605 : vector<1x128xf32>
      %swap3A = arith.constant 18 : index
      %swap3A_609 = arith.constant 0 : index
      %swap3A_610 = vector.load %arg9[%swap3A, %swap3A_609] : memref<64x128xf32, #tpu.memory_space<vmem>>, vector<1x128xf32>
      tpu.vector_store %arg9[%swap3A, %swap3A_609], %max3A {strides = array<i32>} : memref<64x128xf32, #tpu.memory_space<vmem>>, vector<1x128xf32>,
    } else {
    }
    %le3A_188 = arith.constant 19 : i32
    %le3A_189 = arith.cmpi sle, %squeeze3A, %le3A_188 : i32
    %ge3A_190 = arith.constant 19 : i32
    %ge3A_191 = arith.cmpi sge, %squeeze3A_19, %ge3A_190 : i32
    %and3A_192 = arith.andi %le3A_189, %ge3A_191 : i1
    %convert_element_type3A_193 = arith.extui %and3A_192 : i1 to i32
    %cond3A_194 = arith.constant 0xFF800000 : f32
    %cond3A_195 = arith.constant 0 : i32
    %cond3A_196 = arith.cmpi ne, %convert_element_type3A_193, %cond3A_195 : i32
    scf.if %cond3A_196 {
      %eq3A_598 = arith.constant 19 : i32
      %eq3A_599 = vector.broadcast %eq3A_598 : i32 to vector<1264x1xi32>
      %eq3A_600 = arith.cmpi eq, %get3A_17, %eq3A_599 : vector<1264x1xi32>
      %jit3A = arith.constant 0.000000e+00 : f32
      %broadcast_in_dim3A = vector.broadcast %jit3A : f32 to vector<1264x1xf32>
      %broadcast_in_dim3A_601 = vector.broadcast %cond3A_194 : f32 to vector<1264x1xf32>
      %select_n3A = arith.select %eq3A_600, %broadcast_in_dim3A, %broadcast_in_dim3A_601 : vector<1264x1xi1>, vector<1264x1xf32>
      %add3A_602 = vector.broadcast %select_n3A : vector<1264x1xf32> to vector<1264x128xf32>
      %add3A_603 = arith.addf %add3A_14, %add3A_602 : vector<1264x128xf32>
      %reduce_max3A = arith.constant dense<0xFF800000> : vector<128xf32>
      %reduce_max3A_604 = vector.multi_reduction <maximumf>, %add3A_603, %reduce_max3A [0] : vector<1264x128xf32> to vector<128xf32>
      %broadcast_in_dim3A_605 = vector.shape_cast %reduce_max3A_604 : vector<128xf32> to vector<1x128xf32>
      %get3A_606 = arith.constant 19 : index
      %get3A_607 = arith.constant 0 : index
      %get3A_608 = vector.load %arg9[%get3A_606, %get3A_607] : memref<64x128xf32, #tpu.memory_space<vmem>>, vector<1x128xf32>
      %max3A = arith.maximumf %get3A_608, %broadcast_in_dim3A_605 : vector<1x128xf32>
      %swap3A = arith.constant 19 : index
      %swap3A_609 = arith.constant 0 : index
      %swap3A_610 = vector.load %arg9[%swap3A, %swap3A_609] : memref<64x128xf32, #tpu.memory_space<vmem>>, vector<1x128xf32>
      tpu.vector_store %arg9[%swap3A, %swap3A_609], %max3A {strides = array<i32>} : memref<64x128xf32, #tpu.memory_space<vmem>>, vector<1x128xf32>,
    } else {
    }
    %le3A_197 = arith.constant 20 : i32
    %le3A_198 = arith.cmpi sle, %squeeze3A, %le3A_197 : i32
    %ge3A_199 = arith.constant 20 : i32
    %ge3A_200 = arith.cmpi sge, %squeeze3A_19, %ge3A_199 : i32
    %and3A_201 = arith.andi %le3A_198, %ge3A_200 : i1
    %convert_element_type3A_202 = arith.extui %and3A_201 : i1 to i32
    %cond3A_203 = arith.constant 0xFF800000 : f32
    %cond3A_204 = arith.constant 0 : i32
    %cond3A_205 = arith.cmpi ne, %convert_element_type3A_202, %cond3A_204 : i32
    scf.if %cond3A_205 {
      %eq3A_598 = arith.constant 20 : i32
      %eq3A_599 = vector.broadcast %eq3A_598 : i32 to vector<1264x1xi32>
      %eq3A_600 = arith.cmpi eq, %get3A_17, %eq3A_599 : vector<1264x1xi32>
      %jit3A = arith.constant 0.000000e+00 : f32
      %broadcast_in_dim3A = vector.broadcast %jit3A : f32 to vector<1264x1xf32>
      %broadcast_in_dim3A_601 = vector.broadcast %cond3A_203 : f32 to vector<1264x1xf32>
      %select_n3A = arith.select %eq3A_600, %broadcast_in_dim3A, %broadcast_in_dim3A_601 : vector<1264x1xi1>, vector<1264x1xf32>
      %add3A_602 = vector.broadcast %select_n3A : vector<1264x1xf32> to vector<1264x128xf32>
      %add3A_603 = arith.addf %add3A_14, %add3A_602 : vector<1264x128xf32>
      %reduce_max3A = arith.constant dense<0xFF800000> : vector<128xf32>
      %reduce_max3A_604 = vector.multi_reduction <maximumf>, %add3A_603, %reduce_max3A [0] : vector<1264x128xf32> to vector<128xf32>
      %broadcast_in_dim3A_605 = vector.shape_cast %reduce_max3A_604 : vector<128xf32> to vector<1x128xf32>
      %get3A_606 = arith.constant 20 : index
      %get3A_607 = arith.constant 0 : index
      %get3A_608 = vector.load %arg9[%get3A_606, %get3A_607] : memref<64x128xf32, #tpu.memory_space<vmem>>, vector<1x128xf32>
      %max3A = arith.maximumf %get3A_608, %broadcast_in_dim3A_605 : vector<1x128xf32>
      %swap3A = arith.constant 20 : index
      %swap3A_609 = arith.constant 0 : index
      %swap3A_610 = vector.load %arg9[%swap3A, %swap3A_609] : memref<64x128xf32, #tpu.memory_space<vmem>>, vector<1x128xf32>
      tpu.vector_store %arg9[%swap3A, %swap3A_609], %max3A {strides = array<i32>} : memref<64x128xf32, #tpu.memory_space<vmem>>, vector<1x128xf32>,
    } else {
    }
    %le3A_206 = arith.constant 21 : i32
    %le3A_207 = arith.cmpi sle, %squeeze3A, %le3A_206 : i32
    %ge3A_208 = arith.constant 21 : i32
    %ge3A_209 = arith.cmpi sge, %squeeze3A_19, %ge3A_208 : i32
    %and3A_210 = arith.andi %le3A_207, %ge3A_209 : i1
    %convert_element_type3A_211 = arith.extui %and3A_210 : i1 to i32
    %cond3A_212 = arith.constant 0xFF800000 : f32
    %cond3A_213 = arith.constant 0 : i32
    %cond3A_214 = arith.cmpi ne, %convert_element_type3A_211, %cond3A_213 : i32
    scf.if %cond3A_214 {
      %eq3A_598 = arith.constant 21 : i32
      %eq3A_599 = vector.broadcast %eq3A_598 : i32 to vector<1264x1xi32>
      %eq3A_600 = arith.cmpi eq, %get3A_17, %eq3A_599 : vector<1264x1xi32>
      %jit3A = arith.constant 0.000000e+00 : f32
      %broadcast_in_dim3A = vector.broadcast %jit3A : f32 to vector<1264x1xf32>
      %broadcast_in_dim3A_601 = vector.broadcast %cond3A_212 : f32 to vector<1264x1xf32>
      %select_n3A = arith.select %eq3A_600, %broadcast_in_dim3A, %broadcast_in_dim3A_601 : vector<1264x1xi1>, vector<1264x1xf32>
      %add3A_602 = vector.broadcast %select_n3A : vector<1264x1xf32> to vector<1264x128xf32>
      %add3A_603 = arith.addf %add3A_14, %add3A_602 : vector<1264x128xf32>
      %reduce_max3A = arith.constant dense<0xFF800000> : vector<128xf32>
      %reduce_max3A_604 = vector.multi_reduction <maximumf>, %add3A_603, %reduce_max3A [0] : vector<1264x128xf32> to vector<128xf32>
      %broadcast_in_dim3A_605 = vector.shape_cast %reduce_max3A_604 : vector<128xf32> to vector<1x128xf32>
      %get3A_606 = arith.constant 21 : index
      %get3A_607 = arith.constant 0 : index
      %get3A_608 = vector.load %arg9[%get3A_606, %get3A_607] : memref<64x128xf32, #tpu.memory_space<vmem>>, vector<1x128xf32>
      %max3A = arith.maximumf %get3A_608, %broadcast_in_dim3A_605 : vector<1x128xf32>
      %swap3A = arith.constant 21 : index
      %swap3A_609 = arith.constant 0 : index
      %swap3A_610 = vector.load %arg9[%swap3A, %swap3A_609] : memref<64x128xf32, #tpu.memory_space<vmem>>, vector<1x128xf32>
      tpu.vector_store %arg9[%swap3A, %swap3A_609], %max3A {strides = array<i32>} : memref<64x128xf32, #tpu.memory_space<vmem>>, vector<1x128xf32>,
    } else {
    }
    %le3A_215 = arith.constant 22 : i32
    %le3A_216 = arith.cmpi sle, %squeeze3A, %le3A_215 : i32
    %ge3A_217 = arith.constant 22 : i32
    %ge3A_218 = arith.cmpi sge, %squeeze3A_19, %ge3A_217 : i32
    %and3A_219 = arith.andi %le3A_216, %ge3A_218 : i1
    %convert_element_type3A_220 = arith.extui %and3A_219 : i1 to i32
    %cond3A_221 = arith.constant 0xFF800000 : f32
    %cond3A_222 = arith.constant 0 : i32
    %cond3A_223 = arith.cmpi ne, %convert_element_type3A_220, %cond3A_222 : i32
    scf.if %cond3A_223 {
      %eq3A_598 = arith.constant 22 : i32
      %eq3A_599 = vector.broadcast %eq3A_598 : i32 to vector<1264x1xi32>
      %eq3A_600 = arith.cmpi eq, %get3A_17, %eq3A_599 : vector<1264x1xi32>
      %jit3A = arith.constant 0.000000e+00 : f32
      %broadcast_in_dim3A = vector.broadcast %jit3A : f32 to vector<1264x1xf32>
      %broadcast_in_dim3A_601 = vector.broadcast %cond3A_221 : f32 to vector<1264x1xf32>
      %select_n3A = arith.select %eq3A_600, %broadcast_in_dim3A, %broadcast_in_dim3A_601 : vector<1264x1xi1>, vector<1264x1xf32>
      %add3A_602 = vector.broadcast %select_n3A : vector<1264x1xf32> to vector<1264x128xf32>
      %add3A_603 = arith.addf %add3A_14, %add3A_602 : vector<1264x128xf32>
      %reduce_max3A = arith.constant dense<0xFF800000> : vector<128xf32>
      %reduce_max3A_604 = vector.multi_reduction <maximumf>, %add3A_603, %reduce_max3A [0] : vector<1264x128xf32> to vector<128xf32>
      %broadcast_in_dim3A_605 = vector.shape_cast %reduce_max3A_604 : vector<128xf32> to vector<1x128xf32>
      %get3A_606 = arith.constant 22 : index
      %get3A_607 = arith.constant 0 : index
      %get3A_608 = vector.load %arg9[%get3A_606, %get3A_607] : memref<64x128xf32, #tpu.memory_space<vmem>>, vector<1x128xf32>
      %max3A = arith.maximumf %get3A_608, %broadcast_in_dim3A_605 : vector<1x128xf32>
      %swap3A = arith.constant 22 : index
      %swap3A_609 = arith.constant 0 : index
      %swap3A_610 = vector.load %arg9[%swap3A, %swap3A_609] : memref<64x128xf32, #tpu.memory_space<vmem>>, vector<1x128xf32>
      tpu.vector_store %arg9[%swap3A, %swap3A_609], %max3A {strides = array<i32>} : memref<64x128xf32, #tpu.memory_space<vmem>>, vector<1x128xf32>,
    } else {
    }
    %le3A_224 = arith.constant 23 : i32
    %le3A_225 = arith.cmpi sle, %squeeze3A, %le3A_224 : i32
    %ge3A_226 = arith.constant 23 : i32
    %ge3A_227 = arith.cmpi sge, %squeeze3A_19, %ge3A_226 : i32
    %and3A_228 = arith.andi %le3A_225, %ge3A_227 : i1
    %convert_element_type3A_229 = arith.extui %and3A_228 : i1 to i32
    %cond3A_230 = arith.constant 0xFF800000 : f32
    %cond3A_231 = arith.constant 0 : i32
    %cond3A_232 = arith.cmpi ne, %convert_element_type3A_229, %cond3A_231 : i32
    scf.if %cond3A_232 {
      %eq3A_598 = arith.constant 23 : i32
      %eq3A_599 = vector.broadcast %eq3A_598 : i32 to vector<1264x1xi32>
      %eq3A_600 = arith.cmpi eq, %get3A_17, %eq3A_599 : vector<1264x1xi32>
      %jit3A = arith.constant 0.000000e+00 : f32
      %broadcast_in_dim3A = vector.broadcast %jit3A : f32 to vector<1264x1xf32>
      %broadcast_in_dim3A_601 = vector.broadcast %cond3A_230 : f32 to vector<1264x1xf32>
      %select_n3A = arith.select %eq3A_600, %broadcast_in_dim3A, %broadcast_in_dim3A_601 : vector<1264x1xi1>, vector<1264x1xf32>
      %add3A_602 = vector.broadcast %select_n3A : vector<1264x1xf32> to vector<1264x128xf32>
      %add3A_603 = arith.addf %add3A_14, %add3A_602 : vector<1264x128xf32>
      %reduce_max3A = arith.constant dense<0xFF800000> : vector<128xf32>
      %reduce_max3A_604 = vector.multi_reduction <maximumf>, %add3A_603, %reduce_max3A [0] : vector<1264x128xf32> to vector<128xf32>
      %broadcast_in_dim3A_605 = vector.shape_cast %reduce_max3A_604 : vector<128xf32> to vector<1x128xf32>
      %get3A_606 = arith.constant 23 : index
      %get3A_607 = arith.constant 0 : index
      %get3A_608 = vector.load %arg9[%get3A_606, %get3A_607] : memref<64x128xf32, #tpu.memory_space<vmem>>, vector<1x128xf32>
      %max3A = arith.maximumf %get3A_608, %broadcast_in_dim3A_605 : vector<1x128xf32>
      %swap3A = arith.constant 23 : index
      %swap3A_609 = arith.constant 0 : index
      %swap3A_610 = vector.load %arg9[%swap3A, %swap3A_609] : memref<64x128xf32, #tpu.memory_space<vmem>>, vector<1x128xf32>
      tpu.vector_store %arg9[%swap3A, %swap3A_609], %max3A {strides = array<i32>} : memref<64x128xf32, #tpu.memory_space<vmem>>, vector<1x128xf32>,
    } else {
    }
    %le3A_233 = arith.constant 24 : i32
    %le3A_234 = arith.cmpi sle, %squeeze3A, %le3A_233 : i32
    %ge3A_235 = arith.constant 24 : i32
    %ge3A_236 = arith.cmpi sge, %squeeze3A_19, %ge3A_235 : i32
    %and3A_237 = arith.andi %le3A_234, %ge3A_236 : i1
    %convert_element_type3A_238 = arith.extui %and3A_237 : i1 to i32
    %cond3A_239 = arith.constant 0xFF800000 : f32
    %cond3A_240 = arith.constant 0 : i32
    %cond3A_241 = arith.cmpi ne, %convert_element_type3A_238, %cond3A_240 : i32
    scf.if %cond3A_241 {
      %eq3A_598 = arith.constant 24 : i32
      %eq3A_599 = vector.broadcast %eq3A_598 : i32 to vector<1264x1xi32>
      %eq3A_600 = arith.cmpi eq, %get3A_17, %eq3A_599 : vector<1264x1xi32>
      %jit3A = arith.constant 0.000000e+00 : f32
      %broadcast_in_dim3A = vector.broadcast %jit3A : f32 to vector<1264x1xf32>
      %broadcast_in_dim3A_601 = vector.broadcast %cond3A_239 : f32 to vector<1264x1xf32>
      %select_n3A = arith.select %eq3A_600, %broadcast_in_dim3A, %broadcast_in_dim3A_601 : vector<1264x1xi1>, vector<1264x1xf32>
      %add3A_602 = vector.broadcast %select_n3A : vector<1264x1xf32> to vector<1264x128xf32>
      %add3A_603 = arith.addf %add3A_14, %add3A_602 : vector<1264x128xf32>
      %reduce_max3A = arith.constant dense<0xFF800000> : vector<128xf32>
      %reduce_max3A_604 = vector.multi_reduction <maximumf>, %add3A_603, %reduce_max3A [0] : vector<1264x128xf32> to vector<128xf32>
      %broadcast_in_dim3A_605 = vector.shape_cast %reduce_max3A_604 : vector<128xf32> to vector<1x128xf32>
      %get3A_606 = arith.constant 24 : index
      %get3A_607 = arith.constant 0 : index
      %get3A_608 = vector.load %arg9[%get3A_606, %get3A_607] : memref<64x128xf32, #tpu.memory_space<vmem>>, vector<1x128xf32>
      %max3A = arith.maximumf %get3A_608, %broadcast_in_dim3A_605 : vector<1x128xf32>
      %swap3A = arith.constant 24 : index
      %swap3A_609 = arith.constant 0 : index
      %swap3A_610 = vector.load %arg9[%swap3A, %swap3A_609] : memref<64x128xf32, #tpu.memory_space<vmem>>, vector<1x128xf32>
      tpu.vector_store %arg9[%swap3A, %swap3A_609], %max3A {strides = array<i32>} : memref<64x128xf32, #tpu.memory_space<vmem>>, vector<1x128xf32>,
    } else {
    }
    %le3A_242 = arith.constant 25 : i32
    %le3A_243 = arith.cmpi sle, %squeeze3A, %le3A_242 : i32
    %ge3A_244 = arith.constant 25 : i32
    %ge3A_245 = arith.cmpi sge, %squeeze3A_19, %ge3A_244 : i32
    %and3A_246 = arith.andi %le3A_243, %ge3A_245 : i1
    %convert_element_type3A_247 = arith.extui %and3A_246 : i1 to i32
    %cond3A_248 = arith.constant 0xFF800000 : f32
    %cond3A_249 = arith.constant 0 : i32
    %cond3A_250 = arith.cmpi ne, %convert_element_type3A_247, %cond3A_249 : i32
    scf.if %cond3A_250 {
      %eq3A_598 = arith.constant 25 : i32
      %eq3A_599 = vector.broadcast %eq3A_598 : i32 to vector<1264x1xi32>
      %eq3A_600 = arith.cmpi eq, %get3A_17, %eq3A_599 : vector<1264x1xi32>
      %jit3A = arith.constant 0.000000e+00 : f32
      %broadcast_in_dim3A = vector.broadcast %jit3A : f32 to vector<1264x1xf32>
      %broadcast_in_dim3A_601 = vector.broadcast %cond3A_248 : f32 to vector<1264x1xf32>
      %select_n3A = arith.select %eq3A_600, %broadcast_in_dim3A, %broadcast_in_dim3A_601 : vector<1264x1xi1>, vector<1264x1xf32>
      %add3A_602 = vector.broadcast %select_n3A : vector<1264x1xf32> to vector<1264x128xf32>
      %add3A_603 = arith.addf %add3A_14, %add3A_602 : vector<1264x128xf32>
      %reduce_max3A = arith.constant dense<0xFF800000> : vector<128xf32>
      %reduce_max3A_604 = vector.multi_reduction <maximumf>, %add3A_603, %reduce_max3A [0] : vector<1264x128xf32> to vector<128xf32>
      %broadcast_in_dim3A_605 = vector.shape_cast %reduce_max3A_604 : vector<128xf32> to vector<1x128xf32>
      %get3A_606 = arith.constant 25 : index
      %get3A_607 = arith.constant 0 : index
      %get3A_608 = vector.load %arg9[%get3A_606, %get3A_607] : memref<64x128xf32, #tpu.memory_space<vmem>>, vector<1x128xf32>
      %max3A = arith.maximumf %get3A_608, %broadcast_in_dim3A_605 : vector<1x128xf32>
      %swap3A = arith.constant 25 : index
      %swap3A_609 = arith.constant 0 : index
      %swap3A_610 = vector.load %arg9[%swap3A, %swap3A_609] : memref<64x128xf32, #tpu.memory_space<vmem>>, vector<1x128xf32>
      tpu.vector_store %arg9[%swap3A, %swap3A_609], %max3A {strides = array<i32>} : memref<64x128xf32, #tpu.memory_space<vmem>>, vector<1x128xf32>,
    } else {
    }
    %le3A_251 = arith.constant 26 : i32
    %le3A_252 = arith.cmpi sle, %squeeze3A, %le3A_251 : i32
    %ge3A_253 = arith.constant 26 : i32
    %ge3A_254 = arith.cmpi sge, %squeeze3A_19, %ge3A_253 : i32
    %and3A_255 = arith.andi %le3A_252, %ge3A_254 : i1
    %convert_element_type3A_256 = arith.extui %and3A_255 : i1 to i32
    %cond3A_257 = arith.constant 0xFF800000 : f32
    %cond3A_258 = arith.constant 0 : i32
    %cond3A_259 = arith.cmpi ne, %convert_element_type3A_256, %cond3A_258 : i32
    scf.if %cond3A_259 {
      %eq3A_598 = arith.constant 26 : i32
      %eq3A_599 = vector.broadcast %eq3A_598 : i32 to vector<1264x1xi32>
      %eq3A_600 = arith.cmpi eq, %get3A_17, %eq3A_599 : vector<1264x1xi32>
      %jit3A = arith.constant 0.000000e+00 : f32
      %broadcast_in_dim3A = vector.broadcast %jit3A : f32 to vector<1264x1xf32>
      %broadcast_in_dim3A_601 = vector.broadcast %cond3A_257 : f32 to vector<1264x1xf32>
      %select_n3A = arith.select %eq3A_600, %broadcast_in_dim3A, %broadcast_in_dim3A_601 : vector<1264x1xi1>, vector<1264x1xf32>
      %add3A_602 = vector.broadcast %select_n3A : vector<1264x1xf32> to vector<1264x128xf32>
      %add3A_603 = arith.addf %add3A_14, %add3A_602 : vector<1264x128xf32>
      %reduce_max3A = arith.constant dense<0xFF800000> : vector<128xf32>
      %reduce_max3A_604 = vector.multi_reduction <maximumf>, %add3A_603, %reduce_max3A [0] : vector<1264x128xf32> to vector<128xf32>
      %broadcast_in_dim3A_605 = vector.shape_cast %reduce_max3A_604 : vector<128xf32> to vector<1x128xf32>
      %get3A_606 = arith.constant 26 : index
      %get3A_607 = arith.constant 0 : index
      %get3A_608 = vector.load %arg9[%get3A_606, %get3A_607] : memref<64x128xf32, #tpu.memory_space<vmem>>, vector<1x128xf32>
      %max3A = arith.maximumf %get3A_608, %broadcast_in_dim3A_605 : vector<1x128xf32>
      %swap3A = arith.constant 26 : index
      %swap3A_609 = arith.constant 0 : index
      %swap3A_610 = vector.load %arg9[%swap3A, %swap3A_609] : memref<64x128xf32, #tpu.memory_space<vmem>>, vector<1x128xf32>
      tpu.vector_store %arg9[%swap3A, %swap3A_609], %max3A {strides = array<i32>} : memref<64x128xf32, #tpu.memory_space<vmem>>, vector<1x128xf32>,
    } else {
    }
    %le3A_260 = arith.constant 27 : i32
    %le3A_261 = arith.cmpi sle, %squeeze3A, %le3A_260 : i32
    %ge3A_262 = arith.constant 27 : i32
    %ge3A_263 = arith.cmpi sge, %squeeze3A_19, %ge3A_262 : i32
    %and3A_264 = arith.andi %le3A_261, %ge3A_263 : i1
    %convert_element_type3A_265 = arith.extui %and3A_264 : i1 to i32
    %cond3A_266 = arith.constant 0xFF800000 : f32
    %cond3A_267 = arith.constant 0 : i32
    %cond3A_268 = arith.cmpi ne, %convert_element_type3A_265, %cond3A_267 : i32
    scf.if %cond3A_268 {
      %eq3A_598 = arith.constant 27 : i32
      %eq3A_599 = vector.broadcast %eq3A_598 : i32 to vector<1264x1xi32>
      %eq3A_600 = arith.cmpi eq, %get3A_17, %eq3A_599 : vector<1264x1xi32>
      %jit3A = arith.constant 0.000000e+00 : f32
      %broadcast_in_dim3A = vector.broadcast %jit3A : f32 to vector<1264x1xf32>
      %broadcast_in_dim3A_601 = vector.broadcast %cond3A_266 : f32 to vector<1264x1xf32>
      %select_n3A = arith.select %eq3A_600, %broadcast_in_dim3A, %broadcast_in_dim3A_601 : vector<1264x1xi1>, vector<1264x1xf32>
      %add3A_602 = vector.broadcast %select_n3A : vector<1264x1xf32> to vector<1264x128xf32>
      %add3A_603 = arith.addf %add3A_14, %add3A_602 : vector<1264x128xf32>
      %reduce_max3A = arith.constant dense<0xFF800000> : vector<128xf32>
      %reduce_max3A_604 = vector.multi_reduction <maximumf>, %add3A_603, %reduce_max3A [0] : vector<1264x128xf32> to vector<128xf32>
      %broadcast_in_dim3A_605 = vector.shape_cast %reduce_max3A_604 : vector<128xf32> to vector<1x128xf32>
      %get3A_606 = arith.constant 27 : index
      %get3A_607 = arith.constant 0 : index
      %get3A_608 = vector.load %arg9[%get3A_606, %get3A_607] : memref<64x128xf32, #tpu.memory_space<vmem>>, vector<1x128xf32>
      %max3A = arith.maximumf %get3A_608, %broadcast_in_dim3A_605 : vector<1x128xf32>
      %swap3A = arith.constant 27 : index
      %swap3A_609 = arith.constant 0 : index
      %swap3A_610 = vector.load %arg9[%swap3A, %swap3A_609] : memref<64x128xf32, #tpu.memory_space<vmem>>, vector<1x128xf32>
      tpu.vector_store %arg9[%swap3A, %swap3A_609], %max3A {strides = array<i32>} : memref<64x128xf32, #tpu.memory_space<vmem>>, vector<1x128xf32>,
    } else {
    }
    %le3A_269 = arith.constant 28 : i32
    %le3A_270 = arith.cmpi sle, %squeeze3A, %le3A_269 : i32
    %ge3A_271 = arith.constant 28 : i32
    %ge3A_272 = arith.cmpi sge, %squeeze3A_19, %ge3A_271 : i32
    %and3A_273 = arith.andi %le3A_270, %ge3A_272 : i1
    %convert_element_type3A_274 = arith.extui %and3A_273 : i1 to i32
    %cond3A_275 = arith.constant 0xFF800000 : f32
    %cond3A_276 = arith.constant 0 : i32
    %cond3A_277 = arith.cmpi ne, %convert_element_type3A_274, %cond3A_276 : i32
    scf.if %cond3A_277 {
      %eq3A_598 = arith.constant 28 : i32
      %eq3A_599 = vector.broadcast %eq3A_598 : i32 to vector<1264x1xi32>
      %eq3A_600 = arith.cmpi eq, %get3A_17, %eq3A_599 : vector<1264x1xi32>
      %jit3A = arith.constant 0.000000e+00 : f32
      %broadcast_in_dim3A = vector.broadcast %jit3A : f32 to vector<1264x1xf32>
      %broadcast_in_dim3A_601 = vector.broadcast %cond3A_275 : f32 to vector<1264x1xf32>
      %select_n3A = arith.select %eq3A_600, %broadcast_in_dim3A, %broadcast_in_dim3A_601 : vector<1264x1xi1>, vector<1264x1xf32>
      %add3A_602 = vector.broadcast %select_n3A : vector<1264x1xf32> to vector<1264x128xf32>
      %add3A_603 = arith.addf %add3A_14, %add3A_602 : vector<1264x128xf32>
      %reduce_max3A = arith.constant dense<0xFF800000> : vector<128xf32>
      %reduce_max3A_604 = vector.multi_reduction <maximumf>, %add3A_603, %reduce_max3A [0] : vector<1264x128xf32> to vector<128xf32>
      %broadcast_in_dim3A_605 = vector.shape_cast %reduce_max3A_604 : vector<128xf32> to vector<1x128xf32>
      %get3A_606 = arith.constant 28 : index
      %get3A_607 = arith.constant 0 : index
      %get3A_608 = vector.load %arg9[%get3A_606, %get3A_607] : memref<64x128xf32, #tpu.memory_space<vmem>>, vector<1x128xf32>
      %max3A = arith.maximumf %get3A_608, %broadcast_in_dim3A_605 : vector<1x128xf32>
      %swap3A = arith.constant 28 : index
      %swap3A_609 = arith.constant 0 : index
      %swap3A_610 = vector.load %arg9[%swap3A, %swap3A_609] : memref<64x128xf32, #tpu.memory_space<vmem>>, vector<1x128xf32>
      tpu.vector_store %arg9[%swap3A, %swap3A_609], %max3A {strides = array<i32>} : memref<64x128xf32, #tpu.memory_space<vmem>>, vector<1x128xf32>,
    } else {
    }
    %le3A_278 = arith.constant 29 : i32
    %le3A_279 = arith.cmpi sle, %squeeze3A, %le3A_278 : i32
    %ge3A_280 = arith.constant 29 : i32
    %ge3A_281 = arith.cmpi sge, %squeeze3A_19, %ge3A_280 : i32
    %and3A_282 = arith.andi %le3A_279, %ge3A_281 : i1
    %convert_element_type3A_283 = arith.extui %and3A_282 : i1 to i32
    %cond3A_284 = arith.constant 0xFF800000 : f32
    %cond3A_285 = arith.constant 0 : i32
    %cond3A_286 = arith.cmpi ne, %convert_element_type3A_283, %cond3A_285 : i32
    scf.if %cond3A_286 {
      %eq3A_598 = arith.constant 29 : i32
      %eq3A_599 = vector.broadcast %eq3A_598 : i32 to vector<1264x1xi32>
      %eq3A_600 = arith.cmpi eq, %get3A_17, %eq3A_599 : vector<1264x1xi32>
      %jit3A = arith.constant 0.000000e+00 : f32
      %broadcast_in_dim3A = vector.broadcast %jit3A : f32 to vector<1264x1xf32>
      %broadcast_in_dim3A_601 = vector.broadcast %cond3A_284 : f32 to vector<1264x1xf32>
      %select_n3A = arith.select %eq3A_600, %broadcast_in_dim3A, %broadcast_in_dim3A_601 : vector<1264x1xi1>, vector<1264x1xf32>
      %add3A_602 = vector.broadcast %select_n3A : vector<1264x1xf32> to vector<1264x128xf32>
      %add3A_603 = arith.addf %add3A_14, %add3A_602 : vector<1264x128xf32>
      %reduce_max3A = arith.constant dense<0xFF800000> : vector<128xf32>
      %reduce_max3A_604 = vector.multi_reduction <maximumf>, %add3A_603, %reduce_max3A [0] : vector<1264x128xf32> to vector<128xf32>
      %broadcast_in_dim3A_605 = vector.shape_cast %reduce_max3A_604 : vector<128xf32> to vector<1x128xf32>
      %get3A_606 = arith.constant 29 : index
      %get3A_607 = arith.constant 0 : index
      %get3A_608 = vector.load %arg9[%get3A_606, %get3A_607] : memref<64x128xf32, #tpu.memory_space<vmem>>, vector<1x128xf32>
      %max3A = arith.maximumf %get3A_608, %broadcast_in_dim3A_605 : vector<1x128xf32>
      %swap3A = arith.constant 29 : index
      %swap3A_609 = arith.constant 0 : index
      %swap3A_610 = vector.load %arg9[%swap3A, %swap3A_609] : memref<64x128xf32, #tpu.memory_space<vmem>>, vector<1x128xf32>
      tpu.vector_store %arg9[%swap3A, %swap3A_609], %max3A {strides = array<i32>} : memref<64x128xf32, #tpu.memory_space<vmem>>, vector<1x128xf32>,
    } else {
    }
    %le3A_287 = arith.constant 30 : i32
    %le3A_288 = arith.cmpi sle, %squeeze3A, %le3A_287 : i32
    %ge3A_289 = arith.constant 30 : i32
    %ge3A_290 = arith.cmpi sge, %squeeze3A_19, %ge3A_289 : i32
    %and3A_291 = arith.andi %le3A_288, %ge3A_290 : i1
    %convert_element_type3A_292 = arith.extui %and3A_291 : i1 to i32
    %cond3A_293 = arith.constant 0xFF800000 : f32
    %cond3A_294 = arith.constant 0 : i32
    %cond3A_295 = arith.cmpi ne, %convert_element_type3A_292, %cond3A_294 : i32
    scf.if %cond3A_295 {
      %eq3A_598 = arith.constant 30 : i32
      %eq3A_599 = vector.broadcast %eq3A_598 : i32 to vector<1264x1xi32>
      %eq3A_600 = arith.cmpi eq, %get3A_17, %eq3A_599 : vector<1264x1xi32>
      %jit3A = arith.constant 0.000000e+00 : f32
      %broadcast_in_dim3A = vector.broadcast %jit3A : f32 to vector<1264x1xf32>
      %broadcast_in_dim3A_601 = vector.broadcast %cond3A_293 : f32 to vector<1264x1xf32>
      %select_n3A = arith.select %eq3A_600, %broadcast_in_dim3A, %broadcast_in_dim3A_601 : vector<1264x1xi1>, vector<1264x1xf32>
      %add3A_602 = vector.broadcast %select_n3A : vector<1264x1xf32> to vector<1264x128xf32>
      %add3A_603 = arith.addf %add3A_14, %add3A_602 : vector<1264x128xf32>
      %reduce_max3A = arith.constant dense<0xFF800000> : vector<128xf32>
      %reduce_max3A_604 = vector.multi_reduction <maximumf>, %add3A_603, %reduce_max3A [0] : vector<1264x128xf32> to vector<128xf32>
      %broadcast_in_dim3A_605 = vector.shape_cast %reduce_max3A_604 : vector<128xf32> to vector<1x128xf32>
      %get3A_606 = arith.constant 30 : index
      %get3A_607 = arith.constant 0 : index
      %get3A_608 = vector.load %arg9[%get3A_606, %get3A_607] : memref<64x128xf32, #tpu.memory_space<vmem>>, vector<1x128xf32>
      %max3A = arith.maximumf %get3A_608, %broadcast_in_dim3A_605 : vector<1x128xf32>
      %swap3A = arith.constant 30 : index
      %swap3A_609 = arith.constant 0 : index
      %swap3A_610 = vector.load %arg9[%swap3A, %swap3A_609] : memref<64x128xf32, #tpu.memory_space<vmem>>, vector<1x128xf32>
      tpu.vector_store %arg9[%swap3A, %swap3A_609], %max3A {strides = array<i32>} : memref<64x128xf32, #tpu.memory_space<vmem>>, vector<1x128xf32>,
    } else {
    }
    %le3A_296 = arith.constant 31 : i32
    %le3A_297 = arith.cmpi sle, %squeeze3A, %le3A_296 : i32
    %ge3A_298 = arith.constant 31 : i32
    %ge3A_299 = arith.cmpi sge, %squeeze3A_19, %ge3A_298 : i32
    %and3A_300 = arith.andi %le3A_297, %ge3A_299 : i1
    %convert_element_type3A_301 = arith.extui %and3A_300 : i1 to i32
    %cond3A_302 = arith.constant 0xFF800000 : f32
    %cond3A_303 = arith.constant 0 : i32
    %cond3A_304 = arith.cmpi ne, %convert_element_type3A_301, %cond3A_303 : i32
    scf.if %cond3A_304 {
      %eq3A_598 = arith.constant 31 : i32
      %eq3A_599 = vector.broadcast %eq3A_598 : i32 to vector<1264x1xi32>
      %eq3A_600 = arith.cmpi eq, %get3A_17, %eq3A_599 : vector<1264x1xi32>
      %jit3A = arith.constant 0.000000e+00 : f32
      %broadcast_in_dim3A = vector.broadcast %jit3A : f32 to vector<1264x1xf32>
      %broadcast_in_dim3A_601 = vector.broadcast %cond3A_302 : f32 to vector<1264x1xf32>
      %select_n3A = arith.select %eq3A_600, %broadcast_in_dim3A, %broadcast_in_dim3A_601 : vector<1264x1xi1>, vector<1264x1xf32>
      %add3A_602 = vector.broadcast %select_n3A : vector<1264x1xf32> to vector<1264x128xf32>
      %add3A_603 = arith.addf %add3A_14, %add3A_602 : vector<1264x128xf32>
      %reduce_max3A = arith.constant dense<0xFF800000> : vector<128xf32>
      %reduce_max3A_604 = vector.multi_reduction <maximumf>, %add3A_603, %reduce_max3A [0] : vector<1264x128xf32> to vector<128xf32>
      %broadcast_in_dim3A_605 = vector.shape_cast %reduce_max3A_604 : vector<128xf32> to vector<1x128xf32>
      %get3A_606 = arith.constant 31 : index
      %get3A_607 = arith.constant 0 : index
      %get3A_608 = vector.load %arg9[%get3A_606, %get3A_607] : memref<64x128xf32, #tpu.memory_space<vmem>>, vector<1x128xf32>
      %max3A = arith.maximumf %get3A_608, %broadcast_in_dim3A_605 : vector<1x128xf32>
      %swap3A = arith.constant 31 : index
      %swap3A_609 = arith.constant 0 : index
      %swap3A_610 = vector.load %arg9[%swap3A, %swap3A_609] : memref<64x128xf32, #tpu.memory_space<vmem>>, vector<1x128xf32>
      tpu.vector_store %arg9[%swap3A, %swap3A_609], %max3A {strides = array<i32>} : memref<64x128xf32, #tpu.memory_space<vmem>>, vector<1x128xf32>,
    } else {
    }
    %le3A_305 = arith.constant 32 : i32
    %le3A_306 = arith.cmpi sle, %squeeze3A, %le3A_305 : i32
    %ge3A_307 = arith.constant 32 : i32
    %ge3A_308 = arith.cmpi sge, %squeeze3A_19, %ge3A_307 : i32
    %and3A_309 = arith.andi %le3A_306, %ge3A_308 : i1
    %convert_element_type3A_310 = arith.extui %and3A_309 : i1 to i32
    %cond3A_311 = arith.constant 0xFF800000 : f32
    %cond3A_312 = arith.constant 0 : i32
    %cond3A_313 = arith.cmpi ne, %convert_element_type3A_310, %cond3A_312 : i32
    scf.if %cond3A_313 {
      %eq3A_598 = arith.constant 32 : i32
      %eq3A_599 = vector.broadcast %eq3A_598 : i32 to vector<1264x1xi32>
      %eq3A_600 = arith.cmpi eq, %get3A_17, %eq3A_599 : vector<1264x1xi32>
      %jit3A = arith.constant 0.000000e+00 : f32
      %broadcast_in_dim3A = vector.broadcast %jit3A : f32 to vector<1264x1xf32>
      %broadcast_in_dim3A_601 = vector.broadcast %cond3A_311 : f32 to vector<1264x1xf32>
      %select_n3A = arith.select %eq3A_600, %broadcast_in_dim3A, %broadcast_in_dim3A_601 : vector<1264x1xi1>, vector<1264x1xf32>
      %add3A_602 = vector.broadcast %select_n3A : vector<1264x1xf32> to vector<1264x128xf32>
      %add3A_603 = arith.addf %add3A_14, %add3A_602 : vector<1264x128xf32>
      %reduce_max3A = arith.constant dense<0xFF800000> : vector<128xf32>
      %reduce_max3A_604 = vector.multi_reduction <maximumf>, %add3A_603, %reduce_max3A [0] : vector<1264x128xf32> to vector<128xf32>
      %broadcast_in_dim3A_605 = vector.shape_cast %reduce_max3A_604 : vector<128xf32> to vector<1x128xf32>
      %get3A_606 = arith.constant 32 : index
      %get3A_607 = arith.constant 0 : index
      %get3A_608 = vector.load %arg9[%get3A_606, %get3A_607] : memref<64x128xf32, #tpu.memory_space<vmem>>, vector<1x128xf32>
      %max3A = arith.maximumf %get3A_608, %broadcast_in_dim3A_605 : vector<1x128xf32>
      %swap3A = arith.constant 32 : index
      %swap3A_609 = arith.constant 0 : index
      %swap3A_610 = vector.load %arg9[%swap3A, %swap3A_609] : memref<64x128xf32, #tpu.memory_space<vmem>>, vector<1x128xf32>
      tpu.vector_store %arg9[%swap3A, %swap3A_609], %max3A {strides = array<i32>} : memref<64x128xf32, #tpu.memory_space<vmem>>, vector<1x128xf32>,
    } else {
    }
    %le3A_314 = arith.constant 33 : i32
    %le3A_315 = arith.cmpi sle, %squeeze3A, %le3A_314 : i32
    %ge3A_316 = arith.constant 33 : i32
    %ge3A_317 = arith.cmpi sge, %squeeze3A_19, %ge3A_316 : i32
    %and3A_318 = arith.andi %le3A_315, %ge3A_317 : i1
    %convert_element_type3A_319 = arith.extui %and3A_318 : i1 to i32
    %cond3A_320 = arith.constant 0xFF800000 : f32
    %cond3A_321 = arith.constant 0 : i32
    %cond3A_322 = arith.cmpi ne, %convert_element_type3A_319, %cond3A_321 : i32
    scf.if %cond3A_322 {
      %eq3A_598 = arith.constant 33 : i32
      %eq3A_599 = vector.broadcast %eq3A_598 : i32 to vector<1264x1xi32>
      %eq3A_600 = arith.cmpi eq, %get3A_17, %eq3A_599 : vector<1264x1xi32>
      %jit3A = arith.constant 0.000000e+00 : f32
      %broadcast_in_dim3A = vector.broadcast %jit3A : f32 to vector<1264x1xf32>
      %broadcast_in_dim3A_601 = vector.broadcast %cond3A_320 : f32 to vector<1264x1xf32>
      %select_n3A = arith.select %eq3A_600, %broadcast_in_dim3A, %broadcast_in_dim3A_601 : vector<1264x1xi1>, vector<1264x1xf32>
      %add3A_602 = vector.broadcast %select_n3A : vector<1264x1xf32> to vector<1264x128xf32>
      %add3A_603 = arith.addf %add3A_14, %add3A_602 : vector<1264x128xf32>
      %reduce_max3A = arith.constant dense<0xFF800000> : vector<128xf32>
      %reduce_max3A_604 = vector.multi_reduction <maximumf>, %add3A_603, %reduce_max3A [0] : vector<1264x128xf32> to vector<128xf32>
      %broadcast_in_dim3A_605 = vector.shape_cast %reduce_max3A_604 : vector<128xf32> to vector<1x128xf32>
      %get3A_606 = arith.constant 33 : index
      %get3A_607 = arith.constant 0 : index
      %get3A_608 = vector.load %arg9[%get3A_606, %get3A_607] : memref<64x128xf32, #tpu.memory_space<vmem>>, vector<1x128xf32>
      %max3A = arith.maximumf %get3A_608, %broadcast_in_dim3A_605 : vector<1x128xf32>
      %swap3A = arith.constant 33 : index
      %swap3A_609 = arith.constant 0 : index
      %swap3A_610 = vector.load %arg9[%swap3A, %swap3A_609] : memref<64x128xf32, #tpu.memory_space<vmem>>, vector<1x128xf32>
      tpu.vector_store %arg9[%swap3A, %swap3A_609], %max3A {strides = array<i32>} : memref<64x128xf32, #tpu.memory_space<vmem>>, vector<1x128xf32>,
    } else {
    }
    %le3A_323 = arith.constant 34 : i32
    %le3A_324 = arith.cmpi sle, %squeeze3A, %le3A_323 : i32
    %ge3A_325 = arith.constant 34 : i32
    %ge3A_326 = arith.cmpi sge, %squeeze3A_19, %ge3A_325 : i32
    %and3A_327 = arith.andi %le3A_324, %ge3A_326 : i1
    %convert_element_type3A_328 = arith.extui %and3A_327 : i1 to i32
    %cond3A_329 = arith.constant 0xFF800000 : f32
    %cond3A_330 = arith.constant 0 : i32
    %cond3A_331 = arith.cmpi ne, %convert_element_type3A_328, %cond3A_330 : i32
    scf.if %cond3A_331 {
      %eq3A_598 = arith.constant 34 : i32
      %eq3A_599 = vector.broadcast %eq3A_598 : i32 to vector<1264x1xi32>
      %eq3A_600 = arith.cmpi eq, %get3A_17, %eq3A_599 : vector<1264x1xi32>
      %jit3A = arith.constant 0.000000e+00 : f32
      %broadcast_in_dim3A = vector.broadcast %jit3A : f32 to vector<1264x1xf32>
      %broadcast_in_dim3A_601 = vector.broadcast %cond3A_329 : f32 to vector<1264x1xf32>
      %select_n3A = arith.select %eq3A_600, %broadcast_in_dim3A, %broadcast_in_dim3A_601 : vector<1264x1xi1>, vector<1264x1xf32>
      %add3A_602 = vector.broadcast %select_n3A : vector<1264x1xf32> to vector<1264x128xf32>
      %add3A_603 = arith.addf %add3A_14, %add3A_602 : vector<1264x128xf32>
      %reduce_max3A = arith.constant dense<0xFF800000> : vector<128xf32>
      %reduce_max3A_604 = vector.multi_reduction <maximumf>, %add3A_603, %reduce_max3A [0] : vector<1264x128xf32> to vector<128xf32>
      %broadcast_in_dim3A_605 = vector.shape_cast %reduce_max3A_604 : vector<128xf32> to vector<1x128xf32>
      %get3A_606 = arith.constant 34 : index
      %get3A_607 = arith.constant 0 : index
      %get3A_608 = vector.load %arg9[%get3A_606, %get3A_607] : memref<64x128xf32, #tpu.memory_space<vmem>>, vector<1x128xf32>
      %max3A = arith.maximumf %get3A_608, %broadcast_in_dim3A_605 : vector<1x128xf32>
      %swap3A = arith.constant 34 : index
      %swap3A_609 = arith.constant 0 : index
      %swap3A_610 = vector.load %arg9[%swap3A, %swap3A_609] : memref<64x128xf32, #tpu.memory_space<vmem>>, vector<1x128xf32>
      tpu.vector_store %arg9[%swap3A, %swap3A_609], %max3A {strides = array<i32>} : memref<64x128xf32, #tpu.memory_space<vmem>>, vector<1x128xf32>,
    } else {
    }
    %le3A_332 = arith.constant 35 : i32
    %le3A_333 = arith.cmpi sle, %squeeze3A, %le3A_332 : i32
    %ge3A_334 = arith.constant 35 : i32
    %ge3A_335 = arith.cmpi sge, %squeeze3A_19, %ge3A_334 : i32
    %and3A_336 = arith.andi %le3A_333, %ge3A_335 : i1
    %convert_element_type3A_337 = arith.extui %and3A_336 : i1 to i32
    %cond3A_338 = arith.constant 0xFF800000 : f32
    %cond3A_339 = arith.constant 0 : i32
    %cond3A_340 = arith.cmpi ne, %convert_element_type3A_337, %cond3A_339 : i32
    scf.if %cond3A_340 {
      %eq3A_598 = arith.constant 35 : i32
      %eq3A_599 = vector.broadcast %eq3A_598 : i32 to vector<1264x1xi32>
      %eq3A_600 = arith.cmpi eq, %get3A_17, %eq3A_599 : vector<1264x1xi32>
      %jit3A = arith.constant 0.000000e+00 : f32
      %broadcast_in_dim3A = vector.broadcast %jit3A : f32 to vector<1264x1xf32>
      %broadcast_in_dim3A_601 = vector.broadcast %cond3A_338 : f32 to vector<1264x1xf32>
      %select_n3A = arith.select %eq3A_600, %broadcast_in_dim3A, %broadcast_in_dim3A_601 : vector<1264x1xi1>, vector<1264x1xf32>
      %add3A_602 = vector.broadcast %select_n3A : vector<1264x1xf32> to vector<1264x128xf32>
      %add3A_603 = arith.addf %add3A_14, %add3A_602 : vector<1264x128xf32>
      %reduce_max3A = arith.constant dense<0xFF800000> : vector<128xf32>
      %reduce_max3A_604 = vector.multi_reduction <maximumf>, %add3A_603, %reduce_max3A [0] : vector<1264x128xf32> to vector<128xf32>
      %broadcast_in_dim3A_605 = vector.shape_cast %reduce_max3A_604 : vector<128xf32> to vector<1x128xf32>
      %get3A_606 = arith.constant 35 : index
      %get3A_607 = arith.constant 0 : index
      %get3A_608 = vector.load %arg9[%get3A_606, %get3A_607] : memref<64x128xf32, #tpu.memory_space<vmem>>, vector<1x128xf32>
      %max3A = arith.maximumf %get3A_608, %broadcast_in_dim3A_605 : vector<1x128xf32>
      %swap3A = arith.constant 35 : index
      %swap3A_609 = arith.constant 0 : index
      %swap3A_610 = vector.load %arg9[%swap3A, %swap3A_609] : memref<64x128xf32, #tpu.memory_space<vmem>>, vector<1x128xf32>
      tpu.vector_store %arg9[%swap3A, %swap3A_609], %max3A {strides = array<i32>} : memref<64x128xf32, #tpu.memory_space<vmem>>, vector<1x128xf32>,
    } else {
    }
    %le3A_341 = arith.constant 36 : i32
    %le3A_342 = arith.cmpi sle, %squeeze3A, %le3A_341 : i32
    %ge3A_343 = arith.constant 36 : i32
    %ge3A_344 = arith.cmpi sge, %squeeze3A_19, %ge3A_343 : i32
    %and3A_345 = arith.andi %le3A_342, %ge3A_344 : i1
    %convert_element_type3A_346 = arith.extui %and3A_345 : i1 to i32
    %cond3A_347 = arith.constant 0xFF800000 : f32
    %cond3A_348 = arith.constant 0 : i32
    %cond3A_349 = arith.cmpi ne, %convert_element_type3A_346, %cond3A_348 : i32
    scf.if %cond3A_349 {
      %eq3A_598 = arith.constant 36 : i32
      %eq3A_599 = vector.broadcast %eq3A_598 : i32 to vector<1264x1xi32>
      %eq3A_600 = arith.cmpi eq, %get3A_17, %eq3A_599 : vector<1264x1xi32>
      %jit3A = arith.constant 0.000000e+00 : f32
      %broadcast_in_dim3A = vector.broadcast %jit3A : f32 to vector<1264x1xf32>
      %broadcast_in_dim3A_601 = vector.broadcast %cond3A_347 : f32 to vector<1264x1xf32>
      %select_n3A = arith.select %eq3A_600, %broadcast_in_dim3A, %broadcast_in_dim3A_601 : vector<1264x1xi1>, vector<1264x1xf32>
      %add3A_602 = vector.broadcast %select_n3A : vector<1264x1xf32> to vector<1264x128xf32>
      %add3A_603 = arith.addf %add3A_14, %add3A_602 : vector<1264x128xf32>
      %reduce_max3A = arith.constant dense<0xFF800000> : vector<128xf32>
      %reduce_max3A_604 = vector.multi_reduction <maximumf>, %add3A_603, %reduce_max3A [0] : vector<1264x128xf32> to vector<128xf32>
      %broadcast_in_dim3A_605 = vector.shape_cast %reduce_max3A_604 : vector<128xf32> to vector<1x128xf32>
      %get3A_606 = arith.constant 36 : index
      %get3A_607 = arith.constant 0 : index
      %get3A_608 = vector.load %arg9[%get3A_606, %get3A_607] : memref<64x128xf32, #tpu.memory_space<vmem>>, vector<1x128xf32>
      %max3A = arith.maximumf %get3A_608, %broadcast_in_dim3A_605 : vector<1x128xf32>
      %swap3A = arith.constant 36 : index
      %swap3A_609 = arith.constant 0 : index
      %swap3A_610 = vector.load %arg9[%swap3A, %swap3A_609] : memref<64x128xf32, #tpu.memory_space<vmem>>, vector<1x128xf32>
      tpu.vector_store %arg9[%swap3A, %swap3A_609], %max3A {strides = array<i32>} : memref<64x128xf32, #tpu.memory_space<vmem>>, vector<1x128xf32>,
    } else {
    }
    %le3A_350 = arith.constant 37 : i32
    %le3A_351 = arith.cmpi sle, %squeeze3A, %le3A_350 : i32
    %ge3A_352 = arith.constant 37 : i32
    %ge3A_353 = arith.cmpi sge, %squeeze3A_19, %ge3A_352 : i32
    %and3A_354 = arith.andi %le3A_351, %ge3A_353 : i1
    %convert_element_type3A_355 = arith.extui %and3A_354 : i1 to i32
    %cond3A_356 = arith.constant 0xFF800000 : f32
    %cond3A_357 = arith.constant 0 : i32
    %cond3A_358 = arith.cmpi ne, %convert_element_type3A_355, %cond3A_357 : i32
    scf.if %cond3A_358 {
      %eq3A_598 = arith.constant 37 : i32
      %eq3A_599 = vector.broadcast %eq3A_598 : i32 to vector<1264x1xi32>
      %eq3A_600 = arith.cmpi eq, %get3A_17, %eq3A_599 : vector<1264x1xi32>
      %jit3A = arith.constant 0.000000e+00 : f32
      %broadcast_in_dim3A = vector.broadcast %jit3A : f32 to vector<1264x1xf32>
      %broadcast_in_dim3A_601 = vector.broadcast %cond3A_356 : f32 to vector<1264x1xf32>
      %select_n3A = arith.select %eq3A_600, %broadcast_in_dim3A, %broadcast_in_dim3A_601 : vector<1264x1xi1>, vector<1264x1xf32>
      %add3A_602 = vector.broadcast %select_n3A : vector<1264x1xf32> to vector<1264x128xf32>
      %add3A_603 = arith.addf %add3A_14, %add3A_602 : vector<1264x128xf32>
      %reduce_max3A = arith.constant dense<0xFF800000> : vector<128xf32>
      %reduce_max3A_604 = vector.multi_reduction <maximumf>, %add3A_603, %reduce_max3A [0] : vector<1264x128xf32> to vector<128xf32>
      %broadcast_in_dim3A_605 = vector.shape_cast %reduce_max3A_604 : vector<128xf32> to vector<1x128xf32>
      %get3A_606 = arith.constant 37 : index
      %get3A_607 = arith.constant 0 : index
      %get3A_608 = vector.load %arg9[%get3A_606, %get3A_607] : memref<64x128xf32, #tpu.memory_space<vmem>>, vector<1x128xf32>
      %max3A = arith.maximumf %get3A_608, %broadcast_in_dim3A_605 : vector<1x128xf32>
      %swap3A = arith.constant 37 : index
      %swap3A_609 = arith.constant 0 : index
      %swap3A_610 = vector.load %arg9[%swap3A, %swap3A_609] : memref<64x128xf32, #tpu.memory_space<vmem>>, vector<1x128xf32>
      tpu.vector_store %arg9[%swap3A, %swap3A_609], %max3A {strides = array<i32>} : memref<64x128xf32, #tpu.memory_space<vmem>>, vector<1x128xf32>,
    } else {
    }
    %le3A_359 = arith.constant 38 : i32
    %le3A_360 = arith.cmpi sle, %squeeze3A, %le3A_359 : i32
    %ge3A_361 = arith.constant 38 : i32
    %ge3A_362 = arith.cmpi sge, %squeeze3A_19, %ge3A_361 : i32
    %and3A_363 = arith.andi %le3A_360, %ge3A_362 : i1
    %convert_element_type3A_364 = arith.extui %and3A_363 : i1 to i32
    %cond3A_365 = arith.constant 0xFF800000 : f32
    %cond3A_366 = arith.constant 0 : i32
    %cond3A_367 = arith.cmpi ne, %convert_element_type3A_364, %cond3A_366 : i32
    scf.if %cond3A_367 {
      %eq3A_598 = arith.constant 38 : i32
      %eq3A_599 = vector.broadcast %eq3A_598 : i32 to vector<1264x1xi32>
      %eq3A_600 = arith.cmpi eq, %get3A_17, %eq3A_599 : vector<1264x1xi32>
      %jit3A = arith.constant 0.000000e+00 : f32
      %broadcast_in_dim3A = vector.broadcast %jit3A : f32 to vector<1264x1xf32>
      %broadcast_in_dim3A_601 = vector.broadcast %cond3A_365 : f32 to vector<1264x1xf32>
      %select_n3A = arith.select %eq3A_600, %broadcast_in_dim3A, %broadcast_in_dim3A_601 : vector<1264x1xi1>, vector<1264x1xf32>
      %add3A_602 = vector.broadcast %select_n3A : vector<1264x1xf32> to vector<1264x128xf32>
      %add3A_603 = arith.addf %add3A_14, %add3A_602 : vector<1264x128xf32>
      %reduce_max3A = arith.constant dense<0xFF800000> : vector<128xf32>
      %reduce_max3A_604 = vector.multi_reduction <maximumf>, %add3A_603, %reduce_max3A [0] : vector<1264x128xf32> to vector<128xf32>
      %broadcast_in_dim3A_605 = vector.shape_cast %reduce_max3A_604 : vector<128xf32> to vector<1x128xf32>
      %get3A_606 = arith.constant 38 : index
      %get3A_607 = arith.constant 0 : index
      %get3A_608 = vector.load %arg9[%get3A_606, %get3A_607] : memref<64x128xf32, #tpu.memory_space<vmem>>, vector<1x128xf32>
      %max3A = arith.maximumf %get3A_608, %broadcast_in_dim3A_605 : vector<1x128xf32>
      %swap3A = arith.constant 38 : index
      %swap3A_609 = arith.constant 0 : index
      %swap3A_610 = vector.load %arg9[%swap3A, %swap3A_609] : memref<64x128xf32, #tpu.memory_space<vmem>>, vector<1x128xf32>
      tpu.vector_store %arg9[%swap3A, %swap3A_609], %max3A {strides = array<i32>} : memref<64x128xf32, #tpu.memory_space<vmem>>, vector<1x128xf32>,
    } else {
    }
    %le3A_368 = arith.constant 39 : i32
    %le3A_369 = arith.cmpi sle, %squeeze3A, %le3A_368 : i32
    %ge3A_370 = arith.constant 39 : i32
    %ge3A_371 = arith.cmpi sge, %squeeze3A_19, %ge3A_370 : i32
    %and3A_372 = arith.andi %le3A_369, %ge3A_371 : i1
    %convert_element_type3A_373 = arith.extui %and3A_372 : i1 to i32
    %cond3A_374 = arith.constant 0xFF800000 : f32
    %cond3A_375 = arith.constant 0 : i32
    %cond3A_376 = arith.cmpi ne, %convert_element_type3A_373, %cond3A_375 : i32
    scf.if %cond3A_376 {
      %eq3A_598 = arith.constant 39 : i32
      %eq3A_599 = vector.broadcast %eq3A_598 : i32 to vector<1264x1xi32>
      %eq3A_600 = arith.cmpi eq, %get3A_17, %eq3A_599 : vector<1264x1xi32>
      %jit3A = arith.constant 0.000000e+00 : f32
      %broadcast_in_dim3A = vector.broadcast %jit3A : f32 to vector<1264x1xf32>
      %broadcast_in_dim3A_601 = vector.broadcast %cond3A_374 : f32 to vector<1264x1xf32>
      %select_n3A = arith.select %eq3A_600, %broadcast_in_dim3A, %broadcast_in_dim3A_601 : vector<1264x1xi1>, vector<1264x1xf32>
      %add3A_602 = vector.broadcast %select_n3A : vector<1264x1xf32> to vector<1264x128xf32>
      %add3A_603 = arith.addf %add3A_14, %add3A_602 : vector<1264x128xf32>
      %reduce_max3A = arith.constant dense<0xFF800000> : vector<128xf32>
      %reduce_max3A_604 = vector.multi_reduction <maximumf>, %add3A_603, %reduce_max3A [0] : vector<1264x128xf32> to vector<128xf32>
      %broadcast_in_dim3A_605 = vector.shape_cast %reduce_max3A_604 : vector<128xf32> to vector<1x128xf32>
      %get3A_606 = arith.constant 39 : index
      %get3A_607 = arith.constant 0 : index
      %get3A_608 = vector.load %arg9[%get3A_606, %get3A_607] : memref<64x128xf32, #tpu.memory_space<vmem>>, vector<1x128xf32>
      %max3A = arith.maximumf %get3A_608, %broadcast_in_dim3A_605 : vector<1x128xf32>
      %swap3A = arith.constant 39 : index
      %swap3A_609 = arith.constant 0 : index
      %swap3A_610 = vector.load %arg9[%swap3A, %swap3A_609] : memref<64x128xf32, #tpu.memory_space<vmem>>, vector<1x128xf32>
      tpu.vector_store %arg9[%swap3A, %swap3A_609], %max3A {strides = array<i32>} : memref<64x128xf32, #tpu.memory_space<vmem>>, vector<1x128xf32>,
    } else {
    }
    %le3A_377 = arith.constant 40 : i32
    %le3A_378 = arith.cmpi sle, %squeeze3A, %le3A_377 : i32
    %ge3A_379 = arith.constant 40 : i32
    %ge3A_380 = arith.cmpi sge, %squeeze3A_19, %ge3A_379 : i32
    %and3A_381 = arith.andi %le3A_378, %ge3A_380 : i1
    %convert_element_type3A_382 = arith.extui %and3A_381 : i1 to i32
    %cond3A_383 = arith.constant 0xFF800000 : f32
    %cond3A_384 = arith.constant 0 : i32
    %cond3A_385 = arith.cmpi ne, %convert_element_type3A_382, %cond3A_384 : i32
    scf.if %cond3A_385 {
      %eq3A_598 = arith.constant 40 : i32
      %eq3A_599 = vector.broadcast %eq3A_598 : i32 to vector<1264x1xi32>
      %eq3A_600 = arith.cmpi eq, %get3A_17, %eq3A_599 : vector<1264x1xi32>
      %jit3A = arith.constant 0.000000e+00 : f32
      %broadcast_in_dim3A = vector.broadcast %jit3A : f32 to vector<1264x1xf32>
      %broadcast_in_dim3A_601 = vector.broadcast %cond3A_383 : f32 to vector<1264x1xf32>
      %select_n3A = arith.select %eq3A_600, %broadcast_in_dim3A, %broadcast_in_dim3A_601 : vector<1264x1xi1>, vector<1264x1xf32>
      %add3A_602 = vector.broadcast %select_n3A : vector<1264x1xf32> to vector<1264x128xf32>
      %add3A_603 = arith.addf %add3A_14, %add3A_602 : vector<1264x128xf32>
      %reduce_max3A = arith.constant dense<0xFF800000> : vector<128xf32>
      %reduce_max3A_604 = vector.multi_reduction <maximumf>, %add3A_603, %reduce_max3A [0] : vector<1264x128xf32> to vector<128xf32>
      %broadcast_in_dim3A_605 = vector.shape_cast %reduce_max3A_604 : vector<128xf32> to vector<1x128xf32>
      %get3A_606 = arith.constant 40 : index
      %get3A_607 = arith.constant 0 : index
      %get3A_608 = vector.load %arg9[%get3A_606, %get3A_607] : memref<64x128xf32, #tpu.memory_space<vmem>>, vector<1x128xf32>
      %max3A = arith.maximumf %get3A_608, %broadcast_in_dim3A_605 : vector<1x128xf32>
      %swap3A = arith.constant 40 : index
      %swap3A_609 = arith.constant 0 : index
      %swap3A_610 = vector.load %arg9[%swap3A, %swap3A_609] : memref<64x128xf32, #tpu.memory_space<vmem>>, vector<1x128xf32>
      tpu.vector_store %arg9[%swap3A, %swap3A_609], %max3A {strides = array<i32>} : memref<64x128xf32, #tpu.memory_space<vmem>>, vector<1x128xf32>,
    } else {
    }
    %le3A_386 = arith.constant 41 : i32
    %le3A_387 = arith.cmpi sle, %squeeze3A, %le3A_386 : i32
    %ge3A_388 = arith.constant 41 : i32
    %ge3A_389 = arith.cmpi sge, %squeeze3A_19, %ge3A_388 : i32
    %and3A_390 = arith.andi %le3A_387, %ge3A_389 : i1
    %convert_element_type3A_391 = arith.extui %and3A_390 : i1 to i32
    %cond3A_392 = arith.constant 0xFF800000 : f32
    %cond3A_393 = arith.constant 0 : i32
    %cond3A_394 = arith.cmpi ne, %convert_element_type3A_391, %cond3A_393 : i32
    scf.if %cond3A_394 {
      %eq3A_598 = arith.constant 41 : i32
      %eq3A_599 = vector.broadcast %eq3A_598 : i32 to vector<1264x1xi32>
      %eq3A_600 = arith.cmpi eq, %get3A_17, %eq3A_599 : vector<1264x1xi32>
      %jit3A = arith.constant 0.000000e+00 : f32
      %broadcast_in_dim3A = vector.broadcast %jit3A : f32 to vector<1264x1xf32>
      %broadcast_in_dim3A_601 = vector.broadcast %cond3A_392 : f32 to vector<1264x1xf32>
      %select_n3A = arith.select %eq3A_600, %broadcast_in_dim3A, %broadcast_in_dim3A_601 : vector<1264x1xi1>, vector<1264x1xf32>
      %add3A_602 = vector.broadcast %select_n3A : vector<1264x1xf32> to vector<1264x128xf32>
      %add3A_603 = arith.addf %add3A_14, %add3A_602 : vector<1264x128xf32>
      %reduce_max3A = arith.constant dense<0xFF800000> : vector<128xf32>
      %reduce_max3A_604 = vector.multi_reduction <maximumf>, %add3A_603, %reduce_max3A [0] : vector<1264x128xf32> to vector<128xf32>
      %broadcast_in_dim3A_605 = vector.shape_cast %reduce_max3A_604 : vector<128xf32> to vector<1x128xf32>
      %get3A_606 = arith.constant 41 : index
      %get3A_607 = arith.constant 0 : index
      %get3A_608 = vector.load %arg9[%get3A_606, %get3A_607] : memref<64x128xf32, #tpu.memory_space<vmem>>, vector<1x128xf32>
      %max3A = arith.maximumf %get3A_608, %broadcast_in_dim3A_605 : vector<1x128xf32>
      %swap3A = arith.constant 41 : index
      %swap3A_609 = arith.constant 0 : index
      %swap3A_610 = vector.load %arg9[%swap3A, %swap3A_609] : memref<64x128xf32, #tpu.memory_space<vmem>>, vector<1x128xf32>
      tpu.vector_store %arg9[%swap3A, %swap3A_609], %max3A {strides = array<i32>} : memref<64x128xf32, #tpu.memory_space<vmem>>, vector<1x128xf32>,
    } else {
    }
    %le3A_395 = arith.constant 42 : i32
    %le3A_396 = arith.cmpi sle, %squeeze3A, %le3A_395 : i32
    %ge3A_397 = arith.constant 42 : i32
    %ge3A_398 = arith.cmpi sge, %squeeze3A_19, %ge3A_397 : i32
    %and3A_399 = arith.andi %le3A_396, %ge3A_398 : i1
    %convert_element_type3A_400 = arith.extui %and3A_399 : i1 to i32
    %cond3A_401 = arith.constant 0xFF800000 : f32
    %cond3A_402 = arith.constant 0 : i32
    %cond3A_403 = arith.cmpi ne, %convert_element_type3A_400, %cond3A_402 : i32
    scf.if %cond3A_403 {
      %eq3A_598 = arith.constant 42 : i32
      %eq3A_599 = vector.broadcast %eq3A_598 : i32 to vector<1264x1xi32>
      %eq3A_600 = arith.cmpi eq, %get3A_17, %eq3A_599 : vector<1264x1xi32>
      %jit3A = arith.constant 0.000000e+00 : f32
      %broadcast_in_dim3A = vector.broadcast %jit3A : f32 to vector<1264x1xf32>
      %broadcast_in_dim3A_601 = vector.broadcast %cond3A_401 : f32 to vector<1264x1xf32>
      %select_n3A = arith.select %eq3A_600, %broadcast_in_dim3A, %broadcast_in_dim3A_601 : vector<1264x1xi1>, vector<1264x1xf32>
      %add3A_602 = vector.broadcast %select_n3A : vector<1264x1xf32> to vector<1264x128xf32>
      %add3A_603 = arith.addf %add3A_14, %add3A_602 : vector<1264x128xf32>
      %reduce_max3A = arith.constant dense<0xFF800000> : vector<128xf32>
      %reduce_max3A_604 = vector.multi_reduction <maximumf>, %add3A_603, %reduce_max3A [0] : vector<1264x128xf32> to vector<128xf32>
      %broadcast_in_dim3A_605 = vector.shape_cast %reduce_max3A_604 : vector<128xf32> to vector<1x128xf32>
      %get3A_606 = arith.constant 42 : index
      %get3A_607 = arith.constant 0 : index
      %get3A_608 = vector.load %arg9[%get3A_606, %get3A_607] : memref<64x128xf32, #tpu.memory_space<vmem>>, vector<1x128xf32>
      %max3A = arith.maximumf %get3A_608, %broadcast_in_dim3A_605 : vector<1x128xf32>
      %swap3A = arith.constant 42 : index
      %swap3A_609 = arith.constant 0 : index
      %swap3A_610 = vector.load %arg9[%swap3A, %swap3A_609] : memref<64x128xf32, #tpu.memory_space<vmem>>, vector<1x128xf32>
      tpu.vector_store %arg9[%swap3A, %swap3A_609], %max3A {strides = array<i32>} : memref<64x128xf32, #tpu.memory_space<vmem>>, vector<1x128xf32>,
    } else {
    }
    %le3A_404 = arith.constant 43 : i32
    %le3A_405 = arith.cmpi sle, %squeeze3A, %le3A_404 : i32
    %ge3A_406 = arith.constant 43 : i32
    %ge3A_407 = arith.cmpi sge, %squeeze3A_19, %ge3A_406 : i32
    %and3A_408 = arith.andi %le3A_405, %ge3A_407 : i1
    %convert_element_type3A_409 = arith.extui %and3A_408 : i1 to i32
    %cond3A_410 = arith.constant 0xFF800000 : f32
    %cond3A_411 = arith.constant 0 : i32
    %cond3A_412 = arith.cmpi ne, %convert_element_type3A_409, %cond3A_411 : i32
    scf.if %cond3A_412 {
      %eq3A_598 = arith.constant 43 : i32
      %eq3A_599 = vector.broadcast %eq3A_598 : i32 to vector<1264x1xi32>
      %eq3A_600 = arith.cmpi eq, %get3A_17, %eq3A_599 : vector<1264x1xi32>
      %jit3A = arith.constant 0.000000e+00 : f32
      %broadcast_in_dim3A = vector.broadcast %jit3A : f32 to vector<1264x1xf32>
      %broadcast_in_dim3A_601 = vector.broadcast %cond3A_410 : f32 to vector<1264x1xf32>
      %select_n3A = arith.select %eq3A_600, %broadcast_in_dim3A, %broadcast_in_dim3A_601 : vector<1264x1xi1>, vector<1264x1xf32>
      %add3A_602 = vector.broadcast %select_n3A : vector<1264x1xf32> to vector<1264x128xf32>
      %add3A_603 = arith.addf %add3A_14, %add3A_602 : vector<1264x128xf32>
      %reduce_max3A = arith.constant dense<0xFF800000> : vector<128xf32>
      %reduce_max3A_604 = vector.multi_reduction <maximumf>, %add3A_603, %reduce_max3A [0] : vector<1264x128xf32> to vector<128xf32>
      %broadcast_in_dim3A_605 = vector.shape_cast %reduce_max3A_604 : vector<128xf32> to vector<1x128xf32>
      %get3A_606 = arith.constant 43 : index
      %get3A_607 = arith.constant 0 : index
      %get3A_608 = vector.load %arg9[%get3A_606, %get3A_607] : memref<64x128xf32, #tpu.memory_space<vmem>>, vector<1x128xf32>
      %max3A = arith.maximumf %get3A_608, %broadcast_in_dim3A_605 : vector<1x128xf32>
      %swap3A = arith.constant 43 : index
      %swap3A_609 = arith.constant 0 : index
      %swap3A_610 = vector.load %arg9[%swap3A, %swap3A_609] : memref<64x128xf32, #tpu.memory_space<vmem>>, vector<1x128xf32>
      tpu.vector_store %arg9[%swap3A, %swap3A_609], %max3A {strides = array<i32>} : memref<64x128xf32, #tpu.memory_space<vmem>>, vector<1x128xf32>,
    } else {
    }
    %le3A_413 = arith.constant 44 : i32
    %le3A_414 = arith.cmpi sle, %squeeze3A, %le3A_413 : i32
    %ge3A_415 = arith.constant 44 : i32
    %ge3A_416 = arith.cmpi sge, %squeeze3A_19, %ge3A_415 : i32
    %and3A_417 = arith.andi %le3A_414, %ge3A_416 : i1
    %convert_element_type3A_418 = arith.extui %and3A_417 : i1 to i32
    %cond3A_419 = arith.constant 0xFF800000 : f32
    %cond3A_420 = arith.constant 0 : i32
    %cond3A_421 = arith.cmpi ne, %convert_element_type3A_418, %cond3A_420 : i32
    scf.if %cond3A_421 {
      %eq3A_598 = arith.constant 44 : i32
      %eq3A_599 = vector.broadcast %eq3A_598 : i32 to vector<1264x1xi32>
      %eq3A_600 = arith.cmpi eq, %get3A_17, %eq3A_599 : vector<1264x1xi32>
      %jit3A = arith.constant 0.000000e+00 : f32
      %broadcast_in_dim3A = vector.broadcast %jit3A : f32 to vector<1264x1xf32>
      %broadcast_in_dim3A_601 = vector.broadcast %cond3A_419 : f32 to vector<1264x1xf32>
      %select_n3A = arith.select %eq3A_600, %broadcast_in_dim3A, %broadcast_in_dim3A_601 : vector<1264x1xi1>, vector<1264x1xf32>
      %add3A_602 = vector.broadcast %select_n3A : vector<1264x1xf32> to vector<1264x128xf32>
      %add3A_603 = arith.addf %add3A_14, %add3A_602 : vector<1264x128xf32>
      %reduce_max3A = arith.constant dense<0xFF800000> : vector<128xf32>
      %reduce_max3A_604 = vector.multi_reduction <maximumf>, %add3A_603, %reduce_max3A [0] : vector<1264x128xf32> to vector<128xf32>
      %broadcast_in_dim3A_605 = vector.shape_cast %reduce_max3A_604 : vector<128xf32> to vector<1x128xf32>
      %get3A_606 = arith.constant 44 : index
      %get3A_607 = arith.constant 0 : index
      %get3A_608 = vector.load %arg9[%get3A_606, %get3A_607] : memref<64x128xf32, #tpu.memory_space<vmem>>, vector<1x128xf32>
      %max3A = arith.maximumf %get3A_608, %broadcast_in_dim3A_605 : vector<1x128xf32>
      %swap3A = arith.constant 44 : index
      %swap3A_609 = arith.constant 0 : index
      %swap3A_610 = vector.load %arg9[%swap3A, %swap3A_609] : memref<64x128xf32, #tpu.memory_space<vmem>>, vector<1x128xf32>
      tpu.vector_store %arg9[%swap3A, %swap3A_609], %max3A {strides = array<i32>} : memref<64x128xf32, #tpu.memory_space<vmem>>, vector<1x128xf32>,
    } else {
    }
    %le3A_422 = arith.constant 45 : i32
    %le3A_423 = arith.cmpi sle, %squeeze3A, %le3A_422 : i32
    %ge3A_424 = arith.constant 45 : i32
    %ge3A_425 = arith.cmpi sge, %squeeze3A_19, %ge3A_424 : i32
    %and3A_426 = arith.andi %le3A_423, %ge3A_425 : i1
    %convert_element_type3A_427 = arith.extui %and3A_426 : i1 to i32
    %cond3A_428 = arith.constant 0xFF800000 : f32
    %cond3A_429 = arith.constant 0 : i32
    %cond3A_430 = arith.cmpi ne, %convert_element_type3A_427, %cond3A_429 : i32
    scf.if %cond3A_430 {
      %eq3A_598 = arith.constant 45 : i32
      %eq3A_599 = vector.broadcast %eq3A_598 : i32 to vector<1264x1xi32>
      %eq3A_600 = arith.cmpi eq, %get3A_17, %eq3A_599 : vector<1264x1xi32>
      %jit3A = arith.constant 0.000000e+00 : f32
      %broadcast_in_dim3A = vector.broadcast %jit3A : f32 to vector<1264x1xf32>
      %broadcast_in_dim3A_601 = vector.broadcast %cond3A_428 : f32 to vector<1264x1xf32>
      %select_n3A = arith.select %eq3A_600, %broadcast_in_dim3A, %broadcast_in_dim3A_601 : vector<1264x1xi1>, vector<1264x1xf32>
      %add3A_602 = vector.broadcast %select_n3A : vector<1264x1xf32> to vector<1264x128xf32>
      %add3A_603 = arith.addf %add3A_14, %add3A_602 : vector<1264x128xf32>
      %reduce_max3A = arith.constant dense<0xFF800000> : vector<128xf32>
      %reduce_max3A_604 = vector.multi_reduction <maximumf>, %add3A_603, %reduce_max3A [0] : vector<1264x128xf32> to vector<128xf32>
      %broadcast_in_dim3A_605 = vector.shape_cast %reduce_max3A_604 : vector<128xf32> to vector<1x128xf32>
      %get3A_606 = arith.constant 45 : index
      %get3A_607 = arith.constant 0 : index
      %get3A_608 = vector.load %arg9[%get3A_606, %get3A_607] : memref<64x128xf32, #tpu.memory_space<vmem>>, vector<1x128xf32>
      %max3A = arith.maximumf %get3A_608, %broadcast_in_dim3A_605 : vector<1x128xf32>
      %swap3A = arith.constant 45 : index
      %swap3A_609 = arith.constant 0 : index
      %swap3A_610 = vector.load %arg9[%swap3A, %swap3A_609] : memref<64x128xf32, #tpu.memory_space<vmem>>, vector<1x128xf32>
      tpu.vector_store %arg9[%swap3A, %swap3A_609], %max3A {strides = array<i32>} : memref<64x128xf32, #tpu.memory_space<vmem>>, vector<1x128xf32>,
    } else {
    }
    %le3A_431 = arith.constant 46 : i32
    %le3A_432 = arith.cmpi sle, %squeeze3A, %le3A_431 : i32
    %ge3A_433 = arith.constant 46 : i32
    %ge3A_434 = arith.cmpi sge, %squeeze3A_19, %ge3A_433 : i32
    %and3A_435 = arith.andi %le3A_432, %ge3A_434 : i1
    %convert_element_type3A_436 = arith.extui %and3A_435 : i1 to i32
    %cond3A_437 = arith.constant 0xFF800000 : f32
    %cond3A_438 = arith.constant 0 : i32
    %cond3A_439 = arith.cmpi ne, %convert_element_type3A_436, %cond3A_438 : i32
    scf.if %cond3A_439 {
      %eq3A_598 = arith.constant 46 : i32
      %eq3A_599 = vector.broadcast %eq3A_598 : i32 to vector<1264x1xi32>
      %eq3A_600 = arith.cmpi eq, %get3A_17, %eq3A_599 : vector<1264x1xi32>
      %jit3A = arith.constant 0.000000e+00 : f32
      %broadcast_in_dim3A = vector.broadcast %jit3A : f32 to vector<1264x1xf32>
      %broadcast_in_dim3A_601 = vector.broadcast %cond3A_437 : f32 to vector<1264x1xf32>
      %select_n3A = arith.select %eq3A_600, %broadcast_in_dim3A, %broadcast_in_dim3A_601 : vector<1264x1xi1>, vector<1264x1xf32>
      %add3A_602 = vector.broadcast %select_n3A : vector<1264x1xf32> to vector<1264x128xf32>
      %add3A_603 = arith.addf %add3A_14, %add3A_602 : vector<1264x128xf32>
      %reduce_max3A = arith.constant dense<0xFF800000> : vector<128xf32>
      %reduce_max3A_604 = vector.multi_reduction <maximumf>, %add3A_603, %reduce_max3A [0] : vector<1264x128xf32> to vector<128xf32>
      %broadcast_in_dim3A_605 = vector.shape_cast %reduce_max3A_604 : vector<128xf32> to vector<1x128xf32>
      %get3A_606 = arith.constant 46 : index
      %get3A_607 = arith.constant 0 : index
      %get3A_608 = vector.load %arg9[%get3A_606, %get3A_607] : memref<64x128xf32, #tpu.memory_space<vmem>>, vector<1x128xf32>
      %max3A = arith.maximumf %get3A_608, %broadcast_in_dim3A_605 : vector<1x128xf32>
      %swap3A = arith.constant 46 : index
      %swap3A_609 = arith.constant 0 : index
      %swap3A_610 = vector.load %arg9[%swap3A, %swap3A_609] : memref<64x128xf32, #tpu.memory_space<vmem>>, vector<1x128xf32>
      tpu.vector_store %arg9[%swap3A, %swap3A_609], %max3A {strides = array<i32>} : memref<64x128xf32, #tpu.memory_space<vmem>>, vector<1x128xf32>,
    } else {
    }
    %le3A_440 = arith.constant 47 : i32
    %le3A_441 = arith.cmpi sle, %squeeze3A, %le3A_440 : i32
    %ge3A_442 = arith.constant 47 : i32
    %ge3A_443 = arith.cmpi sge, %squeeze3A_19, %ge3A_442 : i32
    %and3A_444 = arith.andi %le3A_441, %ge3A_443 : i1
    %convert_element_type3A_445 = arith.extui %and3A_444 : i1 to i32
    %cond3A_446 = arith.constant 0xFF800000 : f32
    %cond3A_447 = arith.constant 0 : i32
    %cond3A_448 = arith.cmpi ne, %convert_element_type3A_445, %cond3A_447 : i32
    scf.if %cond3A_448 {
      %eq3A_598 = arith.constant 47 : i32
      %eq3A_599 = vector.broadcast %eq3A_598 : i32 to vector<1264x1xi32>
      %eq3A_600 = arith.cmpi eq, %get3A_17, %eq3A_599 : vector<1264x1xi32>
      %jit3A = arith.constant 0.000000e+00 : f32
      %broadcast_in_dim3A = vector.broadcast %jit3A : f32 to vector<1264x1xf32>
      %broadcast_in_dim3A_601 = vector.broadcast %cond3A_446 : f32 to vector<1264x1xf32>
      %select_n3A = arith.select %eq3A_600, %broadcast_in_dim3A, %broadcast_in_dim3A_601 : vector<1264x1xi1>, vector<1264x1xf32>
      %add3A_602 = vector.broadcast %select_n3A : vector<1264x1xf32> to vector<1264x128xf32>
      %add3A_603 = arith.addf %add3A_14, %add3A_602 : vector<1264x128xf32>
      %reduce_max3A = arith.constant dense<0xFF800000> : vector<128xf32>
      %reduce_max3A_604 = vector.multi_reduction <maximumf>, %add3A_603, %reduce_max3A [0] : vector<1264x128xf32> to vector<128xf32>
      %broadcast_in_dim3A_605 = vector.shape_cast %reduce_max3A_604 : vector<128xf32> to vector<1x128xf32>
      %get3A_606 = arith.constant 47 : index
      %get3A_607 = arith.constant 0 : index
      %get3A_608 = vector.load %arg9[%get3A_606, %get3A_607] : memref<64x128xf32, #tpu.memory_space<vmem>>, vector<1x128xf32>
      %max3A = arith.maximumf %get3A_608, %broadcast_in_dim3A_605 : vector<1x128xf32>
      %swap3A = arith.constant 47 : index
      %swap3A_609 = arith.constant 0 : index
      %swap3A_610 = vector.load %arg9[%swap3A, %swap3A_609] : memref<64x128xf32, #tpu.memory_space<vmem>>, vector<1x128xf32>
      tpu.vector_store %arg9[%swap3A, %swap3A_609], %max3A {strides = array<i32>} : memref<64x128xf32, #tpu.memory_space<vmem>>, vector<1x128xf32>,
    } else {
    }
    %le3A_449 = arith.constant 48 : i32
    %le3A_450 = arith.cmpi sle, %squeeze3A, %le3A_449 : i32
    %ge3A_451 = arith.constant 48 : i32
    %ge3A_452 = arith.cmpi sge, %squeeze3A_19, %ge3A_451 : i32
    %and3A_453 = arith.andi %le3A_450, %ge3A_452 : i1
    %convert_element_type3A_454 = arith.extui %and3A_453 : i1 to i32
    %cond3A_455 = arith.constant 0xFF800000 : f32
    %cond3A_456 = arith.constant 0 : i32
    %cond3A_457 = arith.cmpi ne, %convert_element_type3A_454, %cond3A_456 : i32
    scf.if %cond3A_457 {
      %eq3A_598 = arith.constant 48 : i32
      %eq3A_599 = vector.broadcast %eq3A_598 : i32 to vector<1264x1xi32>
      %eq3A_600 = arith.cmpi eq, %get3A_17, %eq3A_599 : vector<1264x1xi32>
      %jit3A = arith.constant 0.000000e+00 : f32
      %broadcast_in_dim3A = vector.broadcast %jit3A : f32 to vector<1264x1xf32>
      %broadcast_in_dim3A_601 = vector.broadcast %cond3A_455 : f32 to vector<1264x1xf32>
      %select_n3A = arith.select %eq3A_600, %broadcast_in_dim3A, %broadcast_in_dim3A_601 : vector<1264x1xi1>, vector<1264x1xf32>
      %add3A_602 = vector.broadcast %select_n3A : vector<1264x1xf32> to vector<1264x128xf32>
      %add3A_603 = arith.addf %add3A_14, %add3A_602 : vector<1264x128xf32>
      %reduce_max3A = arith.constant dense<0xFF800000> : vector<128xf32>
      %reduce_max3A_604 = vector.multi_reduction <maximumf>, %add3A_603, %reduce_max3A [0] : vector<1264x128xf32> to vector<128xf32>
      %broadcast_in_dim3A_605 = vector.shape_cast %reduce_max3A_604 : vector<128xf32> to vector<1x128xf32>
      %get3A_606 = arith.constant 48 : index
      %get3A_607 = arith.constant 0 : index
      %get3A_608 = vector.load %arg9[%get3A_606, %get3A_607] : memref<64x128xf32, #tpu.memory_space<vmem>>, vector<1x128xf32>
      %max3A = arith.maximumf %get3A_608, %broadcast_in_dim3A_605 : vector<1x128xf32>
      %swap3A = arith.constant 48 : index
      %swap3A_609 = arith.constant 0 : index
      %swap3A_610 = vector.load %arg9[%swap3A, %swap3A_609] : memref<64x128xf32, #tpu.memory_space<vmem>>, vector<1x128xf32>
      tpu.vector_store %arg9[%swap3A, %swap3A_609], %max3A {strides = array<i32>} : memref<64x128xf32, #tpu.memory_space<vmem>>, vector<1x128xf32>,
    } else {
    }
    %le3A_458 = arith.constant 49 : i32
    %le3A_459 = arith.cmpi sle, %squeeze3A, %le3A_458 : i32
    %ge3A_460 = arith.constant 49 : i32
    %ge3A_461 = arith.cmpi sge, %squeeze3A_19, %ge3A_460 : i32
    %and3A_462 = arith.andi %le3A_459, %ge3A_461 : i1
    %convert_element_type3A_463 = arith.extui %and3A_462 : i1 to i32
    %cond3A_464 = arith.constant 0xFF800000 : f32
    %cond3A_465 = arith.constant 0 : i32
    %cond3A_466 = arith.cmpi ne, %convert_element_type3A_463, %cond3A_465 : i32
    scf.if %cond3A_466 {
      %eq3A_598 = arith.constant 49 : i32
      %eq3A_599 = vector.broadcast %eq3A_598 : i32 to vector<1264x1xi32>
      %eq3A_600 = arith.cmpi eq, %get3A_17, %eq3A_599 : vector<1264x1xi32>
      %jit3A = arith.constant 0.000000e+00 : f32
      %broadcast_in_dim3A = vector.broadcast %jit3A : f32 to vector<1264x1xf32>
      %broadcast_in_dim3A_601 = vector.broadcast %cond3A_464 : f32 to vector<1264x1xf32>
      %select_n3A = arith.select %eq3A_600, %broadcast_in_dim3A, %broadcast_in_dim3A_601 : vector<1264x1xi1>, vector<1264x1xf32>
      %add3A_602 = vector.broadcast %select_n3A : vector<1264x1xf32> to vector<1264x128xf32>
      %add3A_603 = arith.addf %add3A_14, %add3A_602 : vector<1264x128xf32>
      %reduce_max3A = arith.constant dense<0xFF800000> : vector<128xf32>
      %reduce_max3A_604 = vector.multi_reduction <maximumf>, %add3A_603, %reduce_max3A [0] : vector<1264x128xf32> to vector<128xf32>
      %broadcast_in_dim3A_605 = vector.shape_cast %reduce_max3A_604 : vector<128xf32> to vector<1x128xf32>
      %get3A_606 = arith.constant 49 : index
      %get3A_607 = arith.constant 0 : index
      %get3A_608 = vector.load %arg9[%get3A_606, %get3A_607] : memref<64x128xf32, #tpu.memory_space<vmem>>, vector<1x128xf32>
      %max3A = arith.maximumf %get3A_608, %broadcast_in_dim3A_605 : vector<1x128xf32>
      %swap3A = arith.constant 49 : index
      %swap3A_609 = arith.constant 0 : index
      %swap3A_610 = vector.load %arg9[%swap3A, %swap3A_609] : memref<64x128xf32, #tpu.memory_space<vmem>>, vector<1x128xf32>
      tpu.vector_store %arg9[%swap3A, %swap3A_609], %max3A {strides = array<i32>} : memref<64x128xf32, #tpu.memory_space<vmem>>, vector<1x128xf32>,
    } else {
    }
    %le3A_467 = arith.constant 50 : i32
    %le3A_468 = arith.cmpi sle, %squeeze3A, %le3A_467 : i32
    %ge3A_469 = arith.constant 50 : i32
    %ge3A_470 = arith.cmpi sge, %squeeze3A_19, %ge3A_469 : i32
    %and3A_471 = arith.andi %le3A_468, %ge3A_470 : i1
    %convert_element_type3A_472 = arith.extui %and3A_471 : i1 to i32
    %cond3A_473 = arith.constant 0xFF800000 : f32
    %cond3A_474 = arith.constant 0 : i32
    %cond3A_475 = arith.cmpi ne, %convert_element_type3A_472, %cond3A_474 : i32
    scf.if %cond3A_475 {
      %eq3A_598 = arith.constant 50 : i32
      %eq3A_599 = vector.broadcast %eq3A_598 : i32 to vector<1264x1xi32>
      %eq3A_600 = arith.cmpi eq, %get3A_17, %eq3A_599 : vector<1264x1xi32>
      %jit3A = arith.constant 0.000000e+00 : f32
      %broadcast_in_dim3A = vector.broadcast %jit3A : f32 to vector<1264x1xf32>
      %broadcast_in_dim3A_601 = vector.broadcast %cond3A_473 : f32 to vector<1264x1xf32>
      %select_n3A = arith.select %eq3A_600, %broadcast_in_dim3A, %broadcast_in_dim3A_601 : vector<1264x1xi1>, vector<1264x1xf32>
      %add3A_602 = vector.broadcast %select_n3A : vector<1264x1xf32> to vector<1264x128xf32>
      %add3A_603 = arith.addf %add3A_14, %add3A_602 : vector<1264x128xf32>
      %reduce_max3A = arith.constant dense<0xFF800000> : vector<128xf32>
      %reduce_max3A_604 = vector.multi_reduction <maximumf>, %add3A_603, %reduce_max3A [0] : vector<1264x128xf32> to vector<128xf32>
      %broadcast_in_dim3A_605 = vector.shape_cast %reduce_max3A_604 : vector<128xf32> to vector<1x128xf32>
      %get3A_606 = arith.constant 50 : index
      %get3A_607 = arith.constant 0 : index
      %get3A_608 = vector.load %arg9[%get3A_606, %get3A_607] : memref<64x128xf32, #tpu.memory_space<vmem>>, vector<1x128xf32>
      %max3A = arith.maximumf %get3A_608, %broadcast_in_dim3A_605 : vector<1x128xf32>
      %swap3A = arith.constant 50 : index
      %swap3A_609 = arith.constant 0 : index
      %swap3A_610 = vector.load %arg9[%swap3A, %swap3A_609] : memref<64x128xf32, #tpu.memory_space<vmem>>, vector<1x128xf32>
      tpu.vector_store %arg9[%swap3A, %swap3A_609], %max3A {strides = array<i32>} : memref<64x128xf32, #tpu.memory_space<vmem>>, vector<1x128xf32>,
    } else {
    }
    %le3A_476 = arith.constant 51 : i32
    %le3A_477 = arith.cmpi sle, %squeeze3A, %le3A_476 : i32
    %ge3A_478 = arith.constant 51 : i32
    %ge3A_479 = arith.cmpi sge, %squeeze3A_19, %ge3A_478 : i32
    %and3A_480 = arith.andi %le3A_477, %ge3A_479 : i1
    %convert_element_type3A_481 = arith.extui %and3A_480 : i1 to i32
    %cond3A_482 = arith.constant 0xFF800000 : f32
    %cond3A_483 = arith.constant 0 : i32
    %cond3A_484 = arith.cmpi ne, %convert_element_type3A_481, %cond3A_483 : i32
    scf.if %cond3A_484 {
      %eq3A_598 = arith.constant 51 : i32
      %eq3A_599 = vector.broadcast %eq3A_598 : i32 to vector<1264x1xi32>
      %eq3A_600 = arith.cmpi eq, %get3A_17, %eq3A_599 : vector<1264x1xi32>
      %jit3A = arith.constant 0.000000e+00 : f32
      %broadcast_in_dim3A = vector.broadcast %jit3A : f32 to vector<1264x1xf32>
      %broadcast_in_dim3A_601 = vector.broadcast %cond3A_482 : f32 to vector<1264x1xf32>
      %select_n3A = arith.select %eq3A_600, %broadcast_in_dim3A, %broadcast_in_dim3A_601 : vector<1264x1xi1>, vector<1264x1xf32>
      %add3A_602 = vector.broadcast %select_n3A : vector<1264x1xf32> to vector<1264x128xf32>
      %add3A_603 = arith.addf %add3A_14, %add3A_602 : vector<1264x128xf32>
      %reduce_max3A = arith.constant dense<0xFF800000> : vector<128xf32>
      %reduce_max3A_604 = vector.multi_reduction <maximumf>, %add3A_603, %reduce_max3A [0] : vector<1264x128xf32> to vector<128xf32>
      %broadcast_in_dim3A_605 = vector.shape_cast %reduce_max3A_604 : vector<128xf32> to vector<1x128xf32>
      %get3A_606 = arith.constant 51 : index
      %get3A_607 = arith.constant 0 : index
      %get3A_608 = vector.load %arg9[%get3A_606, %get3A_607] : memref<64x128xf32, #tpu.memory_space<vmem>>, vector<1x128xf32>
      %max3A = arith.maximumf %get3A_608, %broadcast_in_dim3A_605 : vector<1x128xf32>
      %swap3A = arith.constant 51 : index
      %swap3A_609 = arith.constant 0 : index
      %swap3A_610 = vector.load %arg9[%swap3A, %swap3A_609] : memref<64x128xf32, #tpu.memory_space<vmem>>, vector<1x128xf32>
      tpu.vector_store %arg9[%swap3A, %swap3A_609], %max3A {strides = array<i32>} : memref<64x128xf32, #tpu.memory_space<vmem>>, vector<1x128xf32>,
    } else {
    }
    %le3A_485 = arith.constant 52 : i32
    %le3A_486 = arith.cmpi sle, %squeeze3A, %le3A_485 : i32
    %ge3A_487 = arith.constant 52 : i32
    %ge3A_488 = arith.cmpi sge, %squeeze3A_19, %ge3A_487 : i32
    %and3A_489 = arith.andi %le3A_486, %ge3A_488 : i1
    %convert_element_type3A_490 = arith.extui %and3A_489 : i1 to i32
    %cond3A_491 = arith.constant 0xFF800000 : f32
    %cond3A_492 = arith.constant 0 : i32
    %cond3A_493 = arith.cmpi ne, %convert_element_type3A_490, %cond3A_492 : i32
    scf.if %cond3A_493 {
      %eq3A_598 = arith.constant 52 : i32
      %eq3A_599 = vector.broadcast %eq3A_598 : i32 to vector<1264x1xi32>
      %eq3A_600 = arith.cmpi eq, %get3A_17, %eq3A_599 : vector<1264x1xi32>
      %jit3A = arith.constant 0.000000e+00 : f32
      %broadcast_in_dim3A = vector.broadcast %jit3A : f32 to vector<1264x1xf32>
      %broadcast_in_dim3A_601 = vector.broadcast %cond3A_491 : f32 to vector<1264x1xf32>
      %select_n3A = arith.select %eq3A_600, %broadcast_in_dim3A, %broadcast_in_dim3A_601 : vector<1264x1xi1>, vector<1264x1xf32>
      %add3A_602 = vector.broadcast %select_n3A : vector<1264x1xf32> to vector<1264x128xf32>
      %add3A_603 = arith.addf %add3A_14, %add3A_602 : vector<1264x128xf32>
      %reduce_max3A = arith.constant dense<0xFF800000> : vector<128xf32>
      %reduce_max3A_604 = vector.multi_reduction <maximumf>, %add3A_603, %reduce_max3A [0] : vector<1264x128xf32> to vector<128xf32>
      %broadcast_in_dim3A_605 = vector.shape_cast %reduce_max3A_604 : vector<128xf32> to vector<1x128xf32>
      %get3A_606 = arith.constant 52 : index
      %get3A_607 = arith.constant 0 : index
      %get3A_608 = vector.load %arg9[%get3A_606, %get3A_607] : memref<64x128xf32, #tpu.memory_space<vmem>>, vector<1x128xf32>
      %max3A = arith.maximumf %get3A_608, %broadcast_in_dim3A_605 : vector<1x128xf32>
      %swap3A = arith.constant 52 : index
      %swap3A_609 = arith.constant 0 : index
      %swap3A_610 = vector.load %arg9[%swap3A, %swap3A_609] : memref<64x128xf32, #tpu.memory_space<vmem>>, vector<1x128xf32>
      tpu.vector_store %arg9[%swap3A, %swap3A_609], %max3A {strides = array<i32>} : memref<64x128xf32, #tpu.memory_space<vmem>>, vector<1x128xf32>,
    } else {
    }
    %le3A_494 = arith.constant 53 : i32
    %le3A_495 = arith.cmpi sle, %squeeze3A, %le3A_494 : i32
    %ge3A_496 = arith.constant 53 : i32
    %ge3A_497 = arith.cmpi sge, %squeeze3A_19, %ge3A_496 : i32
    %and3A_498 = arith.andi %le3A_495, %ge3A_497 : i1
    %convert_element_type3A_499 = arith.extui %and3A_498 : i1 to i32
    %cond3A_500 = arith.constant 0xFF800000 : f32
    %cond3A_501 = arith.constant 0 : i32
    %cond3A_502 = arith.cmpi ne, %convert_element_type3A_499, %cond3A_501 : i32
    scf.if %cond3A_502 {
      %eq3A_598 = arith.constant 53 : i32
      %eq3A_599 = vector.broadcast %eq3A_598 : i32 to vector<1264x1xi32>
      %eq3A_600 = arith.cmpi eq, %get3A_17, %eq3A_599 : vector<1264x1xi32>
      %jit3A = arith.constant 0.000000e+00 : f32
      %broadcast_in_dim3A = vector.broadcast %jit3A : f32 to vector<1264x1xf32>
      %broadcast_in_dim3A_601 = vector.broadcast %cond3A_500 : f32 to vector<1264x1xf32>
      %select_n3A = arith.select %eq3A_600, %broadcast_in_dim3A, %broadcast_in_dim3A_601 : vector<1264x1xi1>, vector<1264x1xf32>
      %add3A_602 = vector.broadcast %select_n3A : vector<1264x1xf32> to vector<1264x128xf32>
      %add3A_603 = arith.addf %add3A_14, %add3A_602 : vector<1264x128xf32>
      %reduce_max3A = arith.constant dense<0xFF800000> : vector<128xf32>
      %reduce_max3A_604 = vector.multi_reduction <maximumf>, %add3A_603, %reduce_max3A [0] : vector<1264x128xf32> to vector<128xf32>
      %broadcast_in_dim3A_605 = vector.shape_cast %reduce_max3A_604 : vector<128xf32> to vector<1x128xf32>
      %get3A_606 = arith.constant 53 : index
      %get3A_607 = arith.constant 0 : index
      %get3A_608 = vector.load %arg9[%get3A_606, %get3A_607] : memref<64x128xf32, #tpu.memory_space<vmem>>, vector<1x128xf32>
      %max3A = arith.maximumf %get3A_608, %broadcast_in_dim3A_605 : vector<1x128xf32>
      %swap3A = arith.constant 53 : index
      %swap3A_609 = arith.constant 0 : index
      %swap3A_610 = vector.load %arg9[%swap3A, %swap3A_609] : memref<64x128xf32, #tpu.memory_space<vmem>>, vector<1x128xf32>
      tpu.vector_store %arg9[%swap3A, %swap3A_609], %max3A {strides = array<i32>} : memref<64x128xf32, #tpu.memory_space<vmem>>, vector<1x128xf32>,
    } else {
    }
    %le3A_503 = arith.constant 54 : i32
    %le3A_504 = arith.cmpi sle, %squeeze3A, %le3A_503 : i32
    %ge3A_505 = arith.constant 54 : i32
    %ge3A_506 = arith.cmpi sge, %squeeze3A_19, %ge3A_505 : i32
    %and3A_507 = arith.andi %le3A_504, %ge3A_506 : i1
    %convert_element_type3A_508 = arith.extui %and3A_507 : i1 to i32
    %cond3A_509 = arith.constant 0xFF800000 : f32
    %cond3A_510 = arith.constant 0 : i32
    %cond3A_511 = arith.cmpi ne, %convert_element_type3A_508, %cond3A_510 : i32
    scf.if %cond3A_511 {
      %eq3A_598 = arith.constant 54 : i32
      %eq3A_599 = vector.broadcast %eq3A_598 : i32 to vector<1264x1xi32>
      %eq3A_600 = arith.cmpi eq, %get3A_17, %eq3A_599 : vector<1264x1xi32>
      %jit3A = arith.constant 0.000000e+00 : f32
      %broadcast_in_dim3A = vector.broadcast %jit3A : f32 to vector<1264x1xf32>
      %broadcast_in_dim3A_601 = vector.broadcast %cond3A_509 : f32 to vector<1264x1xf32>
      %select_n3A = arith.select %eq3A_600, %broadcast_in_dim3A, %broadcast_in_dim3A_601 : vector<1264x1xi1>, vector<1264x1xf32>
      %add3A_602 = vector.broadcast %select_n3A : vector<1264x1xf32> to vector<1264x128xf32>
      %add3A_603 = arith.addf %add3A_14, %add3A_602 : vector<1264x128xf32>
      %reduce_max3A = arith.constant dense<0xFF800000> : vector<128xf32>
      %reduce_max3A_604 = vector.multi_reduction <maximumf>, %add3A_603, %reduce_max3A [0] : vector<1264x128xf32> to vector<128xf32>
      %broadcast_in_dim3A_605 = vector.shape_cast %reduce_max3A_604 : vector<128xf32> to vector<1x128xf32>
      %get3A_606 = arith.constant 54 : index
      %get3A_607 = arith.constant 0 : index
      %get3A_608 = vector.load %arg9[%get3A_606, %get3A_607] : memref<64x128xf32, #tpu.memory_space<vmem>>, vector<1x128xf32>
      %max3A = arith.maximumf %get3A_608, %broadcast_in_dim3A_605 : vector<1x128xf32>
      %swap3A = arith.constant 54 : index
      %swap3A_609 = arith.constant 0 : index
      %swap3A_610 = vector.load %arg9[%swap3A, %swap3A_609] : memref<64x128xf32, #tpu.memory_space<vmem>>, vector<1x128xf32>
      tpu.vector_store %arg9[%swap3A, %swap3A_609], %max3A {strides = array<i32>} : memref<64x128xf32, #tpu.memory_space<vmem>>, vector<1x128xf32>,
    } else {
    }
    %le3A_512 = arith.constant 55 : i32
    %le3A_513 = arith.cmpi sle, %squeeze3A, %le3A_512 : i32
    %ge3A_514 = arith.constant 55 : i32
    %ge3A_515 = arith.cmpi sge, %squeeze3A_19, %ge3A_514 : i32
    %and3A_516 = arith.andi %le3A_513, %ge3A_515 : i1
    %convert_element_type3A_517 = arith.extui %and3A_516 : i1 to i32
    %cond3A_518 = arith.constant 0xFF800000 : f32
    %cond3A_519 = arith.constant 0 : i32
    %cond3A_520 = arith.cmpi ne, %convert_element_type3A_517, %cond3A_519 : i32
    scf.if %cond3A_520 {
      %eq3A_598 = arith.constant 55 : i32
      %eq3A_599 = vector.broadcast %eq3A_598 : i32 to vector<1264x1xi32>
      %eq3A_600 = arith.cmpi eq, %get3A_17, %eq3A_599 : vector<1264x1xi32>
      %jit3A = arith.constant 0.000000e+00 : f32
      %broadcast_in_dim3A = vector.broadcast %jit3A : f32 to vector<1264x1xf32>
      %broadcast_in_dim3A_601 = vector.broadcast %cond3A_518 : f32 to vector<1264x1xf32>
      %select_n3A = arith.select %eq3A_600, %broadcast_in_dim3A, %broadcast_in_dim3A_601 : vector<1264x1xi1>, vector<1264x1xf32>
      %add3A_602 = vector.broadcast %select_n3A : vector<1264x1xf32> to vector<1264x128xf32>
      %add3A_603 = arith.addf %add3A_14, %add3A_602 : vector<1264x128xf32>
      %reduce_max3A = arith.constant dense<0xFF800000> : vector<128xf32>
      %reduce_max3A_604 = vector.multi_reduction <maximumf>, %add3A_603, %reduce_max3A [0] : vector<1264x128xf32> to vector<128xf32>
      %broadcast_in_dim3A_605 = vector.shape_cast %reduce_max3A_604 : vector<128xf32> to vector<1x128xf32>
      %get3A_606 = arith.constant 55 : index
      %get3A_607 = arith.constant 0 : index
      %get3A_608 = vector.load %arg9[%get3A_606, %get3A_607] : memref<64x128xf32, #tpu.memory_space<vmem>>, vector<1x128xf32>
      %max3A = arith.maximumf %get3A_608, %broadcast_in_dim3A_605 : vector<1x128xf32>
      %swap3A = arith.constant 55 : index
      %swap3A_609 = arith.constant 0 : index
      %swap3A_610 = vector.load %arg9[%swap3A, %swap3A_609] : memref<64x128xf32, #tpu.memory_space<vmem>>, vector<1x128xf32>
      tpu.vector_store %arg9[%swap3A, %swap3A_609], %max3A {strides = array<i32>} : memref<64x128xf32, #tpu.memory_space<vmem>>, vector<1x128xf32>,
    } else {
    }
    %le3A_521 = arith.constant 56 : i32
    %le3A_522 = arith.cmpi sle, %squeeze3A, %le3A_521 : i32
    %ge3A_523 = arith.constant 56 : i32
    %ge3A_524 = arith.cmpi sge, %squeeze3A_19, %ge3A_523 : i32
    %and3A_525 = arith.andi %le3A_522, %ge3A_524 : i1
    %convert_element_type3A_526 = arith.extui %and3A_525 : i1 to i32
    %cond3A_527 = arith.constant 0xFF800000 : f32
    %cond3A_528 = arith.constant 0 : i32
    %cond3A_529 = arith.cmpi ne, %convert_element_type3A_526, %cond3A_528 : i32
    scf.if %cond3A_529 {
      %eq3A_598 = arith.constant 56 : i32
      %eq3A_599 = vector.broadcast %eq3A_598 : i32 to vector<1264x1xi32>
      %eq3A_600 = arith.cmpi eq, %get3A_17, %eq3A_599 : vector<1264x1xi32>
      %jit3A = arith.constant 0.000000e+00 : f32
      %broadcast_in_dim3A = vector.broadcast %jit3A : f32 to vector<1264x1xf32>
      %broadcast_in_dim3A_601 = vector.broadcast %cond3A_527 : f32 to vector<1264x1xf32>
      %select_n3A = arith.select %eq3A_600, %broadcast_in_dim3A, %broadcast_in_dim3A_601 : vector<1264x1xi1>, vector<1264x1xf32>
      %add3A_602 = vector.broadcast %select_n3A : vector<1264x1xf32> to vector<1264x128xf32>
      %add3A_603 = arith.addf %add3A_14, %add3A_602 : vector<1264x128xf32>
      %reduce_max3A = arith.constant dense<0xFF800000> : vector<128xf32>
      %reduce_max3A_604 = vector.multi_reduction <maximumf>, %add3A_603, %reduce_max3A [0] : vector<1264x128xf32> to vector<128xf32>
      %broadcast_in_dim3A_605 = vector.shape_cast %reduce_max3A_604 : vector<128xf32> to vector<1x128xf32>
      %get3A_606 = arith.constant 56 : index
      %get3A_607 = arith.constant 0 : index
      %get3A_608 = vector.load %arg9[%get3A_606, %get3A_607] : memref<64x128xf32, #tpu.memory_space<vmem>>, vector<1x128xf32>
      %max3A = arith.maximumf %get3A_608, %broadcast_in_dim3A_605 : vector<1x128xf32>
      %swap3A = arith.constant 56 : index
      %swap3A_609 = arith.constant 0 : index
      %swap3A_610 = vector.load %arg9[%swap3A, %swap3A_609] : memref<64x128xf32, #tpu.memory_space<vmem>>, vector<1x128xf32>
      tpu.vector_store %arg9[%swap3A, %swap3A_609], %max3A {strides = array<i32>} : memref<64x128xf32, #tpu.memory_space<vmem>>, vector<1x128xf32>,
    } else {
    }
    %le3A_530 = arith.constant 57 : i32
    %le3A_531 = arith.cmpi sle, %squeeze3A, %le3A_530 : i32
    %ge3A_532 = arith.constant 57 : i32
    %ge3A_533 = arith.cmpi sge, %squeeze3A_19, %ge3A_532 : i32
    %and3A_534 = arith.andi %le3A_531, %ge3A_533 : i1
    %convert_element_type3A_535 = arith.extui %and3A_534 : i1 to i32
    %cond3A_536 = arith.constant 0xFF800000 : f32
    %cond3A_537 = arith.constant 0 : i32
    %cond3A_538 = arith.cmpi ne, %convert_element_type3A_535, %cond3A_537 : i32
    scf.if %cond3A_538 {
      %eq3A_598 = arith.constant 57 : i32
      %eq3A_599 = vector.broadcast %eq3A_598 : i32 to vector<1264x1xi32>
      %eq3A_600 = arith.cmpi eq, %get3A_17, %eq3A_599 : vector<1264x1xi32>
      %jit3A = arith.constant 0.000000e+00 : f32
      %broadcast_in_dim3A = vector.broadcast %jit3A : f32 to vector<1264x1xf32>
      %broadcast_in_dim3A_601 = vector.broadcast %cond3A_536 : f32 to vector<1264x1xf32>
      %select_n3A = arith.select %eq3A_600, %broadcast_in_dim3A, %broadcast_in_dim3A_601 : vector<1264x1xi1>, vector<1264x1xf32>
      %add3A_602 = vector.broadcast %select_n3A : vector<1264x1xf32> to vector<1264x128xf32>
      %add3A_603 = arith.addf %add3A_14, %add3A_602 : vector<1264x128xf32>
      %reduce_max3A = arith.constant dense<0xFF800000> : vector<128xf32>
      %reduce_max3A_604 = vector.multi_reduction <maximumf>, %add3A_603, %reduce_max3A [0] : vector<1264x128xf32> to vector<128xf32>
      %broadcast_in_dim3A_605 = vector.shape_cast %reduce_max3A_604 : vector<128xf32> to vector<1x128xf32>
      %get3A_606 = arith.constant 57 : index
      %get3A_607 = arith.constant 0 : index
      %get3A_608 = vector.load %arg9[%get3A_606, %get3A_607] : memref<64x128xf32, #tpu.memory_space<vmem>>, vector<1x128xf32>
      %max3A = arith.maximumf %get3A_608, %broadcast_in_dim3A_605 : vector<1x128xf32>
      %swap3A = arith.constant 57 : index
      %swap3A_609 = arith.constant 0 : index
      %swap3A_610 = vector.load %arg9[%swap3A, %swap3A_609] : memref<64x128xf32, #tpu.memory_space<vmem>>, vector<1x128xf32>
      tpu.vector_store %arg9[%swap3A, %swap3A_609], %max3A {strides = array<i32>} : memref<64x128xf32, #tpu.memory_space<vmem>>, vector<1x128xf32>,
    } else {
    }
    %le3A_539 = arith.constant 58 : i32
    %le3A_540 = arith.cmpi sle, %squeeze3A, %le3A_539 : i32
    %ge3A_541 = arith.constant 58 : i32
    %ge3A_542 = arith.cmpi sge, %squeeze3A_19, %ge3A_541 : i32
    %and3A_543 = arith.andi %le3A_540, %ge3A_542 : i1
    %convert_element_type3A_544 = arith.extui %and3A_543 : i1 to i32
    %cond3A_545 = arith.constant 0xFF800000 : f32
    %cond3A_546 = arith.constant 0 : i32
    %cond3A_547 = arith.cmpi ne, %convert_element_type3A_544, %cond3A_546 : i32
    scf.if %cond3A_547 {
      %eq3A_598 = arith.constant 58 : i32
      %eq3A_599 = vector.broadcast %eq3A_598 : i32 to vector<1264x1xi32>
      %eq3A_600 = arith.cmpi eq, %get3A_17, %eq3A_599 : vector<1264x1xi32>
      %jit3A = arith.constant 0.000000e+00 : f32
      %broadcast_in_dim3A = vector.broadcast %jit3A : f32 to vector<1264x1xf32>
      %broadcast_in_dim3A_601 = vector.broadcast %cond3A_545 : f32 to vector<1264x1xf32>
      %select_n3A = arith.select %eq3A_600, %broadcast_in_dim3A, %broadcast_in_dim3A_601 : vector<1264x1xi1>, vector<1264x1xf32>
      %add3A_602 = vector.broadcast %select_n3A : vector<1264x1xf32> to vector<1264x128xf32>
      %add3A_603 = arith.addf %add3A_14, %add3A_602 : vector<1264x128xf32>
      %reduce_max3A = arith.constant dense<0xFF800000> : vector<128xf32>
      %reduce_max3A_604 = vector.multi_reduction <maximumf>, %add3A_603, %reduce_max3A [0] : vector<1264x128xf32> to vector<128xf32>
      %broadcast_in_dim3A_605 = vector.shape_cast %reduce_max3A_604 : vector<128xf32> to vector<1x128xf32>
      %get3A_606 = arith.constant 58 : index
      %get3A_607 = arith.constant 0 : index
      %get3A_608 = vector.load %arg9[%get3A_606, %get3A_607] : memref<64x128xf32, #tpu.memory_space<vmem>>, vector<1x128xf32>
      %max3A = arith.maximumf %get3A_608, %broadcast_in_dim3A_605 : vector<1x128xf32>
      %swap3A = arith.constant 58 : index
      %swap3A_609 = arith.constant 0 : index
      %swap3A_610 = vector.load %arg9[%swap3A, %swap3A_609] : memref<64x128xf32, #tpu.memory_space<vmem>>, vector<1x128xf32>
      tpu.vector_store %arg9[%swap3A, %swap3A_609], %max3A {strides = array<i32>} : memref<64x128xf32, #tpu.memory_space<vmem>>, vector<1x128xf32>,
    } else {
    }
    %le3A_548 = arith.constant 59 : i32
    %le3A_549 = arith.cmpi sle, %squeeze3A, %le3A_548 : i32
    %ge3A_550 = arith.constant 59 : i32
    %ge3A_551 = arith.cmpi sge, %squeeze3A_19, %ge3A_550 : i32
    %and3A_552 = arith.andi %le3A_549, %ge3A_551 : i1
    %convert_element_type3A_553 = arith.extui %and3A_552 : i1 to i32
    %cond3A_554 = arith.constant 0xFF800000 : f32
    %cond3A_555 = arith.constant 0 : i32
    %cond3A_556 = arith.cmpi ne, %convert_element_type3A_553, %cond3A_555 : i32
    scf.if %cond3A_556 {
      %eq3A_598 = arith.constant 59 : i32
      %eq3A_599 = vector.broadcast %eq3A_598 : i32 to vector<1264x1xi32>
      %eq3A_600 = arith.cmpi eq, %get3A_17, %eq3A_599 : vector<1264x1xi32>
      %jit3A = arith.constant 0.000000e+00 : f32
      %broadcast_in_dim3A = vector.broadcast %jit3A : f32 to vector<1264x1xf32>
      %broadcast_in_dim3A_601 = vector.broadcast %cond3A_554 : f32 to vector<1264x1xf32>
      %select_n3A = arith.select %eq3A_600, %broadcast_in_dim3A, %broadcast_in_dim3A_601 : vector<1264x1xi1>, vector<1264x1xf32>
      %add3A_602 = vector.broadcast %select_n3A : vector<1264x1xf32> to vector<1264x128xf32>
      %add3A_603 = arith.addf %add3A_14, %add3A_602 : vector<1264x128xf32>
      %reduce_max3A = arith.constant dense<0xFF800000> : vector<128xf32>
      %reduce_max3A_604 = vector.multi_reduction <maximumf>, %add3A_603, %reduce_max3A [0] : vector<1264x128xf32> to vector<128xf32>
      %broadcast_in_dim3A_605 = vector.shape_cast %reduce_max3A_604 : vector<128xf32> to vector<1x128xf32>
      %get3A_606 = arith.constant 59 : index
      %get3A_607 = arith.constant 0 : index
      %get3A_608 = vector.load %arg9[%get3A_606, %get3A_607] : memref<64x128xf32, #tpu.memory_space<vmem>>, vector<1x128xf32>
      %max3A = arith.maximumf %get3A_608, %broadcast_in_dim3A_605 : vector<1x128xf32>
      %swap3A = arith.constant 59 : index
      %swap3A_609 = arith.constant 0 : index
      %swap3A_610 = vector.load %arg9[%swap3A, %swap3A_609] : memref<64x128xf32, #tpu.memory_space<vmem>>, vector<1x128xf32>
      tpu.vector_store %arg9[%swap3A, %swap3A_609], %max3A {strides = array<i32>} : memref<64x128xf32, #tpu.memory_space<vmem>>, vector<1x128xf32>,
    } else {
    }
    %le3A_557 = arith.constant 60 : i32
    %le3A_558 = arith.cmpi sle, %squeeze3A, %le3A_557 : i32
    %ge3A_559 = arith.constant 60 : i32
    %ge3A_560 = arith.cmpi sge, %squeeze3A_19, %ge3A_559 : i32
    %and3A_561 = arith.andi %le3A_558, %ge3A_560 : i1
    %convert_element_type3A_562 = arith.extui %and3A_561 : i1 to i32
    %cond3A_563 = arith.constant 0xFF800000 : f32
    %cond3A_564 = arith.constant 0 : i32
    %cond3A_565 = arith.cmpi ne, %convert_element_type3A_562, %cond3A_564 : i32
    scf.if %cond3A_565 {
      %eq3A_598 = arith.constant 60 : i32
      %eq3A_599 = vector.broadcast %eq3A_598 : i32 to vector<1264x1xi32>
      %eq3A_600 = arith.cmpi eq, %get3A_17, %eq3A_599 : vector<1264x1xi32>
      %jit3A = arith.constant 0.000000e+00 : f32
      %broadcast_in_dim3A = vector.broadcast %jit3A : f32 to vector<1264x1xf32>
      %broadcast_in_dim3A_601 = vector.broadcast %cond3A_563 : f32 to vector<1264x1xf32>
      %select_n3A = arith.select %eq3A_600, %broadcast_in_dim3A, %broadcast_in_dim3A_601 : vector<1264x1xi1>, vector<1264x1xf32>
      %add3A_602 = vector.broadcast %select_n3A : vector<1264x1xf32> to vector<1264x128xf32>
      %add3A_603 = arith.addf %add3A_14, %add3A_602 : vector<1264x128xf32>
      %reduce_max3A = arith.constant dense<0xFF800000> : vector<128xf32>
      %reduce_max3A_604 = vector.multi_reduction <maximumf>, %add3A_603, %reduce_max3A [0] : vector<1264x128xf32> to vector<128xf32>
      %broadcast_in_dim3A_605 = vector.shape_cast %reduce_max3A_604 : vector<128xf32> to vector<1x128xf32>
      %get3A_606 = arith.constant 60 : index
      %get3A_607 = arith.constant 0 : index
      %get3A_608 = vector.load %arg9[%get3A_606, %get3A_607] : memref<64x128xf32, #tpu.memory_space<vmem>>, vector<1x128xf32>
      %max3A = arith.maximumf %get3A_608, %broadcast_in_dim3A_605 : vector<1x128xf32>
      %swap3A = arith.constant 60 : index
      %swap3A_609 = arith.constant 0 : index
      %swap3A_610 = vector.load %arg9[%swap3A, %swap3A_609] : memref<64x128xf32, #tpu.memory_space<vmem>>, vector<1x128xf32>
      tpu.vector_store %arg9[%swap3A, %swap3A_609], %max3A {strides = array<i32>} : memref<64x128xf32, #tpu.memory_space<vmem>>, vector<1x128xf32>,
    } else {
    }
    %le3A_566 = arith.constant 61 : i32
    %le3A_567 = arith.cmpi sle, %squeeze3A, %le3A_566 : i32
    %ge3A_568 = arith.constant 61 : i32
    %ge3A_569 = arith.cmpi sge, %squeeze3A_19, %ge3A_568 : i32
    %and3A_570 = arith.andi %le3A_567, %ge3A_569 : i1
    %convert_element_type3A_571 = arith.extui %and3A_570 : i1 to i32
    %cond3A_572 = arith.constant 0xFF800000 : f32
    %cond3A_573 = arith.constant 0 : i32
    %cond3A_574 = arith.cmpi ne, %convert_element_type3A_571, %cond3A_573 : i32
    scf.if %cond3A_574 {
      %eq3A_598 = arith.constant 61 : i32
      %eq3A_599 = vector.broadcast %eq3A_598 : i32 to vector<1264x1xi32>
      %eq3A_600 = arith.cmpi eq, %get3A_17, %eq3A_599 : vector<1264x1xi32>
      %jit3A = arith.constant 0.000000e+00 : f32
      %broadcast_in_dim3A = vector.broadcast %jit3A : f32 to vector<1264x1xf32>
      %broadcast_in_dim3A_601 = vector.broadcast %cond3A_572 : f32 to vector<1264x1xf32>
      %select_n3A = arith.select %eq3A_600, %broadcast_in_dim3A, %broadcast_in_dim3A_601 : vector<1264x1xi1>, vector<1264x1xf32>
      %add3A_602 = vector.broadcast %select_n3A : vector<1264x1xf32> to vector<1264x128xf32>
      %add3A_603 = arith.addf %add3A_14, %add3A_602 : vector<1264x128xf32>
      %reduce_max3A = arith.constant dense<0xFF800000> : vector<128xf32>
      %reduce_max3A_604 = vector.multi_reduction <maximumf>, %add3A_603, %reduce_max3A [0] : vector<1264x128xf32> to vector<128xf32>
      %broadcast_in_dim3A_605 = vector.shape_cast %reduce_max3A_604 : vector<128xf32> to vector<1x128xf32>
      %get3A_606 = arith.constant 61 : index
      %get3A_607 = arith.constant 0 : index
      %get3A_608 = vector.load %arg9[%get3A_606, %get3A_607] : memref<64x128xf32, #tpu.memory_space<vmem>>, vector<1x128xf32>
      %max3A = arith.maximumf %get3A_608, %broadcast_in_dim3A_605 : vector<1x128xf32>
      %swap3A = arith.constant 61 : index
      %swap3A_609 = arith.constant 0 : index
      %swap3A_610 = vector.load %arg9[%swap3A, %swap3A_609] : memref<64x128xf32, #tpu.memory_space<vmem>>, vector<1x128xf32>
      tpu.vector_store %arg9[%swap3A, %swap3A_609], %max3A {strides = array<i32>} : memref<64x128xf32, #tpu.memory_space<vmem>>, vector<1x128xf32>,
    } else {
    }
    %le3A_575 = arith.constant 62 : i32
    %le3A_576 = arith.cmpi sle, %squeeze3A, %le3A_575 : i32
    %ge3A_577 = arith.constant 62 : i32
    %ge3A_578 = arith.cmpi sge, %squeeze3A_19, %ge3A_577 : i32
    %and3A_579 = arith.andi %le3A_576, %ge3A_578 : i1
    %convert_element_type3A_580 = arith.extui %and3A_579 : i1 to i32
    %cond3A_581 = arith.constant 0xFF800000 : f32
    %cond3A_582 = arith.constant 0 : i32
    %cond3A_583 = arith.cmpi ne, %convert_element_type3A_580, %cond3A_582 : i32
    scf.if %cond3A_583 {
      %eq3A_598 = arith.constant 62 : i32
      %eq3A_599 = vector.broadcast %eq3A_598 : i32 to vector<1264x1xi32>
      %eq3A_600 = arith.cmpi eq, %get3A_17, %eq3A_599 : vector<1264x1xi32>
      %jit3A = arith.constant 0.000000e+00 : f32
      %broadcast_in_dim3A = vector.broadcast %jit3A : f32 to vector<1264x1xf32>
      %broadcast_in_dim3A_601 = vector.broadcast %cond3A_581 : f32 to vector<1264x1xf32>
      %select_n3A = arith.select %eq3A_600, %broadcast_in_dim3A, %broadcast_in_dim3A_601 : vector<1264x1xi1>, vector<1264x1xf32>
      %add3A_602 = vector.broadcast %select_n3A : vector<1264x1xf32> to vector<1264x128xf32>
      %add3A_603 = arith.addf %add3A_14, %add3A_602 : vector<1264x128xf32>
      %reduce_max3A = arith.constant dense<0xFF800000> : vector<128xf32>
      %reduce_max3A_604 = vector.multi_reduction <maximumf>, %add3A_603, %reduce_max3A [0] : vector<1264x128xf32> to vector<128xf32>
      %broadcast_in_dim3A_605 = vector.shape_cast %reduce_max3A_604 : vector<128xf32> to vector<1x128xf32>
      %get3A_606 = arith.constant 62 : index
      %get3A_607 = arith.constant 0 : index
      %get3A_608 = vector.load %arg9[%get3A_606, %get3A_607] : memref<64x128xf32, #tpu.memory_space<vmem>>, vector<1x128xf32>
      %max3A = arith.maximumf %get3A_608, %broadcast_in_dim3A_605 : vector<1x128xf32>
      %swap3A = arith.constant 62 : index
      %swap3A_609 = arith.constant 0 : index
      %swap3A_610 = vector.load %arg9[%swap3A, %swap3A_609] : memref<64x128xf32, #tpu.memory_space<vmem>>, vector<1x128xf32>
      tpu.vector_store %arg9[%swap3A, %swap3A_609], %max3A {strides = array<i32>} : memref<64x128xf32, #tpu.memory_space<vmem>>, vector<1x128xf32>,
    } else {
    }
    %le3A_584 = arith.constant 63 : i32
    %le3A_585 = arith.cmpi sle, %squeeze3A, %le3A_584 : i32
    %ge3A_586 = arith.constant 63 : i32
    %ge3A_587 = arith.cmpi sge, %squeeze3A_19, %ge3A_586 : i32
    %and3A_588 = arith.andi %le3A_585, %ge3A_587 : i1
    %convert_element_type3A_589 = arith.extui %and3A_588 : i1 to i32
    %cond3A_590 = arith.constant 0xFF800000 : f32
    %cond3A_591 = arith.constant 0 : i32
    %cond3A_592 = arith.cmpi ne, %convert_element_type3A_589, %cond3A_591 : i32
    scf.if %cond3A_592 {
      %eq3A_598 = arith.constant 63 : i32
      %eq3A_599 = vector.broadcast %eq3A_598 : i32 to vector<1264x1xi32>
      %eq3A_600 = arith.cmpi eq, %get3A_17, %eq3A_599 : vector<1264x1xi32>
      %jit3A = arith.constant 0.000000e+00 : f32
      %broadcast_in_dim3A = vector.broadcast %jit3A : f32 to vector<1264x1xf32>
      %broadcast_in_dim3A_601 = vector.broadcast %cond3A_590 : f32 to vector<1264x1xf32>
      %select_n3A = arith.select %eq3A_600, %broadcast_in_dim3A, %broadcast_in_dim3A_601 : vector<1264x1xi1>, vector<1264x1xf32>
      %add3A_602 = vector.broadcast %select_n3A : vector<1264x1xf32> to vector<1264x128xf32>
      %add3A_603 = arith.addf %add3A_14, %add3A_602 : vector<1264x128xf32>
      %reduce_max3A = arith.constant dense<0xFF800000> : vector<128xf32>
      %reduce_max3A_604 = vector.multi_reduction <maximumf>, %add3A_603, %reduce_max3A [0] : vector<1264x128xf32> to vector<128xf32>
      %broadcast_in_dim3A_605 = vector.shape_cast %reduce_max3A_604 : vector<128xf32> to vector<1x128xf32>
      %get3A_606 = arith.constant 63 : index
      %get3A_607 = arith.constant 0 : index
      %get3A_608 = vector.load %arg9[%get3A_606, %get3A_607] : memref<64x128xf32, #tpu.memory_space<vmem>>, vector<1x128xf32>
      %max3A = arith.maximumf %get3A_608, %broadcast_in_dim3A_605 : vector<1x128xf32>
      %swap3A = arith.constant 63 : index
      %swap3A_609 = arith.constant 0 : index
      %swap3A_610 = vector.load %arg9[%swap3A, %swap3A_609] : memref<64x128xf32, #tpu.memory_space<vmem>>, vector<1x128xf32>
      tpu.vector_store %arg9[%swap3A, %swap3A_609], %max3A {strides = array<i32>} : memref<64x128xf32, #tpu.memory_space<vmem>>, vector<1x128xf32>,
    } else {
    }
    %eq3A_593 = arith.constant 7 : i32
    %eq3A_594 = arith.cmpi eq, %arg0, %eq3A_593 : i32
    %convert_element_type3A_595 = arith.extui %eq3A_594 : i1 to i32
    %cond3A_596 = arith.constant 0 : i32
    %cond3A_597 = arith.cmpi ne, %convert_element_type3A_595, %cond3A_596 : i32
    scf.if %cond3A_597 {
      %get3A_598 = arith.constant 0 : index
      %get3A_599 = arith.constant 0 : index
      %get3A_600 = vector.load %arg9[%get3A_598, %get3A_599] : memref<64x128xf32, #tpu.memory_space<vmem>>, vector<64x128xf32>
      %get3A_601 = arith.constant 0 : index
      %get3A_602 = arith.constant 0 : index
      %get3A_603 = vector.load %arg4[%get3A_601, %get3A_602] : memref<128x128xf32, #tpu.memory_space<vmem>>, vector<128x128xf32>
      %dot_general3A = arith.constant dense<0.000000e+00> : vector<64x128xf32>
      %dot_general3A_604 = tpu.matmul %get3A_600, %get3A_603, %dot_general3A {dimension_numbers = #tpu.dot_dimension_numbers<[1], [0], [0], [1], [0, 0, 1, 1], [], []>, transpose_lhs_hint = false} : vector<64x128xf32>, vector<128x128xf32>, vector<64x128xf32> -> vector<64x128xf32>
      %get3A_605 = arith.constant 0 : index
      %get3A_606 = arith.constant 0 : index
      %get3A_607 = vector.load %arg5[%get3A_605, %get3A_606] : memref<1x128xf32, #tpu.memory_space<vmem>>, vector<1x128xf32>
      %add3A_608 = vector.broadcast %get3A_607 : vector<1x128xf32> to vector<64x128xf32>
      %add3A_609 = arith.addf %dot_general3A_604, %add3A_608 : vector<64x128xf32>
      %max3A = arith.constant 0.000000e+00 : f32
      %max3A_610 = vector.broadcast %max3A : f32 to vector<64x128xf32>
      %max3A_611 = arith.maximumf %add3A_609, %max3A_610 : vector<64x128xf32>
      %get3A_612 = arith.constant 0 : index
      %get3A_613 = arith.constant 0 : index
      %get3A_614 = vector.load %arg6[%get3A_612, %get3A_613] : memref<128x10xf32, #tpu.memory_space<vmem>>, vector<128x10xf32>
      %dot_general3A_615 = arith.constant dense<0.000000e+00> : vector<64x10xf32>
      %dot_general3A_616 = tpu.matmul %max3A_611, %get3A_614, %dot_general3A_615 {dimension_numbers = #tpu.dot_dimension_numbers<[1], [0], [0], [1], [0, 0, 1, 1], [], []>, transpose_lhs_hint = false} : vector<64x128xf32>, vector<128x10xf32>, vector<64x10xf32> -> vector<64x10xf32>
      %get3A_617 = arith.constant 0 : index
      %get3A_618 = arith.constant 0 : index
      %get3A_619 = vector.load %arg7[%get3A_617, %get3A_618] : memref<1x10xf32, #tpu.memory_space<vmem>>, vector<1x10xf32>
      %add3A_620 = vector.broadcast %get3A_619 : vector<1x10xf32> to vector<64x10xf32>
      %add3A_621 = arith.addf %dot_general3A_616, %add3A_620 : vector<64x10xf32>
      %swap3A = arith.constant 0 : index
      %swap3A_622 = arith.constant 0 : index
      %swap3A_623 = vector.load %arg8[%swap3A, %swap3A_622] : memref<64x10xf32, #tpu.memory_space<vmem>>, vector<64x10xf32>
      tpu.vector_store %arg8[%swap3A, %swap3A_622], %add3A_621 {strides = array<i32>} : memref<64x10xf32, #tpu.memory_space<vmem>>, vector<64x10xf32>,
    } else {
    }
    return
  }
  func.func @transform_0(%arg0: i32) -> (i32, i32, i32) {
    %c0_i32 = arith.constant 0 : i32
    %c0_i32_0 = arith.constant 0 : i32
    %c0_i32_1 = arith.constant 0 : i32
    return %c0_i32, %arg0, %c0_i32_0 : i32, i32, i32
  }
  func.func @transform_1(%arg0: i32) -> (i32, i32) {
    %c0_i32 = arith.constant 0 : i32
    %c0_i32_0 = arith.constant 0 : i32
    return %arg0, %c0_i32 : i32, i32
  }
  func.func @transform_2(%arg0: i32) -> (i32, i32) {
    %c0_i32 = arith.constant 0 : i32
    %c0_i32_0 = arith.constant 0 : i32
    return %arg0, %c0_i32 : i32, i32
  }
  func.func @transform_3(%arg0: i32) -> (i32, i32) {
    %c0_i32 = arith.constant 0 : i32
    %c0_i32_0 = arith.constant 0 : i32
    %c0_i32_1 = arith.constant 0 : i32
    return %c0_i32, %c0_i32_0 : i32, i32
  }
  func.func @transform_4(%arg0: i32) -> (i32, i32) {
    %c0_i32 = arith.constant 0 : i32
    %c0_i32_0 = arith.constant 0 : i32
    %c0_i32_1 = arith.constant 0 : i32
    return %c0_i32, %c0_i32_0 : i32, i32
  }
  func.func @transform_5(%arg0: i32) -> (i32, i32) {
    %c0_i32 = arith.constant 0 : i32
    %c0_i32_0 = arith.constant 0 : i32
    %c0_i32_1 = arith.constant 0 : i32
    return %c0_i32, %c0_i32_0 : i32, i32
  }
  func.func @transform_6(%arg0: i32) -> (i32, i32) {
    %c0_i32 = arith.constant 0 : i32
    %c0_i32_0 = arith.constant 0 : i32
    %c0_i32_1 = arith.constant 0 : i32
    return %c0_i32, %c0_i32_0 : i32, i32
  }
  func.func @transform_7(%arg0: i32) -> (i32, i32) {
    %c0_i32 = arith.constant 0 : i32
    %c0_i32_0 = arith.constant 0 : i32
    %c0_i32_1 = arith.constant 0 : i32
    return %c0_i32, %c0_i32_0 : i32, i32
  }
}

</mosaic_0001>

<sc_bundles>
// kernel: kernel.10.cloned.1.call-start
scs
__scs_entry_jumppad:
0x0: {  	(pc) =	sbr.rel $0x88, $3  }
0x1: {  	(tag) =	ssettag $0x0;
	lr =	simm.s32 $0x1  }
0x2: {  	[smem:$0x3F94] =	sst lr;
	_ =	strace $0xD0000000  }
0x3: {  	_ = 	snop  }
0x4: {  	_ = 	snop  }
0x5: {  	_ = 	snop  }
0x6: {  	_ = 	snop  }
0x7: {  	_ = 	snop  }
__scs_overlays_trampoline_lowered:
0x8: {  	[smem:$0x3FA3] =	sst s0  }
0x9: {  	[smem:$0x3FA4] =	sst s1  }
0xa: {  	[smem:$0x3FA5] =	sst s2  }
0xb: {  	[smem:$0x3FA6] =	sst s3  }
0xc: {  	[smem:$0x3FA7] =	sst s4  }
0xd: {  	[smem:$0x3FA8] =	sst s5  }
0xe: {  	[smem:$0x3FA9] =	sst s6  }
0xf: {  	[smem:$0x3FAA] =	sst s7  }
0x10: {  	[smem:$0x3FAB] =	sst s8  }
0x11: {  	[smem:$0x3FAC] =	sst s9;
	s0 =	simm.s32 @!p0 $0x0  }
0x12: {  	s1 =	sld [smem:$0x3F92];
	s0 =	simm.s32 @p0 $0x1  }
0x13: {  	[smem:$0x3FAD] =	sst s0;
	s0 =	simm.s32 @!p1 $0x0  }
0x14: {  	s2 =	sld [smem:$0x3F91];
	s0 =	simm.s32 @p1 $0x1  }
0x15: {  	[smem:$0x3FAE] =	sst s0;
	s0 =	simm.s32 @!p2 $0x0  }
0x16: {  	s3 =	sld [smem:$0x3FDB];
	s0 =	simm.s32 @p2 $0x1  }
0x17: {  	s4 =	simm.s32 $0x1BF5;
	[smem:$0x3FB0] =	sst s0  }
0x18: {  	s0 =	sld [smem:$0x3F93];
	_ =	swait.ge [sflag:s4], $0x0  }
0x19: {  	s7 =	sld [smem:$0x3F94]  }
0x1a: {  	s8 =	sadd.s32 $0xFFFFE003, lr  }
0x1b: {  	s9 =	sadd.s32 $0xFFFFFEF7, lr;
	s5 =	simm.s32 $0xFFFFFFFF;
	p2 =	slt.u32 s8, $0xFFFFF086  }
0x1c: {  	p1 =	slt.u32 s9, $0xF7A;
	s5 =	simm.s32 @!p2 $0x0  }
0x1d: {  	s5 =	simm.s32 @p1 $0x1;
	p0 =	seq.s32 s7, s2  }
0x1e: {  	s7 =	smul.u32 @!p0 $0xF7A, s2;
	p2 =	seq.s32 @!p0 s5, $0x0  }
0x1f: {  	s9 =	smul.u32 $0xF7A, s1;
	s8 =	simm.s32 @!p0 $0x1BF5;
	p2 =	por !p2, p0  }
0x20: {  	[sflag:s8] =	ssyncset.s32 @!p0 $0xFFFFF086;
	s6 =	sadd.s32 @!p0 s3, s7;
	s7 =	simm.s32 @!p0 $0x108  }
0x21: {  	s3 =	sadd.s32 s3, s9;
	s6 =	sadd.s32 @!p0 $0x88, s6;
	s7 =	simm.s32 @p2 $0x1082  }
0x22: {  	[simem:s7], [sflag:s8] =	dma.local @!p0 [hbm:s6], $0xF7A  }
0x23: {  	s9 =	sor.u32 $0xD0000000, s2;
	s6 =	simm.s32 $0x108;
	_ =	swait.ge @!p0 [sflag:s8], $0x0  }
0x24: {  	s3 =	sadd.s32 $0x88, s3;
	s6 =	simm.s32 @!p1 $0x1082;
	[sflag:s4] =	ssyncset.s32 $0xFFFFF086  }
0x25: {  	[simem:s6], [sflag:s4] =	dma.local [hbm:s3], $0xF7A  }
0x26: {  	[smem:$0x3F94] =	sst s1;
	(tag) =	ssettag s2;
	_ =	strace s9  }
0x27: {  	s1 =	sld [smem:$0x3FA4]  }
0x28: {  	s2 =	sld [smem:$0x3FA5]  }
0x29: {  	s4 =	sld [smem:$0x3FA7]  }
0x2a: {  	p0 =	seq.s32 s5, $0x0;
	s5 =	sld [smem:$0x3FA8]  }
0x2b: {  	s6 =	sld [smem:$0x3FA9]  }
0x2c: {  	s7 =	sld [smem:$0x3FAA]  }
0x2d: {  	s3 =	simm.s32 $0x108;
	s8 =	sld [smem:$0x3FAB]  }
0x2e: {  	s3 =	simm.s32 @!p0 $0x1082;
	s9 =	sld [smem:$0x3FAC]  }
0x2f: {  	lr =	sadd.s32 s0, s3;
	s0 =	sld [smem:$0x3FA3]  }
0x30: {  	s3 =	sld [smem:$0x3FA6]  }
0x31: {  	[smem:$0x3FAF] =	sst s10  }
0x32: {  	s10 =	sld [smem:$0x3FAD];
	_ =	sdelay $0x3  }
0x33: {  	p0 =	seq.s32 s10, $0x1;
	s10 =	sld [smem:$0x3FAF];
	_ =	sdelay $0x3  }
0x34: {  	[smem:$0x3FAF] =	sst s10  }
0x35: {  	s10 =	sld [smem:$0x3FAE];
	_ =	sdelay $0x3  }
0x36: {  	p1 =	seq.s32 s10, $0x1;
	s10 =	sld [smem:$0x3FAF];
	_ =	sdelay $0x3  }
0x37: {  	[smem:$0x3FAF] =	sst s10  }
0x38: {  	s10 =	sld [smem:$0x3FB0]  }
0x39: {  	_ = 	snop;
	(pc) =	sbr.ind lr, $3  }
0x3a: {  	_ = 	snop  }
0x3b: {  	_ = 	snop  }
0x3c: {  	p2 =	seq.s32 s10, $0x1;
	s10 =	sld [smem:$0x3FAF]  }
0x3d: {  	_ =	shalt  }
0x3e: {  	_ =	shalt  }
0x3f: {  	_ =	shalt  }
0x40: {  	_ =	shalt  }
0x41: {  	_ =	shalt  }
0x42: {  	_ =	shalt  }
0x43: {  	_ =	shalt  }
0x44: {  	_ =	shalt  }
0x45: {  	_ =	shalt  }
0x46: {  	_ =	shalt  }
0x47: {  	_ =	shalt  }
0x48: {  	_ =	shalt  }
0x49: {  	_ =	shalt  }
0x4a: {  	_ =	shalt  }
0x4b: {  	_ =	shalt  }
0x4c: {  	_ =	shalt  }
0x4d: {  	_ =	shalt  }
0x4e: {  	_ =	shalt  }
0x4f: {  	_ =	shalt  }
0x50: {  	_ =	shalt  }
0x51: {  	_ =	shalt  }
0x52: {  	_ =	shalt  }
0x53: {  	_ =	shalt  }
0x54: {  	_ =	shalt  }
0x55: {  	_ =	shalt  }
0x56: {  	_ =	shalt  }
0x57: {  	_ =	shalt  }
0x58: {  	_ =	shalt  }
0x59: {  	_ =	shalt  }
0x5a: {  	_ =	shalt  }
0x5b: {  	_ =	shalt  }
0x5c: {  	_ =	shalt  }
0x5d: {  	_ =	shalt  }
0x5e: {  	_ =	shalt  }
0x5f: {  	_ =	shalt  }
0x60: {  	_ =	shalt  }
0x61: {  	_ =	shalt  }
0x62: {  	_ =	shalt  }
0x63: {  	_ =	shalt  }
0x64: {  	_ =	shalt  }
0x65: {  	_ =	shalt  }
0x66: {  	_ =	shalt  }
0x67: {  	_ =	shalt  }
0x68: {  	_ =	shalt  }
0x69: {  	_ =	shalt  }
0x6a: {  	_ =	shalt  }
0x6b: {  	_ =	shalt  }
0x6c: {  	_ =	shalt  }
0x6d: {  	_ =	shalt  }
0x6e: {  	_ =	shalt  }
0x6f: {  	_ =	shalt  }
0x70: {  	_ =	shalt  }
0x71: {  	_ =	shalt  }
0x72: {  	_ =	shalt  }
0x73: {  	_ =	shalt  }
0x74: {  	_ =	shalt  }
0x75: {  	_ =	shalt  }
0x76: {  	_ =	shalt  }
0x77: {  	_ =	shalt  }
0x78: {  	_ =	shalt  }
0x79: {  	_ =	shalt  }
0x7a: {  	_ =	shalt  }
0x7b: {  	_ =	shalt  }
0x7c: {  	_ =	shalt  }
0x7d: {  	_ =	shalt  }
0x7e: {  	_ =	shalt  }
0x7f: {  	_ =	shalt  }
0x80: {  	_ =	shalt  }
0x81: {  	_ =	shalt  }
0x82: {  	_ =	shalt  }
0x83: {  	_ =	shalt  }
0x84: {  	_ =	shalt  }
0x85: {  	_ =	shalt  }
0x86: {  	_ =	shalt  }
0x87: {  	_ =	shalt  }
.Lfunc_end0:
.L_simem_size_0:
called_computation.1_lowered:
.L_overlay_start_0:
0x88: {  	s2 =	sld [smem:$0x3FD9]  }
0x89: {  	s3 =	sld [smem:$0x3FFE];
	_ =	sdelay $0x1  }
0x8a: {  	s1 =	srdreg.scid  }
0x8b: {  	s0 =	sand.u32 $0x1, s1  }
0x8c: {  	s17 =	sshll.u32 s0, $0xA;
	s2 =	sadd.s32 s3, s2  }
0x8d: {  	s2 =	sadd.s32 s2, s17  }
0x8e: {  	[smem:$0x3FBB] =	sst s2  }
0x8f: {  	_ = 	snop  }
0x90: {  	(tm) =	ssettm $0x1  }
0x91: {  	s18 =	sld [smem:$0x3FFB];
	_ =	sdelay $0x3  }
0x92: {  	_ =	strace s18  }
0x93: {  	s2 =	sld [smem:$0x3FFC];
	_ =	sdelay $0x3  }
0x94: {  	_ =	strace s2  }
0x95: {  	s2 =	sld [smem:$0x3FFD];
	_ =	sdelay $0x3  }
0x96: {  	_ =	strace s2  }
0x97: {  	_ =	strace $0x8FFFFFFF  }
0x98: {  	s19 =	sld [smem:$0x3FDB];
	_ =	sdelay $0x1  }
0x99: {  	s20 =	simm.s32 $_scs_section_size  }
0x9a: {  	s4 =	simm.s32 $_size__tile_overlayer_lowered;
	s5 =	simm.s32 $_tile_overlayer_lowered  }
0x9b: {  	s6 =	simm.s32 $0x1BFF;
	s21 =	sshll.u32 s5, $0x1;
	s3 =	sadd.s32 s20, s19  }
0x9c: {  	s22 =	simm.s32 $0x0;
	s4 =	sshll.u32 s4, $0x1;
	s5 =	sadd.s32 s21, s3  }
0x9d: {  	[timem:s22], [sflag:s6] =	dma.local [hbm:s5], s4  }
0x9e: {  	_ =	swait.ge [sflag:s6], s4  }
0x9f: {  	s4 =	ssub.s32 $0x0, s4;
	[sflag:s6] =	ssyncset.done $0x0  }
0xa0: {  	[sflag:s6] =	ssyncadd.s32 s4;
	_ =	sdelay $0x1  }
0xa1: {  	s23 =	simm.s32 $0x1B8B  }
0xa2: {  	_ =	swait.ge [sflag:s23], $0x1  }
0xa3: {  	[sflag:s23] =	ssyncset.done $0x0  }
0xa4: {  	[sflag:s23] =	ssyncadd.s32 $0xFFFFFFFF  }
0xa5: {  	s4 =	sld [smem:$0x0]  }
0xa6: {  	s5 =	sand.u32 $0xFFFFFFFE, s1  }
0xa7: {  	p0 =	sne.s32 s1, s5  }
0xa8: {  	s5 =	sshll.u32 @p0 s5, $0xE  }
0xa9: {  	s5 =	sadd.s32 @p0 $0x11B8D, s5;
	s6 =	sshll.u32 @p0 s4, $0x11  }
0xaa: {  	s5 =	sor.u32 @p0 s6, s5  }
0xab: {  	[sflag:s5] =	ssyncadd.remote.s32 @p0 $0x1;
	_ =	sdelay $0x1  }
0xac: {  	s5 =	simm.s32 @p0 $0x1B8D  }
0xad: {  	_ =	swait.eq @p0 [sflag:s5], $0x1  }
0xae: {  	[sflag:s5] =	ssyncadd.s32 @p0 $0xFFFFFFFF  }
0xaf: {  	s6 =	sshll.u32 @!p0 s1, $0xE  }
0xb0: {  	s6 =	sor.u32 @!p0 $0x4000, s6;
	s5 =	simm.s32 @!p0 $0x1B8D  }
0xb1: {  	s4 =	sshll.u32 @!p0 s4, $0x11;
	s6 =	sadd.s32 @!p0 $0x11B8D, s6;
	_ =	swait.eq @!p0 [sflag:s5], $0x1  }
0xb2: {  	s4 =	sor.u32 @!p0 s4, s6;
	[sflag:s5] =	ssyncadd.s32 @!p0 $0xFFFFFFFF  }
0xb3: {  	s25 =	simm.s32 $0x1B8E;
	s24 =	sld [smem:$0x3FFE];
	[sflag:s4] =	ssyncadd.remote.s32 @!p0 $0x1  }
0xb4: {  	s26 =	simm.s32 $execute0_lowered;
	[smem:$0x3FD2] =	sst s25  }
0xb5: {  	s5 =	sshll.u32 s26, $0x1;
	_ =	strace $0x80000049;
	[dreg:$0x1] =	wrdreg $0xFFFFFFFF  }
0xb6: {  	s28 =	simm.s32 $_size_execute0_lowered;
	s3 =	sadd.s32 s3, s5;
	[dreg:$0x0] =	wrdreg $0x0  }
0xb7: {  	s5 =	sshll.u32 s28, $0x1;
	[dreg:$0x2] =	wrdreg s3  }
0xb8: {  	[dreg:$0x3] =	wrdreg s5  }
0xb9: {  	[dreg:$0x4] =	wrdreg $0xC0  }
0xba: {  	_ =	task [dreg:s22], $0x5FFFF  }
0xbb: {  	[dreg:$0x1] =	wrdreg $0xFFFFFFFF  }
0xbc: {  	[dreg:$0x0] =	wrdreg $0x60  }
0xbd: {  	[dreg:$0x2] =	wrdreg s24  }
0xbe: {  	[dreg:$0x3] =	wrdreg $0x81800  }
0xbf: {  	[dreg:$0x4] =	wrdreg $0xA  }
0xc0: {  	_ =	task.clear_ibuf [dreg:s22], $0x5FFFF;
	_ =	strace $0x90000049  }
0xc1: {  	s29 =	simm.s32 $0xA;
	_ =	strace $0x8000004B  }
0xc2: {  	_ =	swait.ge [sflag:s29], $0x1  }
0xc3: {  	[sflag:s29] =	ssyncadd.s32 $0xFFFFFFFF  }
0xc4: {  	_ =	strace $0x9000004B  }
0xc5: {  	_ =	sfence  }
0xc6: {  	s30 =	sld [smem:$0x0];
	_ =	sdelay $0x2  }
0xc7: {  	s31 =	sshll.u32 s1, $0xD;
	s1 =	sshrl.u32 s1, $0x2  }
0xc8: {  	s4 =	sand.u32 $0x4000, s31;
	s1 =	sadd.s32 s1, s30  }
0xc9: {  	s0 =	sor.u32 s4, s0;
	s1 =	sshll.u32 s1, $0x11  }
0xca: {  	s0 =	sor.u32 s1, s0  }
0xcb: {  	s0 =	sadd.s32 $0x8F2B, s0  }
0xcc: {  	[sflag:s0] =	ssyncadd.remote.s32 $0x1  }
0xcd: {  	_ =	sfence.sel $0xFFFF  }
0xce: {  	[dreg:$0x0] =	wrdreg $0xFFFFFFFF;
	(pc) =	sbr.abs _section_cstart, $3  }
0xcf: {  	[dreg:$0x1] =	wrdreg $0xFFFFFFFF  }
0xd0: {  	_ =	task.clear_ibuf [dreg:s22], $0x2FFFF;
	_ =	strace $0x9FFFFFFF  }
0xd1: {  	(tm) =	ssettm $0x7FFFFFFF  }
tec
execute0_lowered:
.L_overlay_start_1:
0x0: {  	(tag) =	ssettag $0x1  }
0x1: {  	s0 =	rddreg [dreg:$0x0]  }
0x2: {  	s1 =	rddreg [dreg:$0x1]  }
0x3: {  	s2 =	simm.s32 $0x0;
	s3 =	srdreg.scid;
	s5 =	stileid.u32  }
0x4: {  	s28 =	simm.s32 $0x100;
	s30 =	simm.s32 $0x0;
	s7 =	smul.u32 $0x13C00, s5  }
0x5: {  	[smem:$0x7FF] =	sst s2;
	s4 =	sadd.s32 $0x9C6C00, s0;
	s20 =	smul.u32 $0x4F000, s5  }
0x6: {  	s3 =	sand.u32 $0x1, s3;
	s14 =	sadd.s32 $0xA2C600, s0;
	s16 =	smul.u32 $0x4E20, s5  }
0x7: {  	s8 =	sadd.s32 $0x9DAE00, s0;
	s22 =	sshll.u32 s5, $0x6;
	s17 =	smul.u32 $0x4E200, s5  }
0x8: {  	_ =	strace $0x8000004A;
	s6 =	smul.u32 $0x13C000, s3;
	[dreg:$0x3] =	wrdreg s8  }
0x9: {  	s21 =	sshll.u32 s3, $0x4;
	s9 =	ssub.s32 $0x2, s3;
	s13 =	smul.u32 $0x4E200, s3  }
0xa: {  	s3 =	smul.u32 $0x4E2000, s3;
	s8 =	sor.u32 s5, s21;
	s10 =	sshrl.u32 s9, $0x1  }
0xb: {  	s21 =	simm.s32 $0x80;
	s6 =	sadd.s32 s7, s6;
	s11 =	smul.u32 $0x4E20, s8  }
0xc: {  	s7 =	sshrl.u32 s20, $0x2;
	s15 =	ssub.s32 s9, s10;
	s8 =	smul.u32 $0x4E200, s8  }
0xd: {  	s19 =	sadd.s32 s16, s13;
	s26 =	sadd.s32 s3, s14;
	s20 =	simm.s32 $0x180  }
0xe: {  	s6 =	sshrl.u32 s6, $0x3;
	s18 =	sadd.s32 s7, s1;
	s31 =	sadd.s32 $0x180, s19  }
0xf: {  	s0 =	sadd.s32 s6, s0;
	s23 =	sadd.s32 $0x80, s11;
	s6 =	sor.u32 $0x1C05, s22  }
0x10: {  	s24 =	sshrl.u32 s11, $0x3;
	s8 =	sadd.s32 s14, s8;
	s12 =	sadd.s32 $0x4E00, s11  }
0x11: {  	s3 =	sshrl.u32 s31, $0x3;
	s18 =	sshrl.u32 s18, $0x3;
	s22 =	simm.s32 $0x4180  }
0x12: {  	s25 =	sshrl.u32 s23, $0x3;
	s7 =	sadd.s32 s4, s24;
	s10 =	sshll.u32 s23, $0x4  }
0x13: {  	s11 =	sshrl.u32 s12, $0x3;
	s12 =	sshll.u32 s12, $0x4;
	s13 =	sadd.s32 $0x13F0600, s0  }
0x14: {  	s0 =	sadd.s32 s17, s26;
	s16 =	sadd.s32 s3, s4;
	s17 =	sadd.s32 $0x100, s19  }
0x15: {  	s19 =	simm.s32 $0x5;
	s23 =	simm.s32 $0x1;
	s24 =	simm.s32 $0x3  }
0x16: {  	s26 =	simm.s32 $0x4;
	[dreg:$0x4] =	wrdreg s7;
	s9 =	sadd.s32 s4, s25  }
0x17: {  	s10 =	sadd.s32 s14, s10;
	s11 =	sadd.s32 s4, s11;
	s12 =	sadd.s32 s14, s12  }
0x18: {  	s14 =	smax.u32 s15, $0x1;
	s29 =	sadd.s32 $0x1800, s0;
	s25 =	simm.s32 $0x2  }
.LBB2_1:
0x19: {  	s0 =	rddreg [dreg:$0x3]  }
0x1a: {  	[spmem:s18], [sflag:s6] =	dma.local [hbm:s0], $0x2780  }
0x1b: {  	_ =	swait.ge [sflag:s19], $0x2780  }
0x1c: {  	[sflag:s19] =	ssyncset.done $0x0  }
0x1d: {  	s3 =	rddreg [dreg:$0x4];
	[sflag:s19] =	ssyncadd.s32 $0xFFFFD880  }
0x1e: {  	[tilespmem:s2], [sflag:$0x1] =	stream.linear.gather [hbm4b:s3+s2], $0x80, $0x38;
	[tilespmem:$0x1BD80] =	vst v63  }
0x1f: {  	_ = 	snop  }
0x20: {  	[tilespmem:s20], [sflag:$0x3] =	stream.linear.gather [hbm4b:s8+s2], $0x4000, $0x38;
	[tilespmem:$0x1BD80] =	vst v63  }
0x21: {  	_ = 	snop  }
0x22: {  	[tilespmem:s21], [sflag:$0x2] =	stream.linear.gather [hbm4b:s9+s2], $0x80, $0x38;
	[tilespmem:$0x1BD80] =	vst v63  }
0x23: {  	_ = 	snop  }
0x24: {  	[tilespmem:s22], [sflag:$0x4] =	stream.linear.gather [hbm4b:s10+s2], $0x4000, $0x38;
	[tilespmem:$0x1BD80] =	vst v63  }
0x25: {  	[bflag:$0x0] =	sbarrier.arrive $0xFFFF  }
0x26: {  	_ =	swait.ge [sflag:s23], $0x80  }
0x27: {  	[sflag:s23] =	ssyncset.done $0x0  }
0x28: {  	[sflag:s23] =	ssyncadd.s32 $0xFFFFFF80  }
0x29: {  	_ =	swait.ge [sflag:s24], $0x4000  }
0x2a: {  	[sflag:s24] =	ssyncset.done $0x0  }
0x2b: {  	[sflag:s24] =	ssyncadd.s32 $0xFFFFC000  }
0x2c: {  	[spmem:s1] =	stream.indirect.scatter.add.f32 [tilespmem:s20], [sflag:$0x5], $0x80, s2, s21, $0xb8;
	[tilespmem:$0x1BD80] =	vst v63  }
0x2d: {  	_ =	swait.ge [sflag:s19], $0x4000  }
0x2e: {  	s5 =	sshrl.u32 s17, $0x3;
	[sflag:s19] =	ssyncset.done $0x0  }
0x2f: {  	s0 =	sadd.s32 s4, s5;
	[sflag:s19] =	ssyncadd.s32 $0xFFFFC000  }
0x30: {  	[tilespmem:s2], [sflag:$0x1] =	stream.linear.gather [hbm4b:s0+s2], $0x80, $0x38;
	[tilespmem:$0x1BD80] =	vst v63  }
0x31: {  	s7 =	sadd.s32 $0xFFFFF800, s29  }
0x32: {  	[tilespmem:s20], [sflag:$0x3] =	stream.linear.gather [hbm4b:s7+s2], $0x4000, $0x38;
	[tilespmem:$0x1BD80] =	vst v63  }
0x33: {  	_ =	swait.ge [sflag:s25], $0x80  }
0x34: {  	[sflag:s25] =	ssyncset.done $0x0  }
0x35: {  	[sflag:s25] =	ssyncadd.s32 $0xFFFFFF80  }
0x36: {  	_ =	swait.ge [sflag:s26], $0x4000  }
0x37: {  	[sflag:s26] =	ssyncset.done $0x0  }
0x38: {  	[sflag:s26] =	ssyncadd.s32 $0xFFFFC000  }
0x39: {  	[spmem:s1] =	stream.indirect.scatter.add.f32 [tilespmem:s22], [sflag:$0x5], $0x80, s21, s21, $0xb8;
	[tilespmem:$0x1BD80] =	vst v63  }
0x3a: {  	_ =	swait.ge [sflag:s19], $0x4000  }
0x3b: {  	[sflag:s19] =	ssyncset.done $0x0  }
0x3c: {  	s15 =	sadd.s32 $0x0, s16;
	s31 =	simm.s32 $0x20;
	[sflag:s19] =	ssyncadd.s32 $0xFFFFC000  }
0x3d: {  	[tilespmem:s21], [sflag:$0x2] =	stream.linear.gather [hbm4b:s15+s2], $0x80, $0x38;
	[tilespmem:$0x1BD80] =	vst v63  }
0x3e: {  	s3 =	sadd.s32 $0x100, s17;
	s0 =	sadd.s32 $0x1000, s29;
	s15 =	smov.u32 s29  }
.LBB2_2:
0x3f: {  	[tilespmem:s22], [sflag:$0x4] =	stream.linear.gather [hbm4b:s15+s2], $0x4000, $0x38;
	[tilespmem:$0x1BD80] =	vst v63  }
0x40: {  	s5 =	smov.u32 s31;
	s15 =	smov.u32 s0  }
0x41: {  	p0 =	sne.s32 s31, $0x980;
	s31 =	sadd.s32 $0x20, s31;
	_ =	swait.ge [sflag:s23], $0x80  }
0x42: {  	[sflag:s23] =	ssyncset.done $0x0  }
0x43: {  	[sflag:s23] =	ssyncadd.s32 $0xFFFFFF80  }
0x44: {  	_ =	swait.ge [sflag:s24], $0x4000  }
0x45: {  	[sflag:s24] =	ssyncset.done $0x0  }
0x46: {  	[sflag:s24] =	ssyncadd.s32 $0xFFFFC000  }
0x47: {  	[spmem:s1] =	stream.indirect.scatter.add.f32 [tilespmem:s20], [sflag:$0x5], $0x80, s2, s21, $0xb8;
	[tilespmem:$0x1BD80] =	vst v63  }
0x48: {  	_ =	swait.ge [sflag:s19], $0x4000  }
0x49: {  	s7 =	sshrl.u32 s3, $0x3;
	[sflag:s19] =	ssyncset.done $0x0  }
0x4a: {  	s7 =	sadd.s32 s4, s7;
	[sflag:s19] =	ssyncadd.s32 $0xFFFFC000  }
0x4b: {  	[tilespmem:s2], [sflag:$0x1] =	stream.linear.gather [hbm4b:s7+s2], $0x80, $0x38;
	[tilespmem:$0x1BD80] =	vst v63  }
0x4c: {  	s7 =	sadd.s32 $0xFFFFF800, s0  }
0x4d: {  	[tilespmem:s20], [sflag:$0x3] =	stream.linear.gather [hbm4b:s7+s2], $0x4000, $0x38;
	[tilespmem:$0x1BD80] =	vst v63  }
0x4e: {  	_ =	swait.ge [sflag:s25], $0x80  }
0x4f: {  	[sflag:s25] =	ssyncset.done $0x0  }
0x50: {  	[sflag:s25] =	ssyncadd.s32 $0xFFFFFF80  }
0x51: {  	_ =	swait.ge [sflag:s26], $0x4000  }
0x52: {  	[sflag:s26] =	ssyncset.done $0x0  }
0x53: {  	[sflag:s26] =	ssyncadd.s32 $0xFFFFC000  }
0x54: {  	[spmem:s1] =	stream.indirect.scatter.add.f32 [tilespmem:s22], [sflag:$0x5], $0x80, s21, s21, $0xb8;
	[tilespmem:$0x1BD80] =	vst v63  }
.Ltmp0:
0x55: {  	_ =	swait.ge [sflag:s19], $0x4000;
	(pc) =	sbr.rel @p0 .LBB2_2-.Ltmp0, $4  }
0x56: {  	[sflag:s19] =	ssyncset.done $0x0  }
0x57: {  	s5 =	sadd.s32 s5, s16;
	[sflag:s19] =	ssyncadd.s32 $0xFFFFC000  }
0x58: {  	[tilespmem:s21], [sflag:$0x2] =	stream.linear.gather [hbm4b:s5+s2], $0x80, $0x38;
	[tilespmem:$0x1BD80] =	vst v63  }
0x59: {  	s3 =	sadd.s32 $0x100, s3;
	s0 =	sadd.s32 $0x1000, s0  }
0x5a: {  	[tilespmem:s22], [sflag:$0x4] =	stream.linear.gather [hbm4b:s15+s2], $0x4000, $0x38;
	[tilespmem:$0x1BD80] =	vst v63  }
0x5b: {  	_ =	swait.ge [sflag:s23], $0x80  }
0x5c: {  	[sflag:s23] =	ssyncset.done $0x0  }
0x5d: {  	[sflag:s23] =	ssyncadd.s32 $0xFFFFFF80  }
0x5e: {  	_ =	swait.ge [sflag:s24], $0x4000  }
0x5f: {  	[sflag:s24] =	ssyncset.done $0x0  }
0x60: {  	[sflag:s24] =	ssyncadd.s32 $0xFFFFC000  }
0x61: {  	[spmem:s1] =	stream.indirect.scatter.add.f32 [tilespmem:s20], [sflag:$0x5], $0x80, s2, s21, $0xb8;
	[tilespmem:$0x1BD80] =	vst v63  }
0x62: {  	_ =	swait.ge [sflag:s19], $0x4000  }
0x63: {  	[sflag:s19] =	ssyncset.done $0x0  }
0x64: {  	[sflag:s19] =	ssyncadd.s32 $0xFFFFC000  }
0x65: {  	_ =	swait.ge [sflag:s25], $0x80  }
0x66: {  	[sflag:s25] =	ssyncset.done $0x0  }
0x67: {  	[sflag:s25] =	ssyncadd.s32 $0xFFFFFF80  }
0x68: {  	_ =	swait.ge [sflag:s26], $0x4000  }
0x69: {  	[sflag:s26] =	ssyncset.done $0x0  }
0x6a: {  	[sflag:s26] =	ssyncadd.s32 $0xFFFFC000  }
0x6b: {  	[spmem:s1] =	stream.indirect.scatter.add.f32 [tilespmem:s22], [sflag:$0x5], $0x80, s21, s21, $0xb8;
	[tilespmem:$0x1BD80] =	vst v63  }
0x6c: {  	_ =	swait.ge [sflag:s19], $0x4000  }
0x6d: {  	[sflag:s19] =	ssyncset.done $0x0  }
0x6e: {  	[sflag:s19] =	ssyncadd.s32 $0xFFFFC000  }
0x6f: {  	[tilespmem:s28], [sflag:$0x5] =	stream.linear.gather [hbm4b:s11+s2], $0x20, $0x38;
	[tilespmem:$0x1BD80] =	vst v63  }
0x70: {  	_ =	swait.ge [sflag:s19], $0x20  }
0x71: {  	[sflag:s19] =	ssyncset.done $0x0  }
0x72: {  	[sflag:s19] =	ssyncadd.s32 $0xFFFFFFE0  }
0x73: {  	[tilespmem:s20], [sflag:$0x5] =	stream.linear.gather [hbm4b:s12+s2], $0x1000, $0x38;
	[tilespmem:$0x1BD80] =	vst v63  }
0x74: {  	_ =	swait.ge [sflag:s19], $0x1000  }
0x75: {  	[sflag:s19] =	ssyncset.done $0x0  }
0x76: {  	s0 =	simm.s32 $0x20;
	[sflag:s19] =	ssyncadd.s32 $0xFFFFF000  }
0x77: {  	[spmem:s1] =	stream.indirect.scatter.add.f32 [tilespmem:s20], [sflag:$0x5], $0x80, s28, s0, $0xb8;
	[tilespmem:$0x1BD80] =	vst v63  }
0x78: {  	_ =	swait.ge [sflag:s19], $0x1000  }
0x79: {  	s30 =	sadd.s32 $0x1, s30;
	[sflag:s19] =	ssyncset.done $0x0  }
0x7a: {  	p0 =	sne.s32 s30, s14;
	[sflag:s19] =	ssyncadd.s32 $0xFFFFF000  }
.Ltmp1:
0x7b: {  	[bflag:$0x0] =	sbarrier.arrive $0xFFFF;
	(pc) =	sbr.rel @p0 .LBB2_1-.Ltmp1, $4  }
0x7c: {  	[hbm:s13], [sflag:s6] =	dma.local [spmem:s18], $0x2780  }
0x7d: {  	_ =	swait.ge [sflag:s19], $0x2780  }
0x7e: {  	[sflag:s19] =	ssyncset.done $0x0  }
0x7f: {  	[sflag:s19] =	ssyncadd.s32 $0xFFFFD880  }
0x80: {  	_ =	sfence.sel $0x180000  }
0x81: {  	[bflag:$0x0] =	sbarrier.arrive $0xFFFF  }
0x82: {  	_ =	strace $0x9000004A  }
0x83: {  	s0 =	stileid.u32;
	[bflag:$0x2] =	sbarrier.arrive $0xFFFF  }
0x84: {  	p0 =	sne.s32 s0, $0x0;
	s0 =	rddreg [dreg:$0x2]  }
0x85: {  	s0 =	sadd.s32 @!p0 $0x100000, s0  }
0x86: {  	[sflag:s0] =	ssyncadd.tile.s32 @!p0 $0x1;
	_ =	shalt  }
.Lfunc_end2:
_tile_overlayer_lowered:
.L_overlay_start_2:
0x87: {  	(tag) =	ssettag $0x2  }
0x88: {  	s0 =	rddreg [dreg:$0x0];
	s2 =	stileid.u32  }
0x89: {  	s1 =	rddreg [dreg:$0x1];
	p0 =	sne.s32 s2, $0x0  }
0x8a: {  	s3 =	rddreg [dreg:$0x2];
	[bflag:$0x3] =	sbarrier.arrive $0xFFFF;
	s2 =	simm.s32 @!p0 $0x1C05  }
0x8b: {  	[timem:s3], [sflag:s2] =	dma.local @!p0 [hbm:s0], s1  }
0x8c: {  	s0 =	simm.s32 @!p0 $0x5  }
0x8d: {  	_ =	swait.ge @!p0 [sflag:s0], s1  }
0x8e: {  	s1 =	ssub.s32 @!p0 $0x0, s1;
	[sflag:s0] =	ssyncset.done @!p0 $0x0  }
0x8f: {  	[sflag:s0] =	ssyncadd.s32 @!p0 s1  }
0x90: {  	[bflag:$0x3] =	sbarrier.arrive $0xFFFF  }
0x91: {  	_ =	shalt  }

// kernel: kernel.7.cloned.1.call-start
scs
__scs_entry_jumppad:
0x0: {  	(pc) =	sbr.rel $0x88, $3  }
0x1: {  	(tag) =	ssettag $0x0;
	lr =	simm.s32 $0x1  }
0x2: {  	[smem:$0x3F94] =	sst lr;
	_ =	strace $0xD0000000  }
0x3: {  	_ = 	snop  }
0x4: {  	_ = 	snop  }
0x5: {  	_ = 	snop  }
0x6: {  	_ = 	snop  }
0x7: {  	_ = 	snop  }
__scs_overlays_trampoline_lowered:
0x8: {  	[smem:$0x3FA3] =	sst s0  }
0x9: {  	[smem:$0x3FA4] =	sst s1  }
0xa: {  	[smem:$0x3FA5] =	sst s2  }
0xb: {  	[smem:$0x3FA6] =	sst s3  }
0xc: {  	[smem:$0x3FA7] =	sst s4  }
0xd: {  	[smem:$0x3FA8] =	sst s5  }
0xe: {  	[smem:$0x3FA9] =	sst s6  }
0xf: {  	[smem:$0x3FAA] =	sst s7  }
0x10: {  	[smem:$0x3FAB] =	sst s8  }
0x11: {  	[smem:$0x3FAC] =	sst s9;
	s0 =	simm.s32 @!p0 $0x0  }
0x12: {  	s1 =	sld [smem:$0x3F92];
	s0 =	simm.s32 @p0 $0x1  }
0x13: {  	[smem:$0x3FAD] =	sst s0;
	s0 =	simm.s32 @!p1 $0x0  }
0x14: {  	s2 =	sld [smem:$0x3F91];
	s0 =	simm.s32 @p1 $0x1  }
0x15: {  	[smem:$0x3FAE] =	sst s0;
	s0 =	simm.s32 @!p2 $0x0  }
0x16: {  	s3 =	sld [smem:$0x3FDB];
	s0 =	simm.s32 @p2 $0x1  }
0x17: {  	s4 =	simm.s32 $0x1BF5;
	[smem:$0x3FB0] =	sst s0  }
0x18: {  	s0 =	sld [smem:$0x3F93];
	_ =	swait.ge [sflag:s4], $0x0  }
0x19: {  	s7 =	sld [smem:$0x3F94]  }
0x1a: {  	s8 =	sadd.s32 $0xFFFFE003, lr  }
0x1b: {  	s9 =	sadd.s32 $0xFFFFFEF7, lr;
	s5 =	simm.s32 $0xFFFFFFFF;
	p2 =	slt.u32 s8, $0xFFFFF086  }
0x1c: {  	p1 =	slt.u32 s9, $0xF7A;
	s5 =	simm.s32 @!p2 $0x0  }
0x1d: {  	s5 =	simm.s32 @p1 $0x1;
	p0 =	seq.s32 s7, s2  }
0x1e: {  	s7 =	smul.u32 @!p0 $0xF7A, s2;
	p2 =	seq.s32 @!p0 s5, $0x0  }
0x1f: {  	s9 =	smul.u32 $0xF7A, s1;
	s8 =	simm.s32 @!p0 $0x1BF5;
	p2 =	por !p2, p0  }
0x20: {  	[sflag:s8] =	ssyncset.s32 @!p0 $0xFFFFF086;
	s6 =	sadd.s32 @!p0 s3, s7;
	s7 =	simm.s32 @!p0 $0x108  }
0x21: {  	s3 =	sadd.s32 s3, s9;
	s6 =	sadd.s32 @!p0 $0x88, s6;
	s7 =	simm.s32 @p2 $0x1082  }
0x22: {  	[simem:s7], [sflag:s8] =	dma.local @!p0 [hbm:s6], $0xF7A  }
0x23: {  	s9 =	sor.u32 $0xD0000000, s2;
	s6 =	simm.s32 $0x108;
	_ =	swait.ge @!p0 [sflag:s8], $0x0  }
0x24: {  	s3 =	sadd.s32 $0x88, s3;
	s6 =	simm.s32 @!p1 $0x1082;
	[sflag:s4] =	ssyncset.s32 $0xFFFFF086  }
0x25: {  	[simem:s6], [sflag:s4] =	dma.local [hbm:s3], $0xF7A  }
0x26: {  	[smem:$0x3F94] =	sst s1;
	(tag) =	ssettag s2;
	_ =	strace s9  }
0x27: {  	s1 =	sld [smem:$0x3FA4]  }
0x28: {  	s2 =	sld [smem:$0x3FA5]  }
0x29: {  	s4 =	sld [smem:$0x3FA7]  }
0x2a: {  	p0 =	seq.s32 s5, $0x0;
	s5 =	sld [smem:$0x3FA8]  }
0x2b: {  	s6 =	sld [smem:$0x3FA9]  }
0x2c: {  	s7 =	sld [smem:$0x3FAA]  }
0x2d: {  	s3 =	simm.s32 $0x108;
	s8 =	sld [smem:$0x3FAB]  }
0x2e: {  	s3 =	simm.s32 @!p0 $0x1082;
	s9 =	sld [smem:$0x3FAC]  }
0x2f: {  	lr =	sadd.s32 s0, s3;
	s0 =	sld [smem:$0x3FA3]  }
0x30: {  	s3 =	sld [smem:$0x3FA6]  }
0x31: {  	[smem:$0x3FAF] =	sst s10  }
0x32: {  	s10 =	sld [smem:$0x3FAD];
	_ =	sdelay $0x3  }
0x33: {  	p0 =	seq.s32 s10, $0x1;
	s10 =	sld [smem:$0x3FAF];
	_ =	sdelay $0x3  }
0x34: {  	[smem:$0x3FAF] =	sst s10  }
0x35: {  	s10 =	sld [smem:$0x3FAE];
	_ =	sdelay $0x3  }
0x36: {  	p1 =	seq.s32 s10, $0x1;
	s10 =	sld [smem:$0x3FAF];
	_ =	sdelay $0x3  }
0x37: {  	[smem:$0x3FAF] =	sst s10  }
0x38: {  	s10 =	sld [smem:$0x3FB0]  }
0x39: {  	_ = 	snop;
	(pc) =	sbr.ind lr, $3  }
0x3a: {  	_ = 	snop  }
0x3b: {  	_ = 	snop  }
0x3c: {  	p2 =	seq.s32 s10, $0x1;
	s10 =	sld [smem:$0x3FAF]  }
0x3d: {  	_ =	shalt  }
0x3e: {  	_ =	shalt  }
0x3f: {  	_ =	shalt  }
0x40: {  	_ =	shalt  }
0x41: {  	_ =	shalt  }
0x42: {  	_ =	shalt  }
0x43: {  	_ =	shalt  }
0x44: {  	_ =	shalt  }
0x45: {  	_ =	shalt  }
0x46: {  	_ =	shalt  }
0x47: {  	_ =	shalt  }
0x48: {  	_ =	shalt  }
0x49: {  	_ =	shalt  }
0x4a: {  	_ =	shalt  }
0x4b: {  	_ =	shalt  }
0x4c: {  	_ =	shalt  }
0x4d: {  	_ =	shalt  }
0x4e: {  	_ =	shalt  }
0x4f: {  	_ =	shalt  }
0x50: {  	_ =	shalt  }
0x51: {  	_ =	shalt  }
0x52: {  	_ =	shalt  }
0x53: {  	_ =	shalt  }
0x54: {  	_ =	shalt  }
0x55: {  	_ =	shalt  }
0x56: {  	_ =	shalt  }
0x57: {  	_ =	shalt  }
0x58: {  	_ =	shalt  }
0x59: {  	_ =	shalt  }
0x5a: {  	_ =	shalt  }
0x5b: {  	_ =	shalt  }
0x5c: {  	_ =	shalt  }
0x5d: {  	_ =	shalt  }
0x5e: {  	_ =	shalt  }
0x5f: {  	_ =	shalt  }
0x60: {  	_ =	shalt  }
0x61: {  	_ =	shalt  }
0x62: {  	_ =	shalt  }
0x63: {  	_ =	shalt  }
0x64: {  	_ =	shalt  }
0x65: {  	_ =	shalt  }
0x66: {  	_ =	shalt  }
0x67: {  	_ =	shalt  }
0x68: {  	_ =	shalt  }
0x69: {  	_ =	shalt  }
0x6a: {  	_ =	shalt  }
0x6b: {  	_ =	shalt  }
0x6c: {  	_ =	shalt  }
0x6d: {  	_ =	shalt  }
0x6e: {  	_ =	shalt  }
0x6f: {  	_ =	shalt  }
0x70: {  	_ =	shalt  }
0x71: {  	_ =	shalt  }
0x72: {  	_ =	shalt  }
0x73: {  	_ =	shalt  }
0x74: {  	_ =	shalt  }
0x75: {  	_ =	shalt  }
0x76: {  	_ =	shalt  }
0x77: {  	_ =	shalt  }
0x78: {  	_ =	shalt  }
0x79: {  	_ =	shalt  }
0x7a: {  	_ =	shalt  }
0x7b: {  	_ =	shalt  }
0x7c: {  	_ =	shalt  }
0x7d: {  	_ =	shalt  }
0x7e: {  	_ =	shalt  }
0x7f: {  	_ =	shalt  }
0x80: {  	_ =	shalt  }
0x81: {  	_ =	shalt  }
0x82: {  	_ =	shalt  }
0x83: {  	_ =	shalt  }
0x84: {  	_ =	shalt  }
0x85: {  	_ =	shalt  }
0x86: {  	_ =	shalt  }
0x87: {  	_ =	shalt  }
.Lfunc_end0:
.L_simem_size_0:
called_computation_lowered:
.L_overlay_start_0:
0x88: {  	s2 =	sld [smem:$0x3FD9]  }
0x89: {  	s3 =	sld [smem:$0x3FFE];
	_ =	sdelay $0x1  }
0x8a: {  	s1 =	srdreg.scid  }
0x8b: {  	s0 =	sand.u32 $0x1, s1  }
0x8c: {  	s16 =	sshll.u32 s0, $0xA;
	s2 =	sadd.s32 s3, s2  }
0x8d: {  	s2 =	sadd.s32 s2, s16  }
0x8e: {  	[smem:$0x3FBB] =	sst s2  }
0x8f: {  	_ = 	snop  }
0x90: {  	(tm) =	ssettm $0x1  }
0x91: {  	s17 =	sld [smem:$0x3FFB];
	_ =	sdelay $0x3  }
0x92: {  	_ =	strace s17  }
0x93: {  	s2 =	sld [smem:$0x3FFC];
	_ =	sdelay $0x3  }
0x94: {  	_ =	strace s2  }
0x95: {  	s2 =	sld [smem:$0x3FFD];
	_ =	sdelay $0x3  }
0x96: {  	_ =	strace s2  }
0x97: {  	_ =	strace $0x8FFFFFFF  }
0x98: {  	s18 =	sld [smem:$0x3FDB];
	_ =	sdelay $0x1  }
0x99: {  	s19 =	simm.s32 $_scs_section_size  }
0x9a: {  	s4 =	simm.s32 $_size__tile_overlayer_lowered;
	s5 =	simm.s32 $_tile_overlayer_lowered  }
0x9b: {  	s22 =	simm.s32 $0x1BFF;
	s21 =	sshll.u32 s5, $0x1;
	s2 =	sadd.s32 s19, s18  }
0x9c: {  	s6 =	simm.s32 $0x0;
	s20 =	sshll.u32 s4, $0x1;
	s4 =	sadd.s32 s21, s2  }
0x9d: {  	[timem:s6], [sflag:s22] =	dma.local [hbm:s4], s20  }
0x9e: {  	_ =	swait.ge [sflag:s22], s20  }
0x9f: {  	s3 =	ssub.s32 $0x0, s20;
	[sflag:s22] =	ssyncset.done $0x0  }
0xa0: {  	[sflag:s22] =	ssyncadd.s32 s3;
	_ =	sdelay $0x1  }
0xa1: {  	s23 =	simm.s32 $0x1B8B  }
0xa2: {  	_ =	swait.ge [sflag:s23], $0x1  }
0xa3: {  	[sflag:s23] =	ssyncset.done $0x0  }
0xa4: {  	s25 =	simm.s32 $0x1B8E;
	s24 =	sld [smem:$0x3FFE];
	[sflag:s23] =	ssyncadd.s32 $0xFFFFFFFF  }
0xa5: {  	s26 =	simm.s32 $execute0_lowered;
	[smem:$0x3FD2] =	sst s25  }
0xa6: {  	s4 =	sshll.u32 s26, $0x1;
	_ =	strace $0x80000046;
	[dreg:$0x1] =	wrdreg $0xFFFFFFFF  }
0xa7: {  	s28 =	simm.s32 $_size_execute0_lowered;
	s2 =	sadd.s32 s2, s4;
	[dreg:$0x0] =	wrdreg $0x0  }
0xa8: {  	s4 =	sshll.u32 s28, $0x1;
	[dreg:$0x2] =	wrdreg s2  }
0xa9: {  	[dreg:$0x3] =	wrdreg s4  }
0xaa: {  	[dreg:$0x4] =	wrdreg $0xC0  }
0xab: {  	_ =	task [dreg:s6], $0x5FFFF  }
0xac: {  	[dreg:$0x1] =	wrdreg $0xFFFFFFFF  }
0xad: {  	[dreg:$0x0] =	wrdreg $0x60  }
0xae: {  	[dreg:$0x2] =	wrdreg s24  }
0xaf: {  	[dreg:$0x3] =	wrdreg $0xC1800  }
0xb0: {  	[dreg:$0x4] =	wrdreg $0x9  }
0xb1: {  	_ =	task.clear_ibuf [dreg:s6], $0x5FFFF;
	_ =	strace $0x90000046  }
0xb2: {  	s29 =	simm.s32 $0x9;
	_ =	strace $0x80000048  }
0xb3: {  	_ =	swait.ge [sflag:s29], $0x1  }
0xb4: {  	[sflag:s29] =	ssyncadd.s32 $0xFFFFFFFF  }
0xb5: {  	_ =	strace $0x90000048  }
0xb6: {  	_ =	sfence  }
0xb7: {  	s30 =	sld [smem:$0x0];
	_ =	sdelay $0x2  }
0xb8: {  	s31 =	sshll.u32 s1, $0xD;
	s1 =	sshrl.u32 s1, $0x2  }
0xb9: {  	s3 =	sand.u32 $0x4000, s31;
	s1 =	sadd.s32 s1, s30  }
0xba: {  	s0 =	sor.u32 s3, s0;
	s1 =	sshll.u32 s1, $0x11  }
0xbb: {  	s0 =	sor.u32 s1, s0  }
0xbc: {  	s0 =	sadd.s32 $0x8F2B, s0  }
0xbd: {  	[sflag:s0] =	ssyncadd.remote.s32 $0x1  }
0xbe: {  	_ =	sfence.sel $0xFFFF  }
0xbf: {  	[dreg:$0x0] =	wrdreg $0xFFFFFFFF;
	(pc) =	sbr.abs _section_cstart, $3  }
0xc0: {  	[dreg:$0x1] =	wrdreg $0xFFFFFFFF  }
0xc1: {  	_ =	task.clear_ibuf [dreg:s6], $0x2FFFF;
	_ =	strace $0x9FFFFFFF  }
0xc2: {  	(tm) =	ssettm $0x7FFFFFFF  }
0xc3: {  	_ =	shalt  }
tec
execute0_lowered:
.L_overlay_start_1:
0x0: {  	(tag) =	ssettag $0x1  }
0x1: {  	s0 =	rddreg [dreg:$0x0]  }
0x2: {  	s1 =	rddreg [dreg:$0x1]  }
0x3: {  	s2 =	simm.s32 $0x0;
	s3 =	srdreg.scid;
	s10 =	stileid.u32  }
0x4: {  	s28 =	simm.s32 $0x2;
	s29 =	simm.s32 $0x4;
	s30 =	simm.s32 $0x100  }
0x5: {  	[smem:$0x7FF] =	sst s2;
	s3 =	sand.u32 $0x1, s3;
	s4 =	sadd.s32 $0x9C6C00, s0  }
0x6: {  	s5 =	sadd.s32 $0x2C00, s0;
	s7 =	smul.u32 $0x13C00, s10;
	s8 =	sadd.s32 $0x9DA600, s0  }
0x7: {  	s16 =	sadd.s32 $0x9DAE00, s0;
	s17 =	smul.u32 $0x4F000, s10;
	s20 =	sshll.u32 s10, $0x6  }
0x8: {  	_ =	strace $0x80000047;
	s6 =	smul.u32 $0x13C000, s3;
	[dreg:$0x3] =	wrdreg s8  }
0x9: {  	[dreg:$0x4] =	wrdreg s16;
	s18 =	sshll.u32 s3, $0x4;
	s3 =	ssub.s32 $0x2, s3  }
0xa: {  	s8 =	sor.u32 s10, s18;
	s9 =	sshrl.u32 s3, $0x1;
	s6 =	sadd.s32 s7, s6  }
0xb: {  	s7 =	sshrl.u32 s17, $0x2;
	s14 =	smul.u32 $0x4E20, s8;
	s3 =	ssub.s32 s3, s9  }
0xc: {  	s22 =	smul.u32 $0x4E200, s8;
	s8 =	sor.u32 $0x1C05, s20;
	s20 =	simm.s32 $0x5  }
0xd: {  	s6 =	sshrl.u32 s6, $0x3;
	s19 =	sadd.s32 s7, s1;
	s18 =	smax.u32 s3, $0x1  }
0xe: {  	s0 =	sadd.s32 s6, s0;
	s21 =	sshrl.u32 s14, $0x3;
	s24 =	sadd.s32 $0x80, s14  }
0xf: {  	s10 =	sadd.s32 s5, s22;
	s26 =	sadd.s32 $0x4E00, s14;
	s13 =	sadd.s32 $0x100, s14  }
0x10: {  	s14 =	sadd.s32 $0x180, s14;
	s19 =	sshrl.u32 s19, $0x3;
	s22 =	simm.s32 $0x180  }
0x11: {  	s23 =	sadd.s32 s4, s21;
	s25 =	sshrl.u32 s24, $0x3;
	s7 =	sshll.u32 s24, $0x4  }
.Ltmp0:
0x12: {  	s31 =	sshrl.u32 s26, $0x3;
	s17 =	sadd.s32 $0x9DD600, s0;
	(pc) =	sbr.rel .LBB2_1-.Ltmp0, $4  }
0x13: {  	s21 =	simm.s32 $0x8180;
	s24 =	simm.s32 $0x4180;
	s0 =	simm.s32 $0x0  }
0x14: {  	[dreg:$0x5] =	wrdreg s23;
	s11 =	sadd.s32 s4, s25;
	s12 =	sadd.s32 s5, s7  }
0x15: {  	s7 =	sshll.u32 s26, $0x4;
	s15 =	sadd.s32 s4, s31;
	s23 =	simm.s32 $0x80  }
0x16: {  	s25 =	simm.s32 $0x1;
	s26 =	simm.s32 $0x3;
	s16 =	sadd.s32 s5, s7  }
.LBB2_8:
0x17: {  	[tilespmem:s30], [sflag:$0x5] =	stream.linear.gather [hbm4b:s15+s2], $0x20, $0x38;
	[tilespmem:$0x1FD80] =	vst v63  }
0x18: {  	_ =	swait.ge [sflag:s20], $0x20  }
0x19: {  	[sflag:s20] =	ssyncset.done $0x0  }
0x1a: {  	[sflag:s20] =	ssyncadd.s32 $0xFFFFFFE0  }
0x1b: {  	[tilespmem:s22], [sflag:$0x5] =	stream.linear.gather [hbm4b:s16+s2], $0x1000, $0x38;
	[tilespmem:$0x1FD80] =	vst v63  }
0x1c: {  	_ =	swait.ge [sflag:s20], $0x1000  }
0x1d: {  	[sflag:s20] =	ssyncset.done $0x0  }
0x1e: {  	[sflag:s20] =	ssyncadd.s32 $0xFFFFF000  }
0x1f: {  	v0 =	vld [tilespmem:$0x180]  }
0x20: {  	v1 =	vld [tilespmem:$0x200]  }
0x21: {  	v2 =	vld [tilespmem:$0x280]  }
0x22: {  	v3 =	vld [tilespmem:$0x300]  }
0x23: {  	v4 =	vld [tilespmem:$0x380]  }
0x24: {  	v37 =	vld [tilespmem:$0x400];
	[tilespmem:$0x8180] =	vst v0  }
0x25: {  	v38 =	vld [tilespmem:$0x480];
	[tilespmem:$0x8200] =	vst v1  }
0x26: {  	v39 =	vld [tilespmem:$0x500];
	[tilespmem:$0x8280] =	vst v2  }
0x27: {  	v40 =	vld [tilespmem:$0x580];
	[tilespmem:$0x8300] =	vst v3  }
0x28: {  	v41 =	vld [tilespmem:$0x600];
	[tilespmem:$0x8380] =	vst v4  }
0x29: {  	v42 =	vld [tilespmem:$0x680];
	[tilespmem:$0x8400] =	vst v37  }
0x2a: {  	v43 =	vld [tilespmem:$0x700];
	[tilespmem:$0x8480] =	vst v38  }
0x2b: {  	v44 =	vld [tilespmem:$0x780];
	[tilespmem:$0x8500] =	vst v39  }
0x2c: {  	v45 =	vld [tilespmem:$0x800];
	[tilespmem:$0x8580] =	vst v40  }
0x2d: {  	v46 =	vld [tilespmem:$0x880];
	[tilespmem:$0x8600] =	vst v41  }
0x2e: {  	v47 =	vld [tilespmem:$0x900];
	[tilespmem:$0x8680] =	vst v42  }
0x2f: {  	v48 =	vld [tilespmem:$0x980];
	[tilespmem:$0x8700] =	vst v43  }
0x30: {  	v49 =	vld [tilespmem:$0xA00];
	[tilespmem:$0x8780] =	vst v44  }
0x31: {  	v50 =	vld [tilespmem:$0xA80];
	[tilespmem:$0x8800] =	vst v45  }
0x32: {  	v51 =	vld [tilespmem:$0xB00];
	[tilespmem:$0x8880] =	vst v46  }
0x33: {  	v52 =	vld [tilespmem:$0xB80];
	[tilespmem:$0x8900] =	vst v47  }
0x34: {  	v53 =	vld [tilespmem:$0xC00];
	[tilespmem:$0x8980] =	vst v48  }
0x35: {  	v54 =	vld [tilespmem:$0xC80];
	[tilespmem:$0x8A00] =	vst v49  }
0x36: {  	v55 =	vld [tilespmem:$0xD00];
	[tilespmem:$0x8A80] =	vst v50  }
0x37: {  	v56 =	vld [tilespmem:$0xD80];
	[tilespmem:$0x8B00] =	vst v51  }
0x38: {  	v57 =	vld [tilespmem:$0xE00];
	[tilespmem:$0x8B80] =	vst v52  }
0x39: {  	v58 =	vld [tilespmem:$0xE80];
	[tilespmem:$0x8C00] =	vst v53  }
0x3a: {  	v59 =	vld [tilespmem:$0xF00];
	[tilespmem:$0x8C80] =	vst v54  }
0x3b: {  	v60 =	vld [tilespmem:$0xF80];
	[tilespmem:$0x8D00] =	vst v55  }
0x3c: {  	v61 =	vld [tilespmem:$0x1000];
	[tilespmem:$0x8D80] =	vst v56  }
0x3d: {  	v62 =	vld [tilespmem:$0x1080];
	[tilespmem:$0x8E00] =	vst v57  }
0x3e: {  	v63 =	vld [tilespmem:$0x1100];
	[tilespmem:$0x8E80] =	vst v58  }
0x3f: {  	[tilespmem:$0x8F00] =	vst v59  }
0x40: {  	[tilespmem:$0x8F80] =	vst v60  }
0x41: {  	[tilespmem:$0x9000] =	vst v61  }
0x42: {  	[tilespmem:$0x9080] =	vst v62  }
0x43: {  	s3 =	simm.s32 $0x20;
	[tilespmem:$0x9100] =	vst v63  }
0x44: {  	[spmem:s1] =	stream.indirect.scatter.add.f32 [tilespmem:s21], [sflag:$0x5], $0x80, s30, s3, $0xb8;
	[tilespmem:$0x1FD80] =	vst v63  }
0x45: {  	_ =	swait.ge [sflag:s20], $0x1000  }
0x46: {  	s0 =	sadd.s32 $0x1, s0;
	[sflag:s20] =	ssyncset.done $0x0  }
0x47: {  	p0 =	sne.s32 s0, s18;
	[sflag:s20] =	ssyncadd.s32 $0xFFFFF000  }
.Ltmp1:
0x48: {  	[bflag:$0x0] =	sbarrier.arrive $0xFFFF;
	(pc) =	sbr.rel @!p0 .LBB2_9-.Ltmp1, $4  }
0x49: {  	[hbm:s17], [sflag:s8] =	dma.local [spmem:s19], $0x2780  }
0x4a: {  	_ =	swait.ge [sflag:s20], $0x2780  }
0x4b: {  	[sflag:s20] =	ssyncset.done $0x0  }
0x4c: {  	[sflag:s20] =	ssyncadd.s32 $0xFFFFD880  }
.LBB2_1:
0x4d: {  	s3 =	rddreg [dreg:$0x4]  }
0x4e: {  	[spmem:s19], [sflag:s8] =	dma.local [hbm:s3], $0x2780  }
0x4f: {  	_ =	swait.ge [sflag:s20], $0x2780  }
0x50: {  	[sflag:s20] =	ssyncset.done $0x0  }
0x51: {  	s9 =	rddreg [dreg:$0x3];
	[sflag:s20] =	ssyncadd.s32 $0xFFFFD880  }
0x52: {  	[tilespmem:s21], [sflag:$0x5] =	stream.linear.gather [hbm4b:s9+s2], $0x4000, $0x38;
	[tilespmem:$0x1FD80] =	vst v63  }
0x53: {  	_ =	swait.ge [sflag:s20], $0x4000  }
0x54: {  	[sflag:s20] =	ssyncset.done $0x0  }
0x55: {  	s31 =	rddreg [dreg:$0x5];
	[sflag:s20] =	ssyncadd.s32 $0xFFFFC000  }
0x56: {  	[tilespmem:s2], [sflag:$0x1] =	stream.linear.gather [hbm4b:s31+s2], $0x80, $0x38;
	[tilespmem:$0x1FD80] =	vst v63  }
0x57: {  	_ = 	snop  }
0x58: {  	[tilespmem:s22], [sflag:$0x3] =	stream.linear.gather [hbm4b:s10+s2], $0x4000, $0x38;
	[tilespmem:$0x1FD80] =	vst v63  }
0x59: {  	_ = 	snop  }
0x5a: {  	[tilespmem:s23], [sflag:$0x2] =	stream.linear.gather [hbm4b:s11+s2], $0x80, $0x38;
	[tilespmem:$0x1FD80] =	vst v63  }
0x5b: {  	_ = 	snop  }
0x5c: {  	[tilespmem:s24], [sflag:$0x4] =	stream.linear.gather [hbm4b:s12+s2], $0x4000, $0x38;
	[tilespmem:$0x1FD80] =	vst v63  }
0x5d: {  	s3 =	simm.s32 $0x0;
	[bflag:$0x0] =	sbarrier.arrive $0xFFFF  }
.LBB2_2:
0x5e: {  	_ =	swait.ge [sflag:s25], $0x80  }
0x5f: {  	[sflag:s25] =	ssyncset.done $0x0  }
0x60: {  	[sflag:s25] =	ssyncadd.s32 $0xFFFFFF80  }
0x61: {  	_ =	swait.ge [sflag:s26], $0x4000  }
0x62: {  	[sflag:s26] =	ssyncset.done $0x0  }
0x63: {  	s31 =	simm.s32 $0x0;
	[sflag:s26] =	ssyncadd.s32 $0xFFFFC000  }
0x64: {  	v3 =	vld [tilespmem:s31+$0x500]  }
0x65: {  	v4 =	vld [tilespmem:s31+$0x180]  }
0x66: {  	v5 =	vld [tilespmem:s31+$0x200]  }
0x67: {  	v2 =	vld [tilespmem:s31+$0x280]  }
0x68: {  	v0 =	vld [tilespmem:s31+$0x300]  }
0x69: {  	v1 =	vld [tilespmem:s31+$0x380];
	[tilespmem:s31+$0x8500] =	vst v3  }
0x6a: {  	[tilespmem:s31+$0x8180] =	vst v4;
	v3 =	vld [tilespmem:s31+$0x400]  }
0x6b: {  	s6 =	simm.s32 $0x400;
	s7 =	simm.s32 $0x2000;
	[tilespmem:s31+$0x8200] =	vst v5;
	v4 =	vld [tilespmem:s31+$0x480]  }
.LBB2_3:
0x6c: {  	p0 =	sne.s32 s7, $0xF000;
	v5 =	vld [tilespmem:s6+$0x500];
	[tilespmem:s31+$0x8280] =	vst v2  }
0x6d: {  	v6 =	vld [tilespmem:s6+$0x180];
	[tilespmem:s31+$0x8300] =	vst v0  }
0x6e: {  	v7 =	vld [tilespmem:s6+$0x200];
	[tilespmem:s31+$0x8380] =	vst v1  }
.Ltmp2:
0x6f: {  	v2 =	vld [tilespmem:s6+$0x280];
	[tilespmem:s31+$0x8400] =	vst v3;
	(pc) =	sbr.rel @p0 .LBB2_3-.Ltmp2, $4  }
0x70: {  	v0 =	vld [tilespmem:s6+$0x300];
	[tilespmem:s31+$0x8480] =	vst v4;
	s31 =	smov.u32 s6  }
0x71: {  	v1 =	vld [tilespmem:s31+$0x380];
	[tilespmem:s31+$0x8500] =	vst v5  }
0x72: {  	[tilespmem:s31+$0x8180] =	vst v6;
	v3 =	vld [tilespmem:s31+$0x400]  }
0x73: {  	s6 =	sshra.s32 s7, $0x2;
	s7 =	sadd.s32 $0x1000, s7;
	[tilespmem:s31+$0x8200] =	vst v7;
	v4 =	vld [tilespmem:s31+$0x480]  }
0x74: {  	v5 =	vld [tilespmem:s6+$0x500];
	[tilespmem:s31+$0x8280] =	vst v2  }
0x75: {  	v2 =	vld [tilespmem:s6+$0x180];
	[tilespmem:s31+$0x8300] =	vst v0  }
0x76: {  	v0 =	vld [tilespmem:s6+$0x200];
	[tilespmem:s31+$0x8380] =	vst v1  }
0x77: {  	v1 =	vld [tilespmem:s6+$0x280];
	[tilespmem:s31+$0x8400] =	vst v3  }
0x78: {  	v3 =	vld [tilespmem:s6+$0x300];
	[tilespmem:s31+$0x8480] =	vst v4  }
0x79: {  	v4 =	vld [tilespmem:s6+$0x380];
	[tilespmem:s6+$0x8500] =	vst v5  }
0x7a: {  	[tilespmem:s6+$0x8180] =	vst v2;
	v2 =	vld [tilespmem:s6+$0x400]  }
0x7b: {  	[tilespmem:s6+$0x8200] =	vst v0;
	v0 =	vld [tilespmem:s6+$0x480]  }
0x7c: {  	[tilespmem:s6+$0x8280] =	vst v1  }
0x7d: {  	[tilespmem:s6+$0x8300] =	vst v3  }
0x7e: {  	[tilespmem:s6+$0x8380] =	vst v4  }
0x7f: {  	[tilespmem:s6+$0x8400] =	vst v2  }
0x80: {  	p0 =	seq.s32 s3, $0x4D;
	s31 =	sshll.u32 s3, $0x8;
	[tilespmem:s6+$0x8480] =	vst v0  }
0x81: {  	[spmem:s1] =	stream.indirect.scatter.add.f32 [tilespmem:s21], [sflag:$0x5], $0x80, s2, s23, $0xb8;
	[tilespmem:$0x1FD80] =	vst v63  }
0x82: {  	s6 =	sadd.s32 @!p0 s31, s13;
	_ =	swait.ge [sflag:s20], $0x4000  }
0x83: {  	s9 =	simm.s32 @!p0 $0x0;
	s7 =	sshrl.u32 @!p0 s6, $0x3;
	[sflag:s20] =	ssyncset.done $0x0  }
0x84: {  	s6 =	sshll.u32 @!p0 s6, $0x4;
	s7 =	sadd.s32 @!p0 s4, s7;
	[sflag:s20] =	ssyncadd.s32 $0xFFFFC000  }
0x85: {  	[tilespmem:s9], [sflag:$0x1] =	stream.linear.gather @!p0 [hbm4b:s7+s9], $0x80, $0x38;
	[tilespmem:$0x1FD80] =	vst v63  }
0x86: {  	s6 =	sadd.s32 @!p0 s5, s6;
	s7 =	simm.s32 @!p0 $0x180  }
0x87: {  	[tilespmem:s7], [sflag:$0x3] =	stream.linear.gather @!p0 [hbm4b:s6+s9], $0x4000, $0x38;
	[tilespmem:$0x1FD80] =	vst v63  }
0x88: {  	_ =	swait.ge [sflag:s28], $0x80  }
0x89: {  	[sflag:s28] =	ssyncset.done $0x0  }
0x8a: {  	[sflag:s28] =	ssyncadd.s32 $0xFFFFFF80  }
0x8b: {  	_ =	swait.ge [sflag:s29], $0x4000  }
0x8c: {  	[sflag:s29] =	ssyncset.done $0x0  }
0x8d: {  	s6 =	simm.s32 $0x0;
	[sflag:s29] =	ssyncadd.s32 $0xFFFFC000  }
0x8e: {  	v3 =	vld [tilespmem:s6+$0x4500]  }
0x8f: {  	v4 =	vld [tilespmem:s6+$0x4180]  }
0x90: {  	v5 =	vld [tilespmem:s6+$0x4200]  }
0x91: {  	v2 =	vld [tilespmem:s6+$0x4280]  }
0x92: {  	v0 =	vld [tilespmem:s6+$0x4300]  }
0x93: {  	v1 =	vld [tilespmem:s6+$0x4380];
	[tilespmem:s6+$0x8500] =	vst v3  }
0x94: {  	[tilespmem:s6+$0x8180] =	vst v4;
	v3 =	vld [tilespmem:s6+$0x4400]  }
0x95: {  	s7 =	simm.s32 $0x400;
	s9 =	simm.s32 $0x2000;
	[tilespmem:s6+$0x8200] =	vst v5;
	v4 =	vld [tilespmem:s6+$0x4480]  }
.LBB2_5:
0x96: {  	p1 =	sne.s32 s9, $0xF000;
	v5 =	vld [tilespmem:s7+$0x4500];
	[tilespmem:s6+$0x8280] =	vst v2  }
0x97: {  	v6 =	vld [tilespmem:s7+$0x4180];
	[tilespmem:s6+$0x8300] =	vst v0  }
0x98: {  	v7 =	vld [tilespmem:s7+$0x4200];
	[tilespmem:s6+$0x8380] =	vst v1  }
.Ltmp3:
0x99: {  	v2 =	vld [tilespmem:s7+$0x4280];
	[tilespmem:s6+$0x8400] =	vst v3;
	(pc) =	sbr.rel @p1 .LBB2_5-.Ltmp3, $4  }
0x9a: {  	v0 =	vld [tilespmem:s7+$0x4300];
	[tilespmem:s6+$0x8480] =	vst v4;
	s6 =	smov.u32 s7  }
0x9b: {  	v1 =	vld [tilespmem:s6+$0x4380];
	[tilespmem:s6+$0x8500] =	vst v5  }
0x9c: {  	[tilespmem:s6+$0x8180] =	vst v6;
	v3 =	vld [tilespmem:s6+$0x4400]  }
0x9d: {  	s7 =	sshra.s32 s9, $0x2;
	s9 =	sadd.s32 $0x1000, s9;
	[tilespmem:s6+$0x8200] =	vst v7;
	v4 =	vld [tilespmem:s6+$0x4480]  }
0x9e: {  	v5 =	vld [tilespmem:s7+$0x4500];
	[tilespmem:s6+$0x8280] =	vst v2  }
0x9f: {  	v2 =	vld [tilespmem:s7+$0x4180];
	[tilespmem:s6+$0x8300] =	vst v0  }
0xa0: {  	v0 =	vld [tilespmem:s7+$0x4200];
	[tilespmem:s6+$0x8380] =	vst v1  }
0xa1: {  	v1 =	vld [tilespmem:s7+$0x4280];
	[tilespmem:s6+$0x8400] =	vst v3  }
0xa2: {  	v3 =	vld [tilespmem:s7+$0x4300];
	[tilespmem:s6+$0x8480] =	vst v4  }
0xa3: {  	v4 =	vld [tilespmem:s7+$0x4380];
	[tilespmem:s7+$0x8500] =	vst v5  }
0xa4: {  	v62 =	vld [tilespmem:s7+$0x4400];
	[tilespmem:s7+$0x8180] =	vst v2  }
0xa5: {  	v63 =	vld [tilespmem:s7+$0x4480];
	[tilespmem:s7+$0x8200] =	vst v0  }
0xa6: {  	[tilespmem:s7+$0x8280] =	vst v1  }
0xa7: {  	[tilespmem:s7+$0x8300] =	vst v3  }
0xa8: {  	[tilespmem:s7+$0x8380] =	vst v4  }
0xa9: {  	[tilespmem:s7+$0x8400] =	vst v62  }
.Ltmp4:
0xaa: {  	[tilespmem:s7+$0x8480] =	vst v63;
	(pc) =	sbr.rel @p0 .LBB2_8-.Ltmp4, $4  }
0xab: {  	[spmem:s1] =	stream.indirect.scatter.add.f32 [tilespmem:s21], [sflag:$0x5], $0x80, s23, s23, $0xb8;
	[tilespmem:$0x1FD80] =	vst v63  }
0xac: {  	_ =	swait.ge [sflag:s20], $0x4000  }
0xad: {  	[sflag:s20] =	ssyncset.done $0x0  }
0xae: {  	[sflag:s20] =	ssyncadd.s32 $0xFFFFC000  }
0xaf: {  	s6 =	sadd.s32 s31, s14  }
.Ltmp5:
0xb0: {  	s7 =	sshrl.u32 s6, $0x3;
	(pc) =	sbr.rel .LBB2_2-.Ltmp5, $4  }
0xb1: {  	s6 =	sshll.u32 s6, $0x4;
	s7 =	sadd.s32 s4, s7  }
0xb2: {  	[tilespmem:s23], [sflag:$0x2] =	stream.linear.gather [hbm4b:s7+s2], $0x80, $0x38;
	[tilespmem:$0x1FD80] =	vst v63  }
0xb3: {  	s3 =	sadd.s32 $0x1, s3;
	s6 =	sadd.s32 s5, s6  }
0xb4: {  	[tilespmem:s24], [sflag:$0x4] =	stream.linear.gather [hbm4b:s6+s2], $0x4000, $0x38;
	[tilespmem:$0x1FD80] =	vst v63  }
.LBB2_9:
0xb5: {  	_ =	sfence.sel $0x180000  }
0xb6: {  	[bflag:$0x0] =	sbarrier.arrive $0xFFFF  }
0xb7: {  	_ =	strace $0x90000047  }
0xb8: {  	s0 =	stileid.u32;
	[bflag:$0x2] =	sbarrier.arrive $0xFFFF  }
0xb9: {  	p0 =	sne.s32 s0, $0x0;
	s0 =	rddreg [dreg:$0x2]  }
0xba: {  	s0 =	sadd.s32 @!p0 $0x100000, s0  }
0xbb: {  	[sflag:s0] =	ssyncadd.tile.s32 @!p0 $0x1;
	_ =	shalt  }
.Lfunc_end2:
_tile_overlayer_lowered:
.L_overlay_start_2:
0xbc: {  	(tag) =	ssettag $0x2  }
0xbd: {  	s0 =	rddreg [dreg:$0x0];
	s2 =	stileid.u32  }
0xbe: {  	s1 =	rddreg [dreg:$0x1];
	p0 =	sne.s32 s2, $0x0  }
0xbf: {  	s3 =	rddreg [dreg:$0x2];
	[bflag:$0x3] =	sbarrier.arrive $0xFFFF;
	s2 =	simm.s32 @!p0 $0x1C05  }
0xc0: {  	[timem:s3], [sflag:s2] =	dma.local @!p0 [hbm:s0], s1  }
0xc1: {  	s0 =	simm.s32 @!p0 $0x5  }
0xc2: {  	_ =	swait.ge @!p0 [sflag:s0], s1  }
0xc3: {  	s1 =	ssub.s32 @!p0 $0x0, s1;
	[sflag:s0] =	ssyncset.done @!p0 $0x0  }
0xc4: {  	[sflag:s0] =	ssyncadd.s32 @!p0 s1  }
0xc5: {  	[bflag:$0x3] =	sbarrier.arrive $0xFFFF  }
0xc6: {  	_ =	shalt  }

</sc_bundles>
